<compile_context>
chip_gen: v7x
topology: tpu7x:2x2x1
jax: 0.10.2.dev20260603
libtpu: 0.0.44.dev20260713+nightly
codegen_flags: <defaults>
</compile_context>

<pallas_src>
import functools

import jax
import jax.numpy as jnp
from jax import lax
from jax.experimental import pallas as pl
from jax.experimental.pallas import tpu as pltpu
from jax.experimental.pallas import tpu_sc as plsc

N_NODES = 100000
N_PAD = 102400
NC, NS = 2, 16
NW = NC * NS
E_TOTAL = 3200000
CH = 2000
L = 16
UNROLL = 5
E_A = 1536000
E_B = E_TOTAL - E_A

_SC_MESH = plsc.VectorSubcoreMesh(
    core_axis_name="c", subcore_axis_name="s", num_cores=NC, num_subcores=NS
)


def _k1_body(a_ref, w_ref, v_ref):
    v_ref[...] = jnp.sum(a_ref[...] * w_ref[...], axis=0)


def _k1(eaT, W, blk0, nblk):
    D = eaT.shape[0]
    BE = 128000
    return pl.pallas_call(
        _k1_body,
        grid=(nblk,),
        in_specs=[
            pl.BlockSpec((D, BE), lambda i: (0, i + blk0)),
            pl.BlockSpec((D, 1), lambda i: (0, 0)),
        ],
        out_specs=pl.BlockSpec((BE,), lambda i: (i,)),
        out_shape=jax.ShapeDtypeStruct((nblk * BE,), jnp.float32),
    )(eaT, W)


def _make_k2(e_half, seg_base):
    epw = e_half // NW
    nch = epw // CH

    def _k2_body(v_hbm, g_hbm, s32_hbm, s_tab,
                 v_ch0, v_ch1, g_ch0, g_ch1, sems):
        cid = lax.axis_index("c")
        sid = lax.axis_index("s")
        wid = cid * NS + sid
        vbase = wid * epw
        gbase = seg_base + vbase
        v_chs, g_chs = (v_ch0, v_ch1), (g_ch0, g_ch1)

        def start(k, slot):
            pltpu.async_copy(v_hbm.at[pl.ds(vbase + k * CH, CH)],
                             v_chs[slot], sems.at[slot])
            pltpu.async_copy(g_hbm.at[pl.ds(gbase + k * CH, CH)],
                             g_chs[slot], sems.at[2 + slot])

        def wait(k, slot):
            pltpu.make_async_copy(v_hbm.at[pl.ds(vbase + k * CH, CH)],
                                  v_chs[slot], sems.at[slot]).wait()
            pltpu.make_async_copy(g_hbm.at[pl.ds(gbase + k * CH, CH)],
                                  g_chs[slot], sems.at[2 + slot]).wait()

        def compute(slot):
            def inner(jj, _):
                for u in range(UNROLL):
                    j = jj * UNROLL + u
                    vv = v_chs[slot][pl.ds(j * L, L)]
                    ss = g_chs[slot][pl.ds(j * L, L)]
                    plsc.addupdate_scatter(s_tab, [ss], jnp.exp(vv))
                return 0

            lax.fori_loop(0, CH // L // UNROLL, inner, 0)

        start(0, 0)
        zero = jnp.zeros((L,), jnp.float32)

        def zloop(i, _):
            for u in range(8):
                s_tab[pl.ds((i * 8 + u) * L, L)] = zero
            return 0

        lax.fori_loop(0, N_PAD // L // 8, zloop, 0)

        def pair_loop(k2, _):
            k0 = 2 * k2
            start(k0 + 1, 1)
            wait(k0, 0)
            compute(0)

            @pl.when(k2 < nch // 2 - 1)
            def _():
                start(k0 + 2, 0)

            wait(k0 + 1, 1)
            compute(1)
            return 0

        lax.fori_loop(0, nch // 2, pair_loop, 0)
        pltpu.sync_copy(s_tab, s32_hbm.at[wid])

    return functools.partial(
        pl.kernel,
        _k2_body,
        out_type=jax.ShapeDtypeStruct((NW, N_PAD), jnp.float32),
        mesh=_SC_MESH,
        compiler_params=pltpu.CompilerParams(needs_layout_passes=False),
        scratch_types=[
            pltpu.VMEM((N_PAD,), jnp.float32),
            pltpu.VMEM((CH,), jnp.float32),
            pltpu.VMEM((CH,), jnp.float32),
            pltpu.VMEM((CH,), jnp.int32),
            pltpu.VMEM((CH,), jnp.int32),
            pltpu.SemaphoreType.DMA((4,)),
        ],
    )()


_k2a = _make_k2(E_A, 0)
_k2b = _make_k2(E_B, E_A)


def _k3_body(spa_ref, spb_ref, r_ref):
    s = jnp.sum(spa_ref[...], axis=0) + jnp.sum(spb_ref[...], axis=0)
    r_ref[...] = 1.0 / s


def _k3(spa, spb):
    NB = N_PAD // 4
    return pl.pallas_call(
        _k3_body,
        grid=(N_PAD // NB,),
        in_specs=[
            pl.BlockSpec((NW, NB), lambda i: (0, i)),
            pl.BlockSpec((NW, NB), lambda i: (0, i)),
        ],
        out_specs=pl.BlockSpec((NB,), lambda i: (i,)),
        out_shape=jax.ShapeDtypeStruct((N_PAD,), jnp.float32),
    )(spa, spb)


def _k4_body(va_hbm, vb_hbm, g_hbm, r_hbm, o_hbm,
             r_tab, v_ch0, v_ch1, g_ch0, g_ch1, o_ch0, o_ch1, sems):
    cid = lax.axis_index("c")
    sid = lax.axis_index("s")
    v_chs, g_chs, o_chs = (v_ch0, v_ch1), (g_ch0, g_ch1), (o_ch0, o_ch1)

    pltpu.sync_copy(r_hbm, r_tab)

    def run_half(v_hbm, epw, seg_base):
        nch = epw // CH
        vbase = sid * epw
        gbase = seg_base + vbase

        def start(k, slot):
            pltpu.async_copy(v_hbm.at[pl.ds(vbase + k * CH, CH)],
                             v_chs[slot], sems.at[slot])
            pltpu.async_copy(g_hbm.at[pl.ds(gbase + k * CH, CH)],
                             g_chs[slot], sems.at[2 + slot])

        def wait(k, slot):
            pltpu.make_async_copy(v_hbm.at[pl.ds(vbase + k * CH, CH)],
                                  v_chs[slot], sems.at[slot]).wait()
            pltpu.make_async_copy(g_hbm.at[pl.ds(gbase + k * CH, CH)],
                                  g_chs[slot], sems.at[2 + slot]).wait()

        def store_start(k, slot):
            pltpu.async_copy(o_chs[slot], o_hbm.at[pl.ds(gbase + k * CH, CH)],
                             sems.at[4 + slot])

        def store_wait(k, slot):
            pltpu.make_async_copy(o_chs[slot],
                                  o_hbm.at[pl.ds(gbase + k * CH, CH)],
                                  sems.at[4 + slot]).wait()

        def compute(slot):
            def inner(jj, _):
                for u in range(UNROLL):
                    j = jj * UNROLL + u
                    vv = v_chs[slot][pl.ds(j * L, L)]
                    ss = g_chs[slot][pl.ds(j * L, L)]
                    rv = plsc.load_gather(r_tab, [ss])
                    o_chs[slot][pl.ds(j * L, L)] = jnp.exp(vv) * rv
                return 0

            lax.fori_loop(0, CH // L // UNROLL, inner, 0)

        start(0, 0)

        def pair_loop(k2, _):
            k0 = 2 * k2
            start(k0 + 1, 1)
            wait(k0, 0)

            @pl.when(k2 > 0)
            def _():
                store_wait(k0 - 2, 0)

            compute(0)
            store_start(k0, 0)

            @pl.when(k2 < nch // 2 - 1)
            def _():
                start(k0 + 2, 0)

            wait(k0 + 1, 1)

            @pl.when(k2 > 0)
            def _():
                store_wait(k0 - 1, 1)

            compute(1)
            store_start(k0 + 1, 1)
            return 0

        lax.fori_loop(0, nch // 2, pair_loop, 0)
        store_wait(nch - 2, 0)
        store_wait(nch - 1, 1)

    @pl.when(cid == 0)
    def _():
        run_half(va_hbm, E_A // NS, 0)

    @pl.when(cid == 1)
    def _():
        run_half(vb_hbm, E_B // NS, E_A)


_k4 = functools.partial(
    pl.kernel,
    _k4_body,
    out_type=jax.ShapeDtypeStruct((E_TOTAL,), jnp.float32),
    mesh=_SC_MESH,
    compiler_params=pltpu.CompilerParams(needs_layout_passes=False),
    scratch_types=[
        pltpu.VMEM((N_PAD,), jnp.float32),
        pltpu.VMEM((CH,), jnp.float32),
        pltpu.VMEM((CH,), jnp.float32),
        pltpu.VMEM((CH,), jnp.int32),
        pltpu.VMEM((CH,), jnp.int32),
        pltpu.VMEM((CH,), jnp.float32),
        pltpu.VMEM((CH,), jnp.float32),
        pltpu.SemaphoreType.DMA((6,)),
    ],
)()


def kernel(edge_attr, edge_index, W, b):
    seg = edge_index[0]
    eaT = edge_attr.T
    va = _k1(eaT, W, 0, E_A // 128000)
    vb = _k1(eaT, W, E_A // 128000, E_B // 128000)
    spa = _k2a(va, seg)
    spb = _k2b(vb, seg)
    r = _k3(spa, spb)
    out = _k4(va, vb, seg, r)
    return out[:, None]

# --- scband reference (transcript-rebuilt; emitter-appended) ---
"""Pipeline reference for scband-strategy-model-30365418782902 (READ-ONLY COPY).

The authoritative reference and input builder live on the scoring server;
editing this copy changes nothing except your own understanding.
"""

import jax, jax.numpy as jnp
import numpy as np

N_NODES = 100000
N_EDGES = 3200000
D_EDGE = 16
SUM_CONSTRAINT = 1.0


def setup_inputs(seed: int = 0) -> dict:
    key = jax.random.key(seed)
    k1, k2, k3 = jax.random.split(key, 3)
    edge_attr = jax.random.normal(k1, (N_EDGES, D_EDGE), dtype=jnp.float32)
    edge_index = jax.random.randint(k2, (2, N_EDGES), 0, N_NODES, dtype=jnp.int32)
    # Learned parameters of the concrete _strategise head (linear: d_edge -> 1)
    W = jax.random.normal(k3, (D_EDGE, 1), dtype=jnp.float32) * 0.1
    b = jnp.zeros((1,), dtype=jnp.float32)
    return {"edge_attr": edge_attr, "edge_index": edge_index, "W": W, "b": b}


def reference(edge_attr, edge_index, W, b):
    # _strategise: per-edge scalar value from edge features
    values = edge_attr @ W + b  # [E, 1]
    # constraint == 'sum': scatter_softmax over segments given by edge_index[0],
    # scaled by constraint_args (the per-agent budget)
    seg = edge_index[0]
    v = values[:, 0]
    m = jax.ops.segment_max(v, seg, num_segments=N_NODES)
    m_safe = jnp.where(jnp.isneginf(m), 0.0, m)
    e = jnp.exp(v - m_safe[seg])
    s = jax.ops.segment_sum(e, seg, num_segments=N_NODES)
    soft = e / s[seg]
    votes = (soft * SUM_CONSTRAINT)[:, None]  # [E, 1]
    return votes

if __name__ == "__main__":
    import jax
    _d = setup_inputs()
    print(jax.jit(kernel)(*tuple(_d.values())))

</pallas_src>

<mosaic_0001>
#map = affine_map<(d0, d1) -> (0)>
#map1 = affine_map<(d0, d1) -> (0, 0)>
module attributes {stable_mosaic.version = 14 : i64} {
  func.func @_k2_body(%arg0: i32, %arg1: i32, %arg2: memref<1536000xf32, #tpu.memory_space<hbm>>, %arg3: memref<3200000xi32, #tpu.memory_space<hbm>>, %arg4: memref<32x102400xf32, #tpu.memory_space<hbm>>, %arg5: memref<102400xf32, #tpu.memory_space<vmem>>, %arg6: memref<2000xf32, #tpu.memory_space<vmem>>, %arg7: memref<2000xf32, #tpu.memory_space<vmem>>, %arg8: memref<2000xi32, #tpu.memory_space<vmem>>, %arg9: memref<2000xi32, #tpu.memory_space<vmem>>, %arg10: memref<4x!tpu.dma_semaphore, #tpu.memory_space<semaphore_mem>>) attributes {dimension_semantics = [#tpu.dimension_semantics<core_parallel>, #tpu.dimension_semantics<subcore_parallel>], iteration_bounds = array<i64: 2, 16>, scalar_prefetch = 0 : i64, scratch_operands = 6 : i64, tpu.core_type = #tpu.core_type<sc_vector_subcore>, window_params = [{transform_indices = #map}, {transform_indices = #map}, {transform_indices = #map1}]} {
    %mul3A = arith.constant 16 : i32
    %mul3A_0 = arith.muli %arg0, %mul3A : i32
    %add3A = arith.addi %mul3A_0, %arg1 : i32
    %mul3A_1 = arith.constant 48000 : i32
    %mul3A_2 = arith.muli %add3A, %mul3A_1 : i32
    %add3A_3 = arith.constant 0 : i32
    %add3A_4 = arith.addi %add3A_3, %mul3A_2 : i32
    %add3A_5 = arith.constant 0 : i32
    %add3A_6 = arith.addi %mul3A_2, %add3A_5 : i32
    %dma_start3A = arith.constant 0 : i32
    %dma_start3A_7 = tpu.memref_slice %arg2[%add3A_6] : memref<1536000xf32, #tpu.memory_space<hbm>> -> memref<2000xf32, #tpu.memory_space<hbm>>
    %dma_start3A_8 = tpu.memref_slice %arg10[%dma_start3A] : memref<4x!tpu.dma_semaphore, #tpu.memory_space<semaphore_mem>> -> memref<1x!tpu.dma_semaphore, #tpu.memory_space<semaphore_mem>>
    %dma_start3A_9 = tpu.memref_squeeze %dma_start3A_8 : memref<1x!tpu.dma_semaphore, #tpu.memory_space<semaphore_mem>> -> memref<!tpu.dma_semaphore, #tpu.memory_space<semaphore_mem>>
    %dma_start3A_10 = tpu.memref_slice %arg2[%add3A_6] : memref<1536000xf32, #tpu.memory_space<hbm>> -> memref<2000xf32, #tpu.memory_space<hbm>>
    tpu.enqueue_dma source(%dma_start3A_10 : memref<2000xf32, #tpu.memory_space<hbm>>) target(%arg6 : memref<2000xf32, #tpu.memory_space<vmem>>) target_semaphore(%dma_start3A_9 : memref<!tpu.dma_semaphore, #tpu.memory_space<semaphore_mem>>)
    %add3A_11 = arith.constant 0 : i32
    %add3A_12 = arith.addi %add3A_4, %add3A_11 : i32
    %dma_start3A_13 = arith.constant 2 : i32
    %dma_start3A_14 = tpu.memref_slice %arg3[%add3A_12] : memref<3200000xi32, #tpu.memory_space<hbm>> -> memref<2000xi32, #tpu.memory_space<hbm>>
    %dma_start3A_15 = tpu.memref_slice %arg10[%dma_start3A_13] : memref<4x!tpu.dma_semaphore, #tpu.memory_space<semaphore_mem>> -> memref<1x!tpu.dma_semaphore, #tpu.memory_space<semaphore_mem>>
    %dma_start3A_16 = tpu.memref_squeeze %dma_start3A_15 : memref<1x!tpu.dma_semaphore, #tpu.memory_space<semaphore_mem>> -> memref<!tpu.dma_semaphore, #tpu.memory_space<semaphore_mem>>
    %dma_start3A_17 = tpu.memref_slice %arg3[%add3A_12] : memref<3200000xi32, #tpu.memory_space<hbm>> -> memref<2000xi32, #tpu.memory_space<hbm>>
    tpu.enqueue_dma source(%dma_start3A_17 : memref<2000xi32, #tpu.memory_space<hbm>>) target(%arg8 : memref<2000xi32, #tpu.memory_space<vmem>>) target_semaphore(%dma_start3A_16 : memref<!tpu.dma_semaphore, #tpu.memory_space<semaphore_mem>>)
    %broadcast_in_dim3A = arith.constant 0.000000e+00 : f32
    %broadcast_in_dim3A_18 = vector.broadcast %broadcast_in_dim3A : f32 to vector<16xf32>
    %scan3A = arith.constant 0 : i32
    %scan3A_19 = arith.constant 0 : i32
    %scan3A_20 = arith.constant 800 : i32
    %scan3A_21 = arith.addi %scan3A_19, %scan3A_20 : i32
    %scan3A_22 = arith.constant 1 : i32
    %scan3A_23 = scf.for %scan3A_32 = %scan3A_19 to %scan3A_21 step %scan3A_22 iter_args(%scan3A_33 = %scan3A) -> (i32)  : i32 {
      %mul3A_34 = arith.constant 8 : i32
      %mul3A_35 = arith.muli %scan3A_32, %mul3A_34 : i32
      %add3A_36 = arith.constant 0 : i32
      %add3A_37 = arith.addi %mul3A_35, %add3A_36 : i32
      %mul3A_38 = arith.constant 16 : i32
      %mul3A_39 = arith.muli %add3A_37, %mul3A_38 : i32
      %swap3A = arith.index_cast %mul3A_39 : i32 to index
      %swap3A_40 = tpu.vector_load %arg5[%swap3A] {strides = array<i32>} : memref<102400xf32, #tpu.memory_space<vmem>>, vector<16xf32>,
      tpu.vector_store %arg5[%swap3A], %broadcast_in_dim3A_18 {strides = array<i32>} : memref<102400xf32, #tpu.memory_space<vmem>>, vector<16xf32>,
      %mul3A_41 = arith.constant 8 : i32
      %mul3A_42 = arith.muli %scan3A_32, %mul3A_41 : i32
      %add3A_43 = arith.constant 1 : i32
      %add3A_44 = arith.addi %mul3A_42, %add3A_43 : i32
      %mul3A_45 = arith.constant 16 : i32
      %mul3A_46 = arith.muli %add3A_44, %mul3A_45 : i32
      %swap3A_47 = arith.index_cast %mul3A_46 : i32 to index
      %swap3A_48 = tpu.vector_load %arg5[%swap3A_47] {strides = array<i32>} : memref<102400xf32, #tpu.memory_space<vmem>>, vector<16xf32>,
      tpu.vector_store %arg5[%swap3A_47], %broadcast_in_dim3A_18 {strides = array<i32>} : memref<102400xf32, #tpu.memory_space<vmem>>, vector<16xf32>,
      %mul3A_49 = arith.constant 8 : i32
      %mul3A_50 = arith.muli %scan3A_32, %mul3A_49 : i32
      %add3A_51 = arith.constant 2 : i32
      %add3A_52 = arith.addi %mul3A_50, %add3A_51 : i32
      %mul3A_53 = arith.constant 16 : i32
      %mul3A_54 = arith.muli %add3A_52, %mul3A_53 : i32
      %swap3A_55 = arith.index_cast %mul3A_54 : i32 to index
      %swap3A_56 = tpu.vector_load %arg5[%swap3A_55] {strides = array<i32>} : memref<102400xf32, #tpu.memory_space<vmem>>, vector<16xf32>,
      tpu.vector_store %arg5[%swap3A_55], %broadcast_in_dim3A_18 {strides = array<i32>} : memref<102400xf32, #tpu.memory_space<vmem>>, vector<16xf32>,
      %mul3A_57 = arith.constant 8 : i32
      %mul3A_58 = arith.muli %scan3A_32, %mul3A_57 : i32
      %add3A_59 = arith.constant 3 : i32
      %add3A_60 = arith.addi %mul3A_58, %add3A_59 : i32
      %mul3A_61 = arith.constant 16 : i32
      %mul3A_62 = arith.muli %add3A_60, %mul3A_61 : i32
      %swap3A_63 = arith.index_cast %mul3A_62 : i32 to index
      %swap3A_64 = tpu.vector_load %arg5[%swap3A_63] {strides = array<i32>} : memref<102400xf32, #tpu.memory_space<vmem>>, vector<16xf32>,
      tpu.vector_store %arg5[%swap3A_63], %broadcast_in_dim3A_18 {strides = array<i32>} : memref<102400xf32, #tpu.memory_space<vmem>>, vector<16xf32>,
      %mul3A_65 = arith.constant 8 : i32
      %mul3A_66 = arith.muli %scan3A_32, %mul3A_65 : i32
      %add3A_67 = arith.constant 4 : i32
      %add3A_68 = arith.addi %mul3A_66, %add3A_67 : i32
      %mul3A_69 = arith.constant 16 : i32
      %mul3A_70 = arith.muli %add3A_68, %mul3A_69 : i32
      %swap3A_71 = arith.index_cast %mul3A_70 : i32 to index
      %swap3A_72 = tpu.vector_load %arg5[%swap3A_71] {strides = array<i32>} : memref<102400xf32, #tpu.memory_space<vmem>>, vector<16xf32>,
      tpu.vector_store %arg5[%swap3A_71], %broadcast_in_dim3A_18 {strides = array<i32>} : memref<102400xf32, #tpu.memory_space<vmem>>, vector<16xf32>,
      %mul3A_73 = arith.constant 8 : i32
      %mul3A_74 = arith.muli %scan3A_32, %mul3A_73 : i32
      %add3A_75 = arith.constant 5 : i32
      %add3A_76 = arith.addi %mul3A_74, %add3A_75 : i32
      %mul3A_77 = arith.constant 16 : i32
      %mul3A_78 = arith.muli %add3A_76, %mul3A_77 : i32
      %swap3A_79 = arith.index_cast %mul3A_78 : i32 to index
      %swap3A_80 = tpu.vector_load %arg5[%swap3A_79] {strides = array<i32>} : memref<102400xf32, #tpu.memory_space<vmem>>, vector<16xf32>,
      tpu.vector_store %arg5[%swap3A_79], %broadcast_in_dim3A_18 {strides = array<i32>} : memref<102400xf32, #tpu.memory_space<vmem>>, vector<16xf32>,
      %mul3A_81 = arith.constant 8 : i32
      %mul3A_82 = arith.muli %scan3A_32, %mul3A_81 : i32
      %add3A_83 = arith.constant 6 : i32
      %add3A_84 = arith.addi %mul3A_82, %add3A_83 : i32
      %mul3A_85 = arith.constant 16 : i32
      %mul3A_86 = arith.muli %add3A_84, %mul3A_85 : i32
      %swap3A_87 = arith.index_cast %mul3A_86 : i32 to index
      %swap3A_88 = tpu.vector_load %arg5[%swap3A_87] {strides = array<i32>} : memref<102400xf32, #tpu.memory_space<vmem>>, vector<16xf32>,
      tpu.vector_store %arg5[%swap3A_87], %broadcast_in_dim3A_18 {strides = array<i32>} : memref<102400xf32, #tpu.memory_space<vmem>>, vector<16xf32>,
      %mul3A_89 = arith.constant 8 : i32
      %mul3A_90 = arith.muli %scan3A_32, %mul3A_89 : i32
      %add3A_91 = arith.constant 7 : i32
      %add3A_92 = arith.addi %mul3A_90, %add3A_91 : i32
      %mul3A_93 = arith.constant 16 : i32
      %mul3A_94 = arith.muli %add3A_92, %mul3A_93 : i32
      %swap3A_95 = arith.index_cast %mul3A_94 : i32 to index
      %swap3A_96 = tpu.vector_load %arg5[%swap3A_95] {strides = array<i32>} : memref<102400xf32, #tpu.memory_space<vmem>>, vector<16xf32>,
      tpu.vector_store %arg5[%swap3A_95], %broadcast_in_dim3A_18 {strides = array<i32>} : memref<102400xf32, #tpu.memory_space<vmem>>, vector<16xf32>,
      %scan3A_97 = arith.constant 0 : i32
      scf.yield %scan3A_97 : i32
    }
    %scan3A_24 = arith.constant 800 : i32
    %scan3A_25 = arith.constant 0 : i32
    %scan3A_26 = arith.constant 0 : i32
    %scan3A_27 = arith.constant 12 : i32
    %scan3A_28 = arith.addi %scan3A_26, %scan3A_27 : i32
    %scan3A_29 = arith.constant 1 : i32
    %scan3A_30 = scf.for %scan3A_32 = %scan3A_26 to %scan3A_28 step %scan3A_29 iter_args(%scan3A_33 = %scan3A_25) -> (i32)  : i32 {
      %mul3A_34 = arith.constant 2 : i32
      %mul3A_35 = arith.muli %mul3A_34, %scan3A_32 : i32
      %add3A_36 = arith.constant 1 : i32
      %add3A_37 = arith.addi %mul3A_35, %add3A_36 : i32
      %mul3A_38 = arith.constant 2000 : i32
      %mul3A_39 = arith.muli %add3A_37, %mul3A_38 : i32
      %add3A_40 = arith.addi %mul3A_2, %mul3A_39 : i32
      %dma_start3A_41 = arith.constant 1 : i32
      %dma_start3A_42 = tpu.memref_slice %arg2[%add3A_40] : memref<1536000xf32, #tpu.memory_space<hbm>> -> memref<2000xf32, #tpu.memory_space<hbm>>
      %dma_start3A_43 = tpu.memref_slice %arg10[%dma_start3A_41] : memref<4x!tpu.dma_semaphore, #tpu.memory_space<semaphore_mem>> -> memref<1x!tpu.dma_semaphore, #tpu.memory_space<semaphore_mem>>
      %dma_start3A_44 = tpu.memref_squeeze %dma_start3A_43 : memref<1x!tpu.dma_semaphore, #tpu.memory_space<semaphore_mem>> -> memref<!tpu.dma_semaphore, #tpu.memory_space<semaphore_mem>>
      %dma_start3A_45 = tpu.memref_slice %arg2[%add3A_40] : memref<1536000xf32, #tpu.memory_space<hbm>> -> memref<2000xf32, #tpu.memory_space<hbm>>
      tpu.enqueue_dma source(%dma_start3A_45 : memref<2000xf32, #tpu.memory_space<hbm>>) target(%arg7 : memref<2000xf32, #tpu.memory_space<vmem>>) target_semaphore(%dma_start3A_44 : memref<!tpu.dma_semaphore, #tpu.memory_space<semaphore_mem>>)
      %mul3A_46 = arith.constant 2000 : i32
      %mul3A_47 = arith.muli %add3A_37, %mul3A_46 : i32
      %add3A_48 = arith.addi %add3A_4, %mul3A_47 : i32
      %dma_start3A_49 = arith.constant 3 : i32
      %dma_start3A_50 = tpu.memref_slice %arg3[%add3A_48] : memref<3200000xi32, #tpu.memory_space<hbm>> -> memref<2000xi32, #tpu.memory_space<hbm>>
      %dma_start3A_51 = tpu.memref_slice %arg10[%dma_start3A_49] : memref<4x!tpu.dma_semaphore, #tpu.memory_space<semaphore_mem>> -> memref<1x!tpu.dma_semaphore, #tpu.memory_space<semaphore_mem>>
      %dma_start3A_52 = tpu.memref_squeeze %dma_start3A_51 : memref<1x!tpu.dma_semaphore, #tpu.memory_space<semaphore_mem>> -> memref<!tpu.dma_semaphore, #tpu.memory_space<semaphore_mem>>
      %dma_start3A_53 = tpu.memref_slice %arg3[%add3A_48] : memref<3200000xi32, #tpu.memory_space<hbm>> -> memref<2000xi32, #tpu.memory_space<hbm>>
      tpu.enqueue_dma source(%dma_start3A_53 : memref<2000xi32, #tpu.memory_space<hbm>>) target(%arg9 : memref<2000xi32, #tpu.memory_space<vmem>>) target_semaphore(%dma_start3A_52 : memref<!tpu.dma_semaphore, #tpu.memory_space<semaphore_mem>>)
      %mul3A_54 = arith.constant 2000 : i32
      %mul3A_55 = arith.muli %mul3A_35, %mul3A_54 : i32
      %add3A_56 = arith.addi %mul3A_2, %mul3A_55 : i32
      %dma_wait3A = arith.constant 0 : i32
      %dma_wait3A_57 = tpu.memref_slice %arg2[%add3A_56] : memref<1536000xf32, #tpu.memory_space<hbm>> -> memref<2000xf32, #tpu.memory_space<hbm>>
      %dma_wait3A_58 = tpu.memref_slice %arg10[%dma_wait3A] : memref<4x!tpu.dma_semaphore, #tpu.memory_space<semaphore_mem>> -> memref<1x!tpu.dma_semaphore, #tpu.memory_space<semaphore_mem>>
      %dma_wait3A_59 = tpu.memref_squeeze %dma_wait3A_58 : memref<1x!tpu.dma_semaphore, #tpu.memory_space<semaphore_mem>> -> memref<!tpu.dma_semaphore, #tpu.memory_space<semaphore_mem>>
      %dma_wait3A_60 = tpu.memref_slice %arg2[%add3A_56] : memref<1536000xf32, #tpu.memory_space<hbm>> -> memref<2000xf32, #tpu.memory_space<hbm>>
      tpu.wait_dma2 semaphore(%dma_wait3A_59 : memref<!tpu.dma_semaphore, #tpu.memory_space<semaphore_mem>>) src(%dma_wait3A_60 : memref<2000xf32, #tpu.memory_space<hbm>>) dst(%arg6 : memref<2000xf32, #tpu.memory_space<vmem>>)
      %mul3A_61 = arith.constant 2000 : i32
      %mul3A_62 = arith.muli %mul3A_35, %mul3A_61 : i32
      %add3A_63 = arith.addi %add3A_4, %mul3A_62 : i32
      %dma_wait3A_64 = arith.constant 2 : i32
      %dma_wait3A_65 = tpu.memref_slice %arg3[%add3A_63] : memref<3200000xi32, #tpu.memory_space<hbm>> -> memref<2000xi32, #tpu.memory_space<hbm>>
      %dma_wait3A_66 = tpu.memref_slice %arg10[%dma_wait3A_64] : memref<4x!tpu.dma_semaphore, #tpu.memory_space<semaphore_mem>> -> memref<1x!tpu.dma_semaphore, #tpu.memory_space<semaphore_mem>>
      %dma_wait3A_67 = tpu.memref_squeeze %dma_wait3A_66 : memref<1x!tpu.dma_semaphore, #tpu.memory_space<semaphore_mem>> -> memref<!tpu.dma_semaphore, #tpu.memory_space<semaphore_mem>>
      %dma_wait3A_68 = tpu.memref_slice %arg3[%add3A_63] : memref<3200000xi32, #tpu.memory_space<hbm>> -> memref<2000xi32, #tpu.memory_space<hbm>>
      tpu.wait_dma2 semaphore(%dma_wait3A_67 : memref<!tpu.dma_semaphore, #tpu.memory_space<semaphore_mem>>) src(%dma_wait3A_68 : memref<2000xi32, #tpu.memory_space<hbm>>) dst(%arg8 : memref<2000xi32, #tpu.memory_space<vmem>>)
      %scan3A_69 = arith.constant 0 : i32
      %scan3A_70 = arith.constant 0 : i32
      %scan3A_71 = arith.constant 25 : i32
      %scan3A_72 = arith.addi %scan3A_70, %scan3A_71 : i32
      %scan3A_73 = arith.constant 1 : i32
      %scan3A_74 = scf.for %scan3A_104 = %scan3A_70 to %scan3A_72 step %scan3A_73 iter_args(%scan3A_105 = %scan3A_69) -> (i32)  : i32 {
        %mul3A_106 = arith.constant 5 : i32
        %mul3A_107 = arith.muli %scan3A_104, %mul3A_106 : i32
        %add3A_108 = arith.constant 0 : i32
        %add3A_109 = arith.addi %mul3A_107, %add3A_108 : i32
        %mul3A_110 = arith.constant 16 : i32
        %mul3A_111 = arith.muli %add3A_109, %mul3A_110 : i32
        %get3A = arith.index_cast %mul3A_111 : i32 to index
        %get3A_112 = tpu.vector_load %arg6[%get3A] {strides = array<i32>} : memref<2000xf32, #tpu.memory_space<vmem>>, vector<16xf32>,
        %mul3A_113 = arith.constant 16 : i32
        %mul3A_114 = arith.muli %add3A_109, %mul3A_113 : i32
        %get3A_115 = arith.index_cast %mul3A_114 : i32 to index
        %get3A_116 = tpu.vector_load %arg8[%get3A_115] {strides = array<i32>} : memref<2000xi32, #tpu.memory_space<vmem>>, vector<16xi32>,
        %exp3A = math.exp %get3A_112 : vector<16xf32>
        tpu.vector_store_idx %arg5[%get3A_116], %exp3A {add = true} : memref<102400xf32, #tpu.memory_space<vmem>>[vector<16xi32>], vector<16xf32>,
        %mul3A_117 = arith.constant 5 : i32
        %mul3A_118 = arith.muli %scan3A_104, %mul3A_117 : i32
        %add3A_119 = arith.constant 1 : i32
        %add3A_120 = arith.addi %mul3A_118, %add3A_119 : i32
        %mul3A_121 = arith.constant 16 : i32
        %mul3A_122 = arith.muli %add3A_120, %mul3A_121 : i32
        %get3A_123 = arith.index_cast %mul3A_122 : i32 to index
        %get3A_124 = tpu.vector_load %arg6[%get3A_123] {strides = array<i32>} : memref<2000xf32, #tpu.memory_space<vmem>>, vector<16xf32>,
        %mul3A_125 = arith.constant 16 : i32
        %mul3A_126 = arith.muli %add3A_120, %mul3A_125 : i32
        %get3A_127 = arith.index_cast %mul3A_126 : i32 to index
        %get3A_128 = tpu.vector_load %arg8[%get3A_127] {strides = array<i32>} : memref<2000xi32, #tpu.memory_space<vmem>>, vector<16xi32>,
        %exp3A_129 = math.exp %get3A_124 : vector<16xf32>
        tpu.vector_store_idx %arg5[%get3A_128], %exp3A_129 {add = true} : memref<102400xf32, #tpu.memory_space<vmem>>[vector<16xi32>], vector<16xf32>,
        %mul3A_130 = arith.constant 5 : i32
        %mul3A_131 = arith.muli %scan3A_104, %mul3A_130 : i32
        %add3A_132 = arith.constant 2 : i32
        %add3A_133 = arith.addi %mul3A_131, %add3A_132 : i32
        %mul3A_134 = arith.constant 16 : i32
        %mul3A_135 = arith.muli %add3A_133, %mul3A_134 : i32
        %get3A_136 = arith.index_cast %mul3A_135 : i32 to index
        %get3A_137 = tpu.vector_load %arg6[%get3A_136] {strides = array<i32>} : memref<2000xf32, #tpu.memory_space<vmem>>, vector<16xf32>,
        %mul3A_138 = arith.constant 16 : i32
        %mul3A_139 = arith.muli %add3A_133, %mul3A_138 : i32
        %get3A_140 = arith.index_cast %mul3A_139 : i32 to index
        %get3A_141 = tpu.vector_load %arg8[%get3A_140] {strides = array<i32>} : memref<2000xi32, #tpu.memory_space<vmem>>, vector<16xi32>,
        %exp3A_142 = math.exp %get3A_137 : vector<16xf32>
        tpu.vector_store_idx %arg5[%get3A_141], %exp3A_142 {add = true} : memref<102400xf32, #tpu.memory_space<vmem>>[vector<16xi32>], vector<16xf32>,
        %mul3A_143 = arith.constant 5 : i32
        %mul3A_144 = arith.muli %scan3A_104, %mul3A_143 : i32
        %add3A_145 = arith.constant 3 : i32
        %add3A_146 = arith.addi %mul3A_144, %add3A_145 : i32
        %mul3A_147 = arith.constant 16 : i32
        %mul3A_148 = arith.muli %add3A_146, %mul3A_147 : i32
        %get3A_149 = arith.index_cast %mul3A_148 : i32 to index
        %get3A_150 = tpu.vector_load %arg6[%get3A_149] {strides = array<i32>} : memref<2000xf32, #tpu.memory_space<vmem>>, vector<16xf32>,
        %mul3A_151 = arith.constant 16 : i32
        %mul3A_152 = arith.muli %add3A_146, %mul3A_151 : i32
        %get3A_153 = arith.index_cast %mul3A_152 : i32 to index
        %get3A_154 = tpu.vector_load %arg8[%get3A_153] {strides = array<i32>} : memref<2000xi32, #tpu.memory_space<vmem>>, vector<16xi32>,
        %exp3A_155 = math.exp %get3A_150 : vector<16xf32>
        tpu.vector_store_idx %arg5[%get3A_154], %exp3A_155 {add = true} : memref<102400xf32, #tpu.memory_space<vmem>>[vector<16xi32>], vector<16xf32>,
        %mul3A_156 = arith.constant 5 : i32
        %mul3A_157 = arith.muli %scan3A_104, %mul3A_156 : i32
        %add3A_158 = arith.constant 4 : i32
        %add3A_159 = arith.addi %mul3A_157, %add3A_158 : i32
        %mul3A_160 = arith.constant 16 : i32
        %mul3A_161 = arith.muli %add3A_159, %mul3A_160 : i32
        %get3A_162 = arith.index_cast %mul3A_161 : i32 to index
        %get3A_163 = tpu.vector_load %arg6[%get3A_162] {strides = array<i32>} : memref<2000xf32, #tpu.memory_space<vmem>>, vector<16xf32>,
        %mul3A_164 = arith.constant 16 : i32
        %mul3A_165 = arith.muli %add3A_159, %mul3A_164 : i32
        %get3A_166 = arith.index_cast %mul3A_165 : i32 to index
        %get3A_167 = tpu.vector_load %arg8[%get3A_166] {strides = array<i32>} : memref<2000xi32, #tpu.memory_space<vmem>>, vector<16xi32>,
        %exp3A_168 = math.exp %get3A_163 : vector<16xf32>
        tpu.vector_store_idx %arg5[%get3A_167], %exp3A_168 {add = true} : memref<102400xf32, #tpu.memory_space<vmem>>[vector<16xi32>], vector<16xf32>,
        %scan3A_169 = arith.constant 0 : i32
        scf.yield %scan3A_169 : i32
      }
      %scan3A_75 = arith.constant 25 : i32
      %lt3A = arith.constant 11 : i32
      %lt3A_76 = arith.cmpi slt, %scan3A_32, %lt3A : i32
      %convert_element_type3A = arith.extui %lt3A_76 : i1 to i32
      %cond3A = arith.constant 0 : i32
      %cond3A_77 = arith.cmpi ne, %convert_element_type3A, %cond3A : i32
      scf.if %cond3A_77 {
        %add3A_104 = arith.constant 2 : i32
        %add3A_105 = arith.addi %mul3A_35, %add3A_104 : i32
        %mul3A_106 = arith.constant 2000 : i32
        %mul3A_107 = arith.muli %add3A_105, %mul3A_106 : i32
        %add3A_108 = arith.addi %mul3A_2, %mul3A_107 : i32
        %dma_start3A_109 = arith.constant 0 : i32
        %dma_start3A_110 = tpu.memref_slice %arg2[%add3A_108] : memref<1536000xf32, #tpu.memory_space<hbm>> -> memref<2000xf32, #tpu.memory_space<hbm>>
        %dma_start3A_111 = tpu.memref_slice %arg10[%dma_start3A_109] : memref<4x!tpu.dma_semaphore, #tpu.memory_space<semaphore_mem>> -> memref<1x!tpu.dma_semaphore, #tpu.memory_space<semaphore_mem>>
        %dma_start3A_112 = tpu.memref_squeeze %dma_start3A_111 : memref<1x!tpu.dma_semaphore, #tpu.memory_space<semaphore_mem>> -> memref<!tpu.dma_semaphore, #tpu.memory_space<semaphore_mem>>
        %dma_start3A_113 = tpu.memref_slice %arg2[%add3A_108] : memref<1536000xf32, #tpu.memory_space<hbm>> -> memref<2000xf32, #tpu.memory_space<hbm>>
        tpu.enqueue_dma source(%dma_start3A_113 : memref<2000xf32, #tpu.memory_space<hbm>>) target(%arg6 : memref<2000xf32, #tpu.memory_space<vmem>>) target_semaphore(%dma_start3A_112 : memref<!tpu.dma_semaphore, #tpu.memory_space<semaphore_mem>>)
        %mul3A_114 = arith.constant 2000 : i32
        %mul3A_115 = arith.muli %add3A_105, %mul3A_114 : i32
        %add3A_116 = arith.addi %add3A_4, %mul3A_115 : i32
        %dma_start3A_117 = arith.constant 2 : i32
        %dma_start3A_118 = tpu.memref_slice %arg3[%add3A_116] : memref<3200000xi32, #tpu.memory_space<hbm>> -> memref<2000xi32, #tpu.memory_space<hbm>>
        %dma_start3A_119 = tpu.memref_slice %arg10[%dma_start3A_117] : memref<4x!tpu.dma_semaphore, #tpu.memory_space<semaphore_mem>> -> memref<1x!tpu.dma_semaphore, #tpu.memory_space<semaphore_mem>>
        %dma_start3A_120 = tpu.memref_squeeze %dma_start3A_119 : memref<1x!tpu.dma_semaphore, #tpu.memory_space<semaphore_mem>> -> memref<!tpu.dma_semaphore, #tpu.memory_space<semaphore_mem>>
        %dma_start3A_121 = tpu.memref_slice %arg3[%add3A_116] : memref<3200000xi32, #tpu.memory_space<hbm>> -> memref<2000xi32, #tpu.memory_space<hbm>>
        tpu.enqueue_dma source(%dma_start3A_121 : memref<2000xi32, #tpu.memory_space<hbm>>) target(%arg8 : memref<2000xi32, #tpu.memory_space<vmem>>) target_semaphore(%dma_start3A_120 : memref<!tpu.dma_semaphore, #tpu.memory_space<semaphore_mem>>)
      } else {
      }
      %add3A_78 = arith.constant 1 : i32
      %add3A_79 = arith.addi %mul3A_35, %add3A_78 : i32
      %mul3A_80 = arith.constant 2000 : i32
      %mul3A_81 = arith.muli %add3A_79, %mul3A_80 : i32
      %add3A_82 = arith.addi %mul3A_2, %mul3A_81 : i32
      %dma_wait3A_83 = arith.constant 1 : i32
      %dma_wait3A_84 = tpu.memref_slice %arg2[%add3A_82] : memref<1536000xf32, #tpu.memory_space<hbm>> -> memref<2000xf32, #tpu.memory_space<hbm>>
      %dma_wait3A_85 = tpu.memref_slice %arg10[%dma_wait3A_83] : memref<4x!tpu.dma_semaphore, #tpu.memory_space<semaphore_mem>> -> memref<1x!tpu.dma_semaphore, #tpu.memory_space<semaphore_mem>>
      %dma_wait3A_86 = tpu.memref_squeeze %dma_wait3A_85 : memref<1x!tpu.dma_semaphore, #tpu.memory_space<semaphore_mem>> -> memref<!tpu.dma_semaphore, #tpu.memory_space<semaphore_mem>>
      %dma_wait3A_87 = tpu.memref_slice %arg2[%add3A_82] : memref<1536000xf32, #tpu.memory_space<hbm>> -> memref<2000xf32, #tpu.memory_space<hbm>>
      tpu.wait_dma2 semaphore(%dma_wait3A_86 : memref<!tpu.dma_semaphore, #tpu.memory_space<semaphore_mem>>) src(%dma_wait3A_87 : memref<2000xf32, #tpu.memory_space<hbm>>) dst(%arg7 : memref<2000xf32, #tpu.memory_space<vmem>>)
      %mul3A_88 = arith.constant 2000 : i32
      %mul3A_89 = arith.muli %add3A_79, %mul3A_88 : i32
      %add3A_90 = arith.addi %add3A_4, %mul3A_89 : i32
      %dma_wait3A_91 = arith.constant 3 : i32
      %dma_wait3A_92 = tpu.memref_slice %arg3[%add3A_90] : memref<3200000xi32, #tpu.memory_space<hbm>> -> memref<2000xi32, #tpu.memory_space<hbm>>
      %dma_wait3A_93 = tpu.memref_slice %arg10[%dma_wait3A_91] : memref<4x!tpu.dma_semaphore, #tpu.memory_space<semaphore_mem>> -> memref<1x!tpu.dma_semaphore, #tpu.memory_space<semaphore_mem>>
      %dma_wait3A_94 = tpu.memref_squeeze %dma_wait3A_93 : memref<1x!tpu.dma_semaphore, #tpu.memory_space<semaphore_mem>> -> memref<!tpu.dma_semaphore, #tpu.memory_space<semaphore_mem>>
      %dma_wait3A_95 = tpu.memref_slice %arg3[%add3A_90] : memref<3200000xi32, #tpu.memory_space<hbm>> -> memref<2000xi32, #tpu.memory_space<hbm>>
      tpu.wait_dma2 semaphore(%dma_wait3A_94 : memref<!tpu.dma_semaphore, #tpu.memory_space<semaphore_mem>>) src(%dma_wait3A_95 : memref<2000xi32, #tpu.memory_space<hbm>>) dst(%arg9 : memref<2000xi32, #tpu.memory_space<vmem>>)
      %scan3A_96 = arith.constant 0 : i32
      %scan3A_97 = arith.constant 0 : i32
      %scan3A_98 = arith.constant 25 : i32
      %scan3A_99 = arith.addi %scan3A_97, %scan3A_98 : i32
      %scan3A_100 = arith.constant 1 : i32
      %scan3A_101 = scf.for %scan3A_104 = %scan3A_97 to %scan3A_99 step %scan3A_100 iter_args(%scan3A_105 = %scan3A_96) -> (i32)  : i32 {
        %mul3A_106 = arith.constant 5 : i32
        %mul3A_107 = arith.muli %scan3A_104, %mul3A_106 : i32
        %add3A_108 = arith.constant 0 : i32
        %add3A_109 = arith.addi %mul3A_107, %add3A_108 : i32
        %mul3A_110 = arith.constant 16 : i32
        %mul3A_111 = arith.muli %add3A_109, %mul3A_110 : i32
        %get3A = arith.index_cast %mul3A_111 : i32 to index
        %get3A_112 = tpu.vector_load %arg7[%get3A] {strides = array<i32>} : memref<2000xf32, #tpu.memory_space<vmem>>, vector<16xf32>,
        %mul3A_113 = arith.constant 16 : i32
        %mul3A_114 = arith.muli %add3A_109, %mul3A_113 : i32
        %get3A_115 = arith.index_cast %mul3A_114 : i32 to index
        %get3A_116 = tpu.vector_load %arg9[%get3A_115] {strides = array<i32>} : memref<2000xi32, #tpu.memory_space<vmem>>, vector<16xi32>,
        %exp3A = math.exp %get3A_112 : vector<16xf32>
        tpu.vector_store_idx %arg5[%get3A_116], %exp3A {add = true} : memref<102400xf32, #tpu.memory_space<vmem>>[vector<16xi32>], vector<16xf32>,
        %mul3A_117 = arith.constant 5 : i32
        %mul3A_118 = arith.muli %scan3A_104, %mul3A_117 : i32
        %add3A_119 = arith.constant 1 : i32
        %add3A_120 = arith.addi %mul3A_118, %add3A_119 : i32
        %mul3A_121 = arith.constant 16 : i32
        %mul3A_122 = arith.muli %add3A_120, %mul3A_121 : i32
        %get3A_123 = arith.index_cast %mul3A_122 : i32 to index
        %get3A_124 = tpu.vector_load %arg7[%get3A_123] {strides = array<i32>} : memref<2000xf32, #tpu.memory_space<vmem>>, vector<16xf32>,
        %mul3A_125 = arith.constant 16 : i32
        %mul3A_126 = arith.muli %add3A_120, %mul3A_125 : i32
        %get3A_127 = arith.index_cast %mul3A_126 : i32 to index
        %get3A_128 = tpu.vector_load %arg9[%get3A_127] {strides = array<i32>} : memref<2000xi32, #tpu.memory_space<vmem>>, vector<16xi32>,
        %exp3A_129 = math.exp %get3A_124 : vector<16xf32>
        tpu.vector_store_idx %arg5[%get3A_128], %exp3A_129 {add = true} : memref<102400xf32, #tpu.memory_space<vmem>>[vector<16xi32>], vector<16xf32>,
        %mul3A_130 = arith.constant 5 : i32
        %mul3A_131 = arith.muli %scan3A_104, %mul3A_130 : i32
        %add3A_132 = arith.constant 2 : i32
        %add3A_133 = arith.addi %mul3A_131, %add3A_132 : i32
        %mul3A_134 = arith.constant 16 : i32
        %mul3A_135 = arith.muli %add3A_133, %mul3A_134 : i32
        %get3A_136 = arith.index_cast %mul3A_135 : i32 to index
        %get3A_137 = tpu.vector_load %arg7[%get3A_136] {strides = array<i32>} : memref<2000xf32, #tpu.memory_space<vmem>>, vector<16xf32>,
        %mul3A_138 = arith.constant 16 : i32
        %mul3A_139 = arith.muli %add3A_133, %mul3A_138 : i32
        %get3A_140 = arith.index_cast %mul3A_139 : i32 to index
        %get3A_141 = tpu.vector_load %arg9[%get3A_140] {strides = array<i32>} : memref<2000xi32, #tpu.memory_space<vmem>>, vector<16xi32>,
        %exp3A_142 = math.exp %get3A_137 : vector<16xf32>
        tpu.vector_store_idx %arg5[%get3A_141], %exp3A_142 {add = true} : memref<102400xf32, #tpu.memory_space<vmem>>[vector<16xi32>], vector<16xf32>,
        %mul3A_143 = arith.constant 5 : i32
        %mul3A_144 = arith.muli %scan3A_104, %mul3A_143 : i32
        %add3A_145 = arith.constant 3 : i32
        %add3A_146 = arith.addi %mul3A_144, %add3A_145 : i32
        %mul3A_147 = arith.constant 16 : i32
        %mul3A_148 = arith.muli %add3A_146, %mul3A_147 : i32
        %get3A_149 = arith.index_cast %mul3A_148 : i32 to index
        %get3A_150 = tpu.vector_load %arg7[%get3A_149] {strides = array<i32>} : memref<2000xf32, #tpu.memory_space<vmem>>, vector<16xf32>,
        %mul3A_151 = arith.constant 16 : i32
        %mul3A_152 = arith.muli %add3A_146, %mul3A_151 : i32
        %get3A_153 = arith.index_cast %mul3A_152 : i32 to index
        %get3A_154 = tpu.vector_load %arg9[%get3A_153] {strides = array<i32>} : memref<2000xi32, #tpu.memory_space<vmem>>, vector<16xi32>,
        %exp3A_155 = math.exp %get3A_150 : vector<16xf32>
        tpu.vector_store_idx %arg5[%get3A_154], %exp3A_155 {add = true} : memref<102400xf32, #tpu.memory_space<vmem>>[vector<16xi32>], vector<16xf32>,
        %mul3A_156 = arith.constant 5 : i32
        %mul3A_157 = arith.muli %scan3A_104, %mul3A_156 : i32
        %add3A_158 = arith.constant 4 : i32
        %add3A_159 = arith.addi %mul3A_157, %add3A_158 : i32
        %mul3A_160 = arith.constant 16 : i32
        %mul3A_161 = arith.muli %add3A_159, %mul3A_160 : i32
        %get3A_162 = arith.index_cast %mul3A_161 : i32 to index
        %get3A_163 = tpu.vector_load %arg7[%get3A_162] {strides = array<i32>} : memref<2000xf32, #tpu.memory_space<vmem>>, vector<16xf32>,
        %mul3A_164 = arith.constant 16 : i32
        %mul3A_165 = arith.muli %add3A_159, %mul3A_164 : i32
        %get3A_166 = arith.index_cast %mul3A_165 : i32 to index
        %get3A_167 = tpu.vector_load %arg9[%get3A_166] {strides = array<i32>} : memref<2000xi32, #tpu.memory_space<vmem>>, vector<16xi32>,
        %exp3A_168 = math.exp %get3A_163 : vector<16xf32>
        tpu.vector_store_idx %arg5[%get3A_167], %exp3A_168 {add = true} : memref<102400xf32, #tpu.memory_space<vmem>>[vector<16xi32>], vector<16xf32>,
        %scan3A_169 = arith.constant 0 : i32
        scf.yield %scan3A_169 : i32
      }
      %scan3A_102 = arith.constant 25 : i32
      %scan3A_103 = arith.constant 0 : i32
      scf.yield %scan3A_103 : i32
    }
    %scan3A_31 = arith.constant 12 : i32
    "tpu.region"() ({
      %run_scoped3A = tpu.sem_alloc : memref<!tpu.dma_semaphore, #tpu.memory_space<semaphore_mem>>
      %dma_start3A_32 = arith.constant 0 : i32
      %dma_start3A_33 = tpu.memref_slice %arg4[%add3A, %dma_start3A_32] : memref<32x102400xf32, #tpu.memory_space<hbm>> -> memref<1x102400xf32, #tpu.memory_space<hbm>>
      %dma_start3A_34 = tpu.memref_squeeze %dma_start3A_33 : memref<1x102400xf32, #tpu.memory_space<hbm>> -> memref<102400xf32, #tpu.memory_space<hbm>>
      %dma_start3A_35 = arith.constant 0 : i32
      %dma_start3A_36 = tpu.memref_slice %arg4[%add3A, %dma_start3A_35] : memref<32x102400xf32, #tpu.memory_space<hbm>> -> memref<1x102400xf32, #tpu.memory_space<hbm>>
      %dma_start3A_37 = tpu.memref_squeeze %dma_start3A_36 : memref<1x102400xf32, #tpu.memory_space<hbm>> -> memref<102400xf32, #tpu.memory_space<hbm>>
      tpu.enqueue_dma source(%arg5 : memref<102400xf32, #tpu.memory_space<vmem>>) target(%dma_start3A_37 : memref<102400xf32, #tpu.memory_space<hbm>>) target_semaphore(%run_scoped3A : memref<!tpu.dma_semaphore, #tpu.memory_space<semaphore_mem>>)
      %dma_wait3A = arith.constant 0 : i32
      %dma_wait3A_38 = tpu.memref_slice %arg4[%add3A, %dma_wait3A] : memref<32x102400xf32, #tpu.memory_space<hbm>> -> memref<1x102400xf32, #tpu.memory_space<hbm>>
      %dma_wait3A_39 = tpu.memref_squeeze %dma_wait3A_38 : memref<1x102400xf32, #tpu.memory_space<hbm>> -> memref<102400xf32, #tpu.memory_space<hbm>>
      %dma_wait3A_40 = arith.constant 0 : i32
      %dma_wait3A_41 = tpu.memref_slice %arg4[%add3A, %dma_wait3A_40] : memref<32x102400xf32, #tpu.memory_space<hbm>> -> memref<1x102400xf32, #tpu.memory_space<hbm>>
      %dma_wait3A_42 = tpu.memref_squeeze %dma_wait3A_41 : memref<1x102400xf32, #tpu.memory_space<hbm>> -> memref<102400xf32, #tpu.memory_space<hbm>>
      tpu.wait_dma2 semaphore(%run_scoped3A : memref<!tpu.dma_semaphore, #tpu.memory_space<semaphore_mem>>) src(%arg5 : memref<102400xf32, #tpu.memory_space<vmem>>) dst(%dma_wait3A_42 : memref<102400xf32, #tpu.memory_space<hbm>>)
      tpu.yield
    }) : () -> ()
    return
  }
}

#map = affine_map<(d0, d1) -> (0)>
module attributes {stable_mosaic.version = 14 : i64} {
  func.func @_k4_body(%arg0: i32, %arg1: i32, %arg2: memref<1536000xf32, #tpu.memory_space<hbm>>, %arg3: memref<1664000xf32, #tpu.memory_space<hbm>>, %arg4: memref<3200000xi32, #tpu.memory_space<hbm>>, %arg5: memref<102400xf32, #tpu.memory_space<hbm>>, %arg6: memref<3200000xf32, #tpu.memory_space<hbm>>, %arg7: memref<102400xf32, #tpu.memory_space<vmem>>, %arg8: memref<2000xf32, #tpu.memory_space<vmem>>, %arg9: memref<2000xf32, #tpu.memory_space<vmem>>, %arg10: memref<2000xi32, #tpu.memory_space<vmem>>, %arg11: memref<2000xi32, #tpu.memory_space<vmem>>, %arg12: memref<2000xf32, #tpu.memory_space<vmem>>, %arg13: memref<2000xf32, #tpu.memory_space<vmem>>, %arg14: memref<6x!tpu.dma_semaphore, #tpu.memory_space<semaphore_mem>>) attributes {dimension_semantics = [#tpu.dimension_semantics<core_parallel>, #tpu.dimension_semantics<subcore_parallel>], iteration_bounds = array<i64: 2, 16>, scalar_prefetch = 0 : i64, scratch_operands = 8 : i64, tpu.core_type = #tpu.core_type<sc_vector_subcore>, window_params = [{transform_indices = #map}, {transform_indices = #map}, {transform_indices = #map}, {transform_indices = #map}, {transform_indices = #map}]} {
    "tpu.region"() ({
      %run_scoped3A = tpu.sem_alloc : memref<!tpu.dma_semaphore, #tpu.memory_space<semaphore_mem>>
      tpu.enqueue_dma source(%arg5 : memref<102400xf32, #tpu.memory_space<hbm>>) target(%arg7 : memref<102400xf32, #tpu.memory_space<vmem>>) target_semaphore(%run_scoped3A : memref<!tpu.dma_semaphore, #tpu.memory_space<semaphore_mem>>)
      tpu.wait_dma2 semaphore(%run_scoped3A : memref<!tpu.dma_semaphore, #tpu.memory_space<semaphore_mem>>) src(%arg5 : memref<102400xf32, #tpu.memory_space<hbm>>) dst(%arg7 : memref<102400xf32, #tpu.memory_space<vmem>>)
      tpu.yield
    }) : () -> ()
    %eq3A = arith.constant 0 : i32
    %eq3A_0 = arith.cmpi eq, %arg0, %eq3A : i32
    %convert_element_type3A = arith.extui %eq3A_0 : i1 to i32
    %cond3A = arith.constant 0 : i32
    %cond3A_1 = arith.cmpi ne, %convert_element_type3A, %cond3A : i32
    scf.if %cond3A_1 {
      %mul3A = arith.constant 96000 : i32
      %mul3A_7 = arith.muli %arg1, %mul3A : i32
      %add3A = arith.constant 0 : i32
      %add3A_8 = arith.addi %add3A, %mul3A_7 : i32
      %add3A_9 = arith.constant 0 : i32
      %add3A_10 = arith.addi %mul3A_7, %add3A_9 : i32
      %dma_start3A = arith.constant 0 : i32
      %dma_start3A_11 = tpu.memref_slice %arg2[%add3A_10] : memref<1536000xf32, #tpu.memory_space<hbm>> -> memref<2000xf32, #tpu.memory_space<hbm>>
      %dma_start3A_12 = tpu.memref_slice %arg14[%dma_start3A] : memref<6x!tpu.dma_semaphore, #tpu.memory_space<semaphore_mem>> -> memref<1x!tpu.dma_semaphore, #tpu.memory_space<semaphore_mem>>
      %dma_start3A_13 = tpu.memref_squeeze %dma_start3A_12 : memref<1x!tpu.dma_semaphore, #tpu.memory_space<semaphore_mem>> -> memref<!tpu.dma_semaphore, #tpu.memory_space<semaphore_mem>>
      %dma_start3A_14 = tpu.memref_slice %arg2[%add3A_10] : memref<1536000xf32, #tpu.memory_space<hbm>> -> memref<2000xf32, #tpu.memory_space<hbm>>
      tpu.enqueue_dma source(%dma_start3A_14 : memref<2000xf32, #tpu.memory_space<hbm>>) target(%arg8 : memref<2000xf32, #tpu.memory_space<vmem>>) target_semaphore(%dma_start3A_13 : memref<!tpu.dma_semaphore, #tpu.memory_space<semaphore_mem>>)
      %add3A_15 = arith.constant 0 : i32
      %add3A_16 = arith.addi %add3A_8, %add3A_15 : i32
      %dma_start3A_17 = arith.constant 2 : i32
      %dma_start3A_18 = tpu.memref_slice %arg4[%add3A_16] : memref<3200000xi32, #tpu.memory_space<hbm>> -> memref<2000xi32, #tpu.memory_space<hbm>>
      %dma_start3A_19 = tpu.memref_slice %arg14[%dma_start3A_17] : memref<6x!tpu.dma_semaphore, #tpu.memory_space<semaphore_mem>> -> memref<1x!tpu.dma_semaphore, #tpu.memory_space<semaphore_mem>>
      %dma_start3A_20 = tpu.memref_squeeze %dma_start3A_19 : memref<1x!tpu.dma_semaphore, #tpu.memory_space<semaphore_mem>> -> memref<!tpu.dma_semaphore, #tpu.memory_space<semaphore_mem>>
      %dma_start3A_21 = tpu.memref_slice %arg4[%add3A_16] : memref<3200000xi32, #tpu.memory_space<hbm>> -> memref<2000xi32, #tpu.memory_space<hbm>>
      tpu.enqueue_dma source(%dma_start3A_21 : memref<2000xi32, #tpu.memory_space<hbm>>) target(%arg10 : memref<2000xi32, #tpu.memory_space<vmem>>) target_semaphore(%dma_start3A_20 : memref<!tpu.dma_semaphore, #tpu.memory_space<semaphore_mem>>)
      %scan3A = arith.constant 0 : i32
      %scan3A_22 = arith.constant 0 : i32
      %scan3A_23 = arith.constant 24 : i32
      %scan3A_24 = arith.addi %scan3A_22, %scan3A_23 : i32
      %scan3A_25 = arith.constant 1 : i32
      %scan3A_26 = scf.for %scan3A_41 = %scan3A_22 to %scan3A_24 step %scan3A_25 iter_args(%scan3A_42 = %scan3A) -> (i32)  : i32 {
        %mul3A_43 = arith.constant 2 : i32
        %mul3A_44 = arith.muli %mul3A_43, %scan3A_41 : i32
        %add3A_45 = arith.constant 1 : i32
        %add3A_46 = arith.addi %mul3A_44, %add3A_45 : i32
        %mul3A_47 = arith.constant 2000 : i32
        %mul3A_48 = arith.muli %add3A_46, %mul3A_47 : i32
        %add3A_49 = arith.addi %mul3A_7, %mul3A_48 : i32
        %dma_start3A_50 = arith.constant 1 : i32
        %dma_start3A_51 = tpu.memref_slice %arg2[%add3A_49] : memref<1536000xf32, #tpu.memory_space<hbm>> -> memref<2000xf32, #tpu.memory_space<hbm>>
        %dma_start3A_52 = tpu.memref_slice %arg14[%dma_start3A_50] : memref<6x!tpu.dma_semaphore, #tpu.memory_space<semaphore_mem>> -> memref<1x!tpu.dma_semaphore, #tpu.memory_space<semaphore_mem>>
        %dma_start3A_53 = tpu.memref_squeeze %dma_start3A_52 : memref<1x!tpu.dma_semaphore, #tpu.memory_space<semaphore_mem>> -> memref<!tpu.dma_semaphore, #tpu.memory_space<semaphore_mem>>
        %dma_start3A_54 = tpu.memref_slice %arg2[%add3A_49] : memref<1536000xf32, #tpu.memory_space<hbm>> -> memref<2000xf32, #tpu.memory_space<hbm>>
        tpu.enqueue_dma source(%dma_start3A_54 : memref<2000xf32, #tpu.memory_space<hbm>>) target(%arg9 : memref<2000xf32, #tpu.memory_space<vmem>>) target_semaphore(%dma_start3A_53 : memref<!tpu.dma_semaphore, #tpu.memory_space<semaphore_mem>>)
        %mul3A_55 = arith.constant 2000 : i32
        %mul3A_56 = arith.muli %add3A_46, %mul3A_55 : i32
        %add3A_57 = arith.addi %add3A_8, %mul3A_56 : i32
        %dma_start3A_58 = arith.constant 3 : i32
        %dma_start3A_59 = tpu.memref_slice %arg4[%add3A_57] : memref<3200000xi32, #tpu.memory_space<hbm>> -> memref<2000xi32, #tpu.memory_space<hbm>>
        %dma_start3A_60 = tpu.memref_slice %arg14[%dma_start3A_58] : memref<6x!tpu.dma_semaphore, #tpu.memory_space<semaphore_mem>> -> memref<1x!tpu.dma_semaphore, #tpu.memory_space<semaphore_mem>>
        %dma_start3A_61 = tpu.memref_squeeze %dma_start3A_60 : memref<1x!tpu.dma_semaphore, #tpu.memory_space<semaphore_mem>> -> memref<!tpu.dma_semaphore, #tpu.memory_space<semaphore_mem>>
        %dma_start3A_62 = tpu.memref_slice %arg4[%add3A_57] : memref<3200000xi32, #tpu.memory_space<hbm>> -> memref<2000xi32, #tpu.memory_space<hbm>>
        tpu.enqueue_dma source(%dma_start3A_62 : memref<2000xi32, #tpu.memory_space<hbm>>) target(%arg11 : memref<2000xi32, #tpu.memory_space<vmem>>) target_semaphore(%dma_start3A_61 : memref<!tpu.dma_semaphore, #tpu.memory_space<semaphore_mem>>)
        %mul3A_63 = arith.constant 2000 : i32
        %mul3A_64 = arith.muli %mul3A_44, %mul3A_63 : i32
        %add3A_65 = arith.addi %mul3A_7, %mul3A_64 : i32
        %dma_wait3A_66 = arith.constant 0 : i32
        %dma_wait3A_67 = tpu.memref_slice %arg2[%add3A_65] : memref<1536000xf32, #tpu.memory_space<hbm>> -> memref<2000xf32, #tpu.memory_space<hbm>>
        %dma_wait3A_68 = tpu.memref_slice %arg14[%dma_wait3A_66] : memref<6x!tpu.dma_semaphore, #tpu.memory_space<semaphore_mem>> -> memref<1x!tpu.dma_semaphore, #tpu.memory_space<semaphore_mem>>
        %dma_wait3A_69 = tpu.memref_squeeze %dma_wait3A_68 : memref<1x!tpu.dma_semaphore, #tpu.memory_space<semaphore_mem>> -> memref<!tpu.dma_semaphore, #tpu.memory_space<semaphore_mem>>
        %dma_wait3A_70 = tpu.memref_slice %arg2[%add3A_65] : memref<1536000xf32, #tpu.memory_space<hbm>> -> memref<2000xf32, #tpu.memory_space<hbm>>
        tpu.wait_dma2 semaphore(%dma_wait3A_69 : memref<!tpu.dma_semaphore, #tpu.memory_space<semaphore_mem>>) src(%dma_wait3A_70 : memref<2000xf32, #tpu.memory_space<hbm>>) dst(%arg8 : memref<2000xf32, #tpu.memory_space<vmem>>)
        %mul3A_71 = arith.constant 2000 : i32
        %mul3A_72 = arith.muli %mul3A_44, %mul3A_71 : i32
        %add3A_73 = arith.addi %add3A_8, %mul3A_72 : i32
        %dma_wait3A_74 = arith.constant 2 : i32
        %dma_wait3A_75 = tpu.memref_slice %arg4[%add3A_73] : memref<3200000xi32, #tpu.memory_space<hbm>> -> memref<2000xi32, #tpu.memory_space<hbm>>
        %dma_wait3A_76 = tpu.memref_slice %arg14[%dma_wait3A_74] : memref<6x!tpu.dma_semaphore, #tpu.memory_space<semaphore_mem>> -> memref<1x!tpu.dma_semaphore, #tpu.memory_space<semaphore_mem>>
        %dma_wait3A_77 = tpu.memref_squeeze %dma_wait3A_76 : memref<1x!tpu.dma_semaphore, #tpu.memory_space<semaphore_mem>> -> memref<!tpu.dma_semaphore, #tpu.memory_space<semaphore_mem>>
        %dma_wait3A_78 = tpu.memref_slice %arg4[%add3A_73] : memref<3200000xi32, #tpu.memory_space<hbm>> -> memref<2000xi32, #tpu.memory_space<hbm>>
        tpu.wait_dma2 semaphore(%dma_wait3A_77 : memref<!tpu.dma_semaphore, #tpu.memory_space<semaphore_mem>>) src(%dma_wait3A_78 : memref<2000xi32, #tpu.memory_space<hbm>>) dst(%arg10 : memref<2000xi32, #tpu.memory_space<vmem>>)
        %gt3A = arith.constant 0 : i32
        %gt3A_79 = arith.cmpi sgt, %scan3A_41, %gt3A : i32
        %convert_element_type3A_80 = arith.extui %gt3A_79 : i1 to i32
        %cond3A_81 = arith.constant 0 : i32
        %cond3A_82 = arith.cmpi ne, %convert_element_type3A_80, %cond3A_81 : i32
        scf.if %cond3A_82 {
          %sub3A = arith.constant 2 : i32
          %sub3A_143 = arith.subi %mul3A_44, %sub3A : i32
          %mul3A_144 = arith.constant 2000 : i32
          %mul3A_145 = arith.muli %sub3A_143, %mul3A_144 : i32
          %add3A_146 = arith.addi %add3A_8, %mul3A_145 : i32
          %dma_wait3A_147 = arith.constant 4 : i32
          %dma_wait3A_148 = tpu.memref_slice %arg6[%add3A_146] : memref<3200000xf32, #tpu.memory_space<hbm>> -> memref<2000xf32, #tpu.memory_space<hbm>>
          %dma_wait3A_149 = tpu.memref_slice %arg14[%dma_wait3A_147] : memref<6x!tpu.dma_semaphore, #tpu.memory_space<semaphore_mem>> -> memref<1x!tpu.dma_semaphore, #tpu.memory_space<semaphore_mem>>
          %dma_wait3A_150 = tpu.memref_squeeze %dma_wait3A_149 : memref<1x!tpu.dma_semaphore, #tpu.memory_space<semaphore_mem>> -> memref<!tpu.dma_semaphore, #tpu.memory_space<semaphore_mem>>
          %dma_wait3A_151 = tpu.memref_slice %arg6[%add3A_146] : memref<3200000xf32, #tpu.memory_space<hbm>> -> memref<2000xf32, #tpu.memory_space<hbm>>
          tpu.wait_dma2 semaphore(%dma_wait3A_150 : memref<!tpu.dma_semaphore, #tpu.memory_space<semaphore_mem>>) src(%arg12 : memref<2000xf32, #tpu.memory_space<vmem>>) dst(%dma_wait3A_151 : memref<2000xf32, #tpu.memory_space<hbm>>)
        } else {
        }
        %scan3A_83 = arith.constant 0 : i32
        %scan3A_84 = arith.constant 0 : i32
        %scan3A_85 = arith.constant 25 : i32
        %scan3A_86 = arith.addi %scan3A_84, %scan3A_85 : i32
        %scan3A_87 = arith.constant 1 : i32
        %scan3A_88 = scf.for %scan3A_143 = %scan3A_84 to %scan3A_86 step %scan3A_87 iter_args(%scan3A_144 = %scan3A_83) -> (i32)  : i32 {
          %mul3A_145 = arith.constant 5 : i32
          %mul3A_146 = arith.muli %scan3A_143, %mul3A_145 : i32
          %add3A_147 = arith.constant 0 : i32
          %add3A_148 = arith.addi %mul3A_146, %add3A_147 : i32
          %mul3A_149 = arith.constant 16 : i32
          %mul3A_150 = arith.muli %add3A_148, %mul3A_149 : i32
          %get3A = arith.index_cast %mul3A_150 : i32 to index
          %get3A_151 = tpu.vector_load %arg8[%get3A] {strides = array<i32>} : memref<2000xf32, #tpu.memory_space<vmem>>, vector<16xf32>,
          %mul3A_152 = arith.constant 16 : i32
          %mul3A_153 = arith.muli %add3A_148, %mul3A_152 : i32
          %get3A_154 = arith.index_cast %mul3A_153 : i32 to index
          %get3A_155 = tpu.vector_load %arg10[%get3A_154] {strides = array<i32>} : memref<2000xi32, #tpu.memory_space<vmem>>, vector<16xi32>,
          %gather3A = tpu.vector_load_idx %arg7[%get3A_155] : memref<102400xf32, #tpu.memory_space<vmem>>[vector<16xi32>], vector<16xf32>,
          %exp3A = math.exp %get3A_151 : vector<16xf32>
          %mul3A_156 = arith.mulf %exp3A, %gather3A : vector<16xf32>
          %mul3A_157 = arith.constant 16 : i32
          %mul3A_158 = arith.muli %add3A_148, %mul3A_157 : i32
          %swap3A = arith.index_cast %mul3A_158 : i32 to index
          %swap3A_159 = tpu.vector_load %arg12[%swap3A] {strides = array<i32>} : memref<2000xf32, #tpu.memory_space<vmem>>, vector<16xf32>,
          tpu.vector_store %arg12[%swap3A], %mul3A_156 {strides = array<i32>} : memref<2000xf32, #tpu.memory_space<vmem>>, vector<16xf32>,
          %mul3A_160 = arith.constant 5 : i32
          %mul3A_161 = arith.muli %scan3A_143, %mul3A_160 : i32
          %add3A_162 = arith.constant 1 : i32
          %add3A_163 = arith.addi %mul3A_161, %add3A_162 : i32
          %mul3A_164 = arith.constant 16 : i32
          %mul3A_165 = arith.muli %add3A_163, %mul3A_164 : i32
          %get3A_166 = arith.index_cast %mul3A_165 : i32 to index
          %get3A_167 = tpu.vector_load %arg8[%get3A_166] {strides = array<i32>} : memref<2000xf32, #tpu.memory_space<vmem>>, vector<16xf32>,
          %mul3A_168 = arith.constant 16 : i32
          %mul3A_169 = arith.muli %add3A_163, %mul3A_168 : i32
          %get3A_170 = arith.index_cast %mul3A_169 : i32 to index
          %get3A_171 = tpu.vector_load %arg10[%get3A_170] {strides = array<i32>} : memref<2000xi32, #tpu.memory_space<vmem>>, vector<16xi32>,
          %gather3A_172 = tpu.vector_load_idx %arg7[%get3A_171] : memref<102400xf32, #tpu.memory_space<vmem>>[vector<16xi32>], vector<16xf32>,
          %exp3A_173 = math.exp %get3A_167 : vector<16xf32>
          %mul3A_174 = arith.mulf %exp3A_173, %gather3A_172 : vector<16xf32>
          %mul3A_175 = arith.constant 16 : i32
          %mul3A_176 = arith.muli %add3A_163, %mul3A_175 : i32
          %swap3A_177 = arith.index_cast %mul3A_176 : i32 to index
          %swap3A_178 = tpu.vector_load %arg12[%swap3A_177] {strides = array<i32>} : memref<2000xf32, #tpu.memory_space<vmem>>, vector<16xf32>,
          tpu.vector_store %arg12[%swap3A_177], %mul3A_174 {strides = array<i32>} : memref<2000xf32, #tpu.memory_space<vmem>>, vector<16xf32>,
          %mul3A_179 = arith.constant 5 : i32
          %mul3A_180 = arith.muli %scan3A_143, %mul3A_179 : i32
          %add3A_181 = arith.constant 2 : i32
          %add3A_182 = arith.addi %mul3A_180, %add3A_181 : i32
          %mul3A_183 = arith.constant 16 : i32
          %mul3A_184 = arith.muli %add3A_182, %mul3A_183 : i32
          %get3A_185 = arith.index_cast %mul3A_184 : i32 to index
          %get3A_186 = tpu.vector_load %arg8[%get3A_185] {strides = array<i32>} : memref<2000xf32, #tpu.memory_space<vmem>>, vector<16xf32>,
          %mul3A_187 = arith.constant 16 : i32
          %mul3A_188 = arith.muli %add3A_182, %mul3A_187 : i32
          %get3A_189 = arith.index_cast %mul3A_188 : i32 to index
          %get3A_190 = tpu.vector_load %arg10[%get3A_189] {strides = array<i32>} : memref<2000xi32, #tpu.memory_space<vmem>>, vector<16xi32>,
          %gather3A_191 = tpu.vector_load_idx %arg7[%get3A_190] : memref<102400xf32, #tpu.memory_space<vmem>>[vector<16xi32>], vector<16xf32>,
          %exp3A_192 = math.exp %get3A_186 : vector<16xf32>
          %mul3A_193 = arith.mulf %exp3A_192, %gather3A_191 : vector<16xf32>
          %mul3A_194 = arith.constant 16 : i32
          %mul3A_195 = arith.muli %add3A_182, %mul3A_194 : i32
          %swap3A_196 = arith.index_cast %mul3A_195 : i32 to index
          %swap3A_197 = tpu.vector_load %arg12[%swap3A_196] {strides = array<i32>} : memref<2000xf32, #tpu.memory_space<vmem>>, vector<16xf32>,
          tpu.vector_store %arg12[%swap3A_196], %mul3A_193 {strides = array<i32>} : memref<2000xf32, #tpu.memory_space<vmem>>, vector<16xf32>,
          %mul3A_198 = arith.constant 5 : i32
          %mul3A_199 = arith.muli %scan3A_143, %mul3A_198 : i32
          %add3A_200 = arith.constant 3 : i32
          %add3A_201 = arith.addi %mul3A_199, %add3A_200 : i32
          %mul3A_202 = arith.constant 16 : i32
          %mul3A_203 = arith.muli %add3A_201, %mul3A_202 : i32
          %get3A_204 = arith.index_cast %mul3A_203 : i32 to index
          %get3A_205 = tpu.vector_load %arg8[%get3A_204] {strides = array<i32>} : memref<2000xf32, #tpu.memory_space<vmem>>, vector<16xf32>,
          %mul3A_206 = arith.constant 16 : i32
          %mul3A_207 = arith.muli %add3A_201, %mul3A_206 : i32
          %get3A_208 = arith.index_cast %mul3A_207 : i32 to index
          %get3A_209 = tpu.vector_load %arg10[%get3A_208] {strides = array<i32>} : memref<2000xi32, #tpu.memory_space<vmem>>, vector<16xi32>,
          %gather3A_210 = tpu.vector_load_idx %arg7[%get3A_209] : memref<102400xf32, #tpu.memory_space<vmem>>[vector<16xi32>], vector<16xf32>,
          %exp3A_211 = math.exp %get3A_205 : vector<16xf32>
          %mul3A_212 = arith.mulf %exp3A_211, %gather3A_210 : vector<16xf32>
          %mul3A_213 = arith.constant 16 : i32
          %mul3A_214 = arith.muli %add3A_201, %mul3A_213 : i32
          %swap3A_215 = arith.index_cast %mul3A_214 : i32 to index
          %swap3A_216 = tpu.vector_load %arg12[%swap3A_215] {strides = array<i32>} : memref<2000xf32, #tpu.memory_space<vmem>>, vector<16xf32>,
          tpu.vector_store %arg12[%swap3A_215], %mul3A_212 {strides = array<i32>} : memref<2000xf32, #tpu.memory_space<vmem>>, vector<16xf32>,
          %mul3A_217 = arith.constant 5 : i32
          %mul3A_218 = arith.muli %scan3A_143, %mul3A_217 : i32
          %add3A_219 = arith.constant 4 : i32
          %add3A_220 = arith.addi %mul3A_218, %add3A_219 : i32
          %mul3A_221 = arith.constant 16 : i32
          %mul3A_222 = arith.muli %add3A_220, %mul3A_221 : i32
          %get3A_223 = arith.index_cast %mul3A_222 : i32 to index
          %get3A_224 = tpu.vector_load %arg8[%get3A_223] {strides = array<i32>} : memref<2000xf32, #tpu.memory_space<vmem>>, vector<16xf32>,
          %mul3A_225 = arith.constant 16 : i32
          %mul3A_226 = arith.muli %add3A_220, %mul3A_225 : i32
          %get3A_227 = arith.index_cast %mul3A_226 : i32 to index
          %get3A_228 = tpu.vector_load %arg10[%get3A_227] {strides = array<i32>} : memref<2000xi32, #tpu.memory_space<vmem>>, vector<16xi32>,
          %gather3A_229 = tpu.vector_load_idx %arg7[%get3A_228] : memref<102400xf32, #tpu.memory_space<vmem>>[vector<16xi32>], vector<16xf32>,
          %exp3A_230 = math.exp %get3A_224 : vector<16xf32>
          %mul3A_231 = arith.mulf %exp3A_230, %gather3A_229 : vector<16xf32>
          %mul3A_232 = arith.constant 16 : i32
          %mul3A_233 = arith.muli %add3A_220, %mul3A_232 : i32
          %swap3A_234 = arith.index_cast %mul3A_233 : i32 to index
          %swap3A_235 = tpu.vector_load %arg12[%swap3A_234] {strides = array<i32>} : memref<2000xf32, #tpu.memory_space<vmem>>, vector<16xf32>,
          tpu.vector_store %arg12[%swap3A_234], %mul3A_231 {strides = array<i32>} : memref<2000xf32, #tpu.memory_space<vmem>>, vector<16xf32>,
          %scan3A_236 = arith.constant 0 : i32
          scf.yield %scan3A_236 : i32
        }
        %scan3A_89 = arith.constant 25 : i32
        %mul3A_90 = arith.constant 2000 : i32
        %mul3A_91 = arith.muli %mul3A_44, %mul3A_90 : i32
        %add3A_92 = arith.addi %add3A_8, %mul3A_91 : i32
        %dma_start3A_93 = arith.constant 4 : i32
        %dma_start3A_94 = tpu.memref_slice %arg6[%add3A_92] : memref<3200000xf32, #tpu.memory_space<hbm>> -> memref<2000xf32, #tpu.memory_space<hbm>>
        %dma_start3A_95 = tpu.memref_slice %arg14[%dma_start3A_93] : memref<6x!tpu.dma_semaphore, #tpu.memory_space<semaphore_mem>> -> memref<1x!tpu.dma_semaphore, #tpu.memory_space<semaphore_mem>>
        %dma_start3A_96 = tpu.memref_squeeze %dma_start3A_95 : memref<1x!tpu.dma_semaphore, #tpu.memory_space<semaphore_mem>> -> memref<!tpu.dma_semaphore, #tpu.memory_space<semaphore_mem>>
        %dma_start3A_97 = tpu.memref_slice %arg6[%add3A_92] : memref<3200000xf32, #tpu.memory_space<hbm>> -> memref<2000xf32, #tpu.memory_space<hbm>>
        tpu.enqueue_dma source(%arg12 : memref<2000xf32, #tpu.memory_space<vmem>>) target(%dma_start3A_97 : memref<2000xf32, #tpu.memory_space<hbm>>) target_semaphore(%dma_start3A_96 : memref<!tpu.dma_semaphore, #tpu.memory_space<semaphore_mem>>)
        %lt3A = arith.constant 23 : i32
        %lt3A_98 = arith.cmpi slt, %scan3A_41, %lt3A : i32
        %convert_element_type3A_99 = arith.extui %lt3A_98 : i1 to i32
        %cond3A_100 = arith.constant 0 : i32
        %cond3A_101 = arith.cmpi ne, %convert_element_type3A_99, %cond3A_100 : i32
        scf.if %cond3A_101 {
          %add3A_143 = arith.constant 2 : i32
          %add3A_144 = arith.addi %mul3A_44, %add3A_143 : i32
          %mul3A_145 = arith.constant 2000 : i32
          %mul3A_146 = arith.muli %add3A_144, %mul3A_145 : i32
          %add3A_147 = arith.addi %mul3A_7, %mul3A_146 : i32
          %dma_start3A_148 = arith.constant 0 : i32
          %dma_start3A_149 = tpu.memref_slice %arg2[%add3A_147] : memref<1536000xf32, #tpu.memory_space<hbm>> -> memref<2000xf32, #tpu.memory_space<hbm>>
          %dma_start3A_150 = tpu.memref_slice %arg14[%dma_start3A_148] : memref<6x!tpu.dma_semaphore, #tpu.memory_space<semaphore_mem>> -> memref<1x!tpu.dma_semaphore, #tpu.memory_space<semaphore_mem>>
          %dma_start3A_151 = tpu.memref_squeeze %dma_start3A_150 : memref<1x!tpu.dma_semaphore, #tpu.memory_space<semaphore_mem>> -> memref<!tpu.dma_semaphore, #tpu.memory_space<semaphore_mem>>
          %dma_start3A_152 = tpu.memref_slice %arg2[%add3A_147] : memref<1536000xf32, #tpu.memory_space<hbm>> -> memref<2000xf32, #tpu.memory_space<hbm>>
          tpu.enqueue_dma source(%dma_start3A_152 : memref<2000xf32, #tpu.memory_space<hbm>>) target(%arg8 : memref<2000xf32, #tpu.memory_space<vmem>>) target_semaphore(%dma_start3A_151 : memref<!tpu.dma_semaphore, #tpu.memory_space<semaphore_mem>>)
          %mul3A_153 = arith.constant 2000 : i32
          %mul3A_154 = arith.muli %add3A_144, %mul3A_153 : i32
          %add3A_155 = arith.addi %add3A_8, %mul3A_154 : i32
          %dma_start3A_156 = arith.constant 2 : i32
          %dma_start3A_157 = tpu.memref_slice %arg4[%add3A_155] : memref<3200000xi32, #tpu.memory_space<hbm>> -> memref<2000xi32, #tpu.memory_space<hbm>>
          %dma_start3A_158 = tpu.memref_slice %arg14[%dma_start3A_156] : memref<6x!tpu.dma_semaphore, #tpu.memory_space<semaphore_mem>> -> memref<1x!tpu.dma_semaphore, #tpu.memory_space<semaphore_mem>>
          %dma_start3A_159 = tpu.memref_squeeze %dma_start3A_158 : memref<1x!tpu.dma_semaphore, #tpu.memory_space<semaphore_mem>> -> memref<!tpu.dma_semaphore, #tpu.memory_space<semaphore_mem>>
          %dma_start3A_160 = tpu.memref_slice %arg4[%add3A_155] : memref<3200000xi32, #tpu.memory_space<hbm>> -> memref<2000xi32, #tpu.memory_space<hbm>>
          tpu.enqueue_dma source(%dma_start3A_160 : memref<2000xi32, #tpu.memory_space<hbm>>) target(%arg10 : memref<2000xi32, #tpu.memory_space<vmem>>) target_semaphore(%dma_start3A_159 : memref<!tpu.dma_semaphore, #tpu.memory_space<semaphore_mem>>)
        } else {
        }
        %add3A_102 = arith.constant 1 : i32
        %add3A_103 = arith.addi %mul3A_44, %add3A_102 : i32
        %mul3A_104 = arith.constant 2000 : i32
        %mul3A_105 = arith.muli %add3A_103, %mul3A_104 : i32
        %add3A_106 = arith.addi %mul3A_7, %mul3A_105 : i32
        %dma_wait3A_107 = arith.constant 1 : i32
        %dma_wait3A_108 = tpu.memref_slice %arg2[%add3A_106] : memref<1536000xf32, #tpu.memory_space<hbm>> -> memref<2000xf32, #tpu.memory_space<hbm>>
        %dma_wait3A_109 = tpu.memref_slice %arg14[%dma_wait3A_107] : memref<6x!tpu.dma_semaphore, #tpu.memory_space<semaphore_mem>> -> memref<1x!tpu.dma_semaphore, #tpu.memory_space<semaphore_mem>>
        %dma_wait3A_110 = tpu.memref_squeeze %dma_wait3A_109 : memref<1x!tpu.dma_semaphore, #tpu.memory_space<semaphore_mem>> -> memref<!tpu.dma_semaphore, #tpu.memory_space<semaphore_mem>>
        %dma_wait3A_111 = tpu.memref_slice %arg2[%add3A_106] : memref<1536000xf32, #tpu.memory_space<hbm>> -> memref<2000xf32, #tpu.memory_space<hbm>>
        tpu.wait_dma2 semaphore(%dma_wait3A_110 : memref<!tpu.dma_semaphore, #tpu.memory_space<semaphore_mem>>) src(%dma_wait3A_111 : memref<2000xf32, #tpu.memory_space<hbm>>) dst(%arg9 : memref<2000xf32, #tpu.memory_space<vmem>>)
        %mul3A_112 = arith.constant 2000 : i32
        %mul3A_113 = arith.muli %add3A_103, %mul3A_112 : i32
        %add3A_114 = arith.addi %add3A_8, %mul3A_113 : i32
        %dma_wait3A_115 = arith.constant 3 : i32
        %dma_wait3A_116 = tpu.memref_slice %arg4[%add3A_114] : memref<3200000xi32, #tpu.memory_space<hbm>> -> memref<2000xi32, #tpu.memory_space<hbm>>
        %dma_wait3A_117 = tpu.memref_slice %arg14[%dma_wait3A_115] : memref<6x!tpu.dma_semaphore, #tpu.memory_space<semaphore_mem>> -> memref<1x!tpu.dma_semaphore, #tpu.memory_space<semaphore_mem>>
        %dma_wait3A_118 = tpu.memref_squeeze %dma_wait3A_117 : memref<1x!tpu.dma_semaphore, #tpu.memory_space<semaphore_mem>> -> memref<!tpu.dma_semaphore, #tpu.memory_space<semaphore_mem>>
        %dma_wait3A_119 = tpu.memref_slice %arg4[%add3A_114] : memref<3200000xi32, #tpu.memory_space<hbm>> -> memref<2000xi32, #tpu.memory_space<hbm>>
        tpu.wait_dma2 semaphore(%dma_wait3A_118 : memref<!tpu.dma_semaphore, #tpu.memory_space<semaphore_mem>>) src(%dma_wait3A_119 : memref<2000xi32, #tpu.memory_space<hbm>>) dst(%arg11 : memref<2000xi32, #tpu.memory_space<vmem>>)
        %gt3A_120 = arith.constant 0 : i32
        %gt3A_121 = arith.cmpi sgt, %scan3A_41, %gt3A_120 : i32
        %convert_element_type3A_122 = arith.extui %gt3A_121 : i1 to i32
        %cond3A_123 = arith.constant 0 : i32
        %cond3A_124 = arith.cmpi ne, %convert_element_type3A_122, %cond3A_123 : i32
        scf.if %cond3A_124 {
          %sub3A = arith.constant 1 : i32
          %sub3A_143 = arith.subi %mul3A_44, %sub3A : i32
          %mul3A_144 = arith.constant 2000 : i32
          %mul3A_145 = arith.muli %sub3A_143, %mul3A_144 : i32
          %add3A_146 = arith.addi %add3A_8, %mul3A_145 : i32
          %dma_wait3A_147 = arith.constant 5 : i32
          %dma_wait3A_148 = tpu.memref_slice %arg6[%add3A_146] : memref<3200000xf32, #tpu.memory_space<hbm>> -> memref<2000xf32, #tpu.memory_space<hbm>>
          %dma_wait3A_149 = tpu.memref_slice %arg14[%dma_wait3A_147] : memref<6x!tpu.dma_semaphore, #tpu.memory_space<semaphore_mem>> -> memref<1x!tpu.dma_semaphore, #tpu.memory_space<semaphore_mem>>
          %dma_wait3A_150 = tpu.memref_squeeze %dma_wait3A_149 : memref<1x!tpu.dma_semaphore, #tpu.memory_space<semaphore_mem>> -> memref<!tpu.dma_semaphore, #tpu.memory_space<semaphore_mem>>
          %dma_wait3A_151 = tpu.memref_slice %arg6[%add3A_146] : memref<3200000xf32, #tpu.memory_space<hbm>> -> memref<2000xf32, #tpu.memory_space<hbm>>
          tpu.wait_dma2 semaphore(%dma_wait3A_150 : memref<!tpu.dma_semaphore, #tpu.memory_space<semaphore_mem>>) src(%arg13 : memref<2000xf32, #tpu.memory_space<vmem>>) dst(%dma_wait3A_151 : memref<2000xf32, #tpu.memory_space<hbm>>)
        } else {
        }
        %scan3A_125 = arith.constant 0 : i32
        %scan3A_126 = arith.constant 0 : i32
        %scan3A_127 = arith.constant 25 : i32
        %scan3A_128 = arith.addi %scan3A_126, %scan3A_127 : i32
        %scan3A_129 = arith.constant 1 : i32
        %scan3A_130 = scf.for %scan3A_143 = %scan3A_126 to %scan3A_128 step %scan3A_129 iter_args(%scan3A_144 = %scan3A_125) -> (i32)  : i32 {
          %mul3A_145 = arith.constant 5 : i32
          %mul3A_146 = arith.muli %scan3A_143, %mul3A_145 : i32
          %add3A_147 = arith.constant 0 : i32
          %add3A_148 = arith.addi %mul3A_146, %add3A_147 : i32
          %mul3A_149 = arith.constant 16 : i32
          %mul3A_150 = arith.muli %add3A_148, %mul3A_149 : i32
          %get3A = arith.index_cast %mul3A_150 : i32 to index
          %get3A_151 = tpu.vector_load %arg9[%get3A] {strides = array<i32>} : memref<2000xf32, #tpu.memory_space<vmem>>, vector<16xf32>,
          %mul3A_152 = arith.constant 16 : i32
          %mul3A_153 = arith.muli %add3A_148, %mul3A_152 : i32
          %get3A_154 = arith.index_cast %mul3A_153 : i32 to index
          %get3A_155 = tpu.vector_load %arg11[%get3A_154] {strides = array<i32>} : memref<2000xi32, #tpu.memory_space<vmem>>, vector<16xi32>,
          %gather3A = tpu.vector_load_idx %arg7[%get3A_155] : memref<102400xf32, #tpu.memory_space<vmem>>[vector<16xi32>], vector<16xf32>,
          %exp3A = math.exp %get3A_151 : vector<16xf32>
          %mul3A_156 = arith.mulf %exp3A, %gather3A : vector<16xf32>
          %mul3A_157 = arith.constant 16 : i32
          %mul3A_158 = arith.muli %add3A_148, %mul3A_157 : i32
          %swap3A = arith.index_cast %mul3A_158 : i32 to index
          %swap3A_159 = tpu.vector_load %arg13[%swap3A] {strides = array<i32>} : memref<2000xf32, #tpu.memory_space<vmem>>, vector<16xf32>,
          tpu.vector_store %arg13[%swap3A], %mul3A_156 {strides = array<i32>} : memref<2000xf32, #tpu.memory_space<vmem>>, vector<16xf32>,
          %mul3A_160 = arith.constant 5 : i32
          %mul3A_161 = arith.muli %scan3A_143, %mul3A_160 : i32
          %add3A_162 = arith.constant 1 : i32
          %add3A_163 = arith.addi %mul3A_161, %add3A_162 : i32
          %mul3A_164 = arith.constant 16 : i32
          %mul3A_165 = arith.muli %add3A_163, %mul3A_164 : i32
          %get3A_166 = arith.index_cast %mul3A_165 : i32 to index
          %get3A_167 = tpu.vector_load %arg9[%get3A_166] {strides = array<i32>} : memref<2000xf32, #tpu.memory_space<vmem>>, vector<16xf32>,
          %mul3A_168 = arith.constant 16 : i32
          %mul3A_169 = arith.muli %add3A_163, %mul3A_168 : i32
          %get3A_170 = arith.index_cast %mul3A_169 : i32 to index
          %get3A_171 = tpu.vector_load %arg11[%get3A_170] {strides = array<i32>} : memref<2000xi32, #tpu.memory_space<vmem>>, vector<16xi32>,
          %gather3A_172 = tpu.vector_load_idx %arg7[%get3A_171] : memref<102400xf32, #tpu.memory_space<vmem>>[vector<16xi32>], vector<16xf32>,
          %exp3A_173 = math.exp %get3A_167 : vector<16xf32>
          %mul3A_174 = arith.mulf %exp3A_173, %gather3A_172 : vector<16xf32>
          %mul3A_175 = arith.constant 16 : i32
          %mul3A_176 = arith.muli %add3A_163, %mul3A_175 : i32
          %swap3A_177 = arith.index_cast %mul3A_176 : i32 to index
          %swap3A_178 = tpu.vector_load %arg13[%swap3A_177] {strides = array<i32>} : memref<2000xf32, #tpu.memory_space<vmem>>, vector<16xf32>,
          tpu.vector_store %arg13[%swap3A_177], %mul3A_174 {strides = array<i32>} : memref<2000xf32, #tpu.memory_space<vmem>>, vector<16xf32>,
          %mul3A_179 = arith.constant 5 : i32
          %mul3A_180 = arith.muli %scan3A_143, %mul3A_179 : i32
          %add3A_181 = arith.constant 2 : i32
          %add3A_182 = arith.addi %mul3A_180, %add3A_181 : i32
          %mul3A_183 = arith.constant 16 : i32
          %mul3A_184 = arith.muli %add3A_182, %mul3A_183 : i32
          %get3A_185 = arith.index_cast %mul3A_184 : i32 to index
          %get3A_186 = tpu.vector_load %arg9[%get3A_185] {strides = array<i32>} : memref<2000xf32, #tpu.memory_space<vmem>>, vector<16xf32>,
          %mul3A_187 = arith.constant 16 : i32
          %mul3A_188 = arith.muli %add3A_182, %mul3A_187 : i32
          %get3A_189 = arith.index_cast %mul3A_188 : i32 to index
          %get3A_190 = tpu.vector_load %arg11[%get3A_189] {strides = array<i32>} : memref<2000xi32, #tpu.memory_space<vmem>>, vector<16xi32>,
          %gather3A_191 = tpu.vector_load_idx %arg7[%get3A_190] : memref<102400xf32, #tpu.memory_space<vmem>>[vector<16xi32>], vector<16xf32>,
          %exp3A_192 = math.exp %get3A_186 : vector<16xf32>
          %mul3A_193 = arith.mulf %exp3A_192, %gather3A_191 : vector<16xf32>
          %mul3A_194 = arith.constant 16 : i32
          %mul3A_195 = arith.muli %add3A_182, %mul3A_194 : i32
          %swap3A_196 = arith.index_cast %mul3A_195 : i32 to index
          %swap3A_197 = tpu.vector_load %arg13[%swap3A_196] {strides = array<i32>} : memref<2000xf32, #tpu.memory_space<vmem>>, vector<16xf32>,
          tpu.vector_store %arg13[%swap3A_196], %mul3A_193 {strides = array<i32>} : memref<2000xf32, #tpu.memory_space<vmem>>, vector<16xf32>,
          %mul3A_198 = arith.constant 5 : i32
          %mul3A_199 = arith.muli %scan3A_143, %mul3A_198 : i32
          %add3A_200 = arith.constant 3 : i32
          %add3A_201 = arith.addi %mul3A_199, %add3A_200 : i32
          %mul3A_202 = arith.constant 16 : i32
          %mul3A_203 = arith.muli %add3A_201, %mul3A_202 : i32
          %get3A_204 = arith.index_cast %mul3A_203 : i32 to index
          %get3A_205 = tpu.vector_load %arg9[%get3A_204] {strides = array<i32>} : memref<2000xf32, #tpu.memory_space<vmem>>, vector<16xf32>,
          %mul3A_206 = arith.constant 16 : i32
          %mul3A_207 = arith.muli %add3A_201, %mul3A_206 : i32
          %get3A_208 = arith.index_cast %mul3A_207 : i32 to index
          %get3A_209 = tpu.vector_load %arg11[%get3A_208] {strides = array<i32>} : memref<2000xi32, #tpu.memory_space<vmem>>, vector<16xi32>,
          %gather3A_210 = tpu.vector_load_idx %arg7[%get3A_209] : memref<102400xf32, #tpu.memory_space<vmem>>[vector<16xi32>], vector<16xf32>,
          %exp3A_211 = math.exp %get3A_205 : vector<16xf32>
          %mul3A_212 = arith.mulf %exp3A_211, %gather3A_210 : vector<16xf32>
          %mul3A_213 = arith.constant 16 : i32
          %mul3A_214 = arith.muli %add3A_201, %mul3A_213 : i32
          %swap3A_215 = arith.index_cast %mul3A_214 : i32 to index
          %swap3A_216 = tpu.vector_load %arg13[%swap3A_215] {strides = array<i32>} : memref<2000xf32, #tpu.memory_space<vmem>>, vector<16xf32>,
          tpu.vector_store %arg13[%swap3A_215], %mul3A_212 {strides = array<i32>} : memref<2000xf32, #tpu.memory_space<vmem>>, vector<16xf32>,
          %mul3A_217 = arith.constant 5 : i32
          %mul3A_218 = arith.muli %scan3A_143, %mul3A_217 : i32
          %add3A_219 = arith.constant 4 : i32
          %add3A_220 = arith.addi %mul3A_218, %add3A_219 : i32
          %mul3A_221 = arith.constant 16 : i32
          %mul3A_222 = arith.muli %add3A_220, %mul3A_221 : i32
          %get3A_223 = arith.index_cast %mul3A_222 : i32 to index
          %get3A_224 = tpu.vector_load %arg9[%get3A_223] {strides = array<i32>} : memref<2000xf32, #tpu.memory_space<vmem>>, vector<16xf32>,
          %mul3A_225 = arith.constant 16 : i32
          %mul3A_226 = arith.muli %add3A_220, %mul3A_225 : i32
          %get3A_227 = arith.index_cast %mul3A_226 : i32 to index
          %get3A_228 = tpu.vector_load %arg11[%get3A_227] {strides = array<i32>} : memref<2000xi32, #tpu.memory_space<vmem>>, vector<16xi32>,
          %gather3A_229 = tpu.vector_load_idx %arg7[%get3A_228] : memref<102400xf32, #tpu.memory_space<vmem>>[vector<16xi32>], vector<16xf32>,
          %exp3A_230 = math.exp %get3A_224 : vector<16xf32>
          %mul3A_231 = arith.mulf %exp3A_230, %gather3A_229 : vector<16xf32>
          %mul3A_232 = arith.constant 16 : i32
          %mul3A_233 = arith.muli %add3A_220, %mul3A_232 : i32
          %swap3A_234 = arith.index_cast %mul3A_233 : i32 to index
          %swap3A_235 = tpu.vector_load %arg13[%swap3A_234] {strides = array<i32>} : memref<2000xf32, #tpu.memory_space<vmem>>, vector<16xf32>,
          tpu.vector_store %arg13[%swap3A_234], %mul3A_231 {strides = array<i32>} : memref<2000xf32, #tpu.memory_space<vmem>>, vector<16xf32>,
          %scan3A_236 = arith.constant 0 : i32
          scf.yield %scan3A_236 : i32
        }
        %scan3A_131 = arith.constant 25 : i32
        %add3A_132 = arith.constant 1 : i32
        %add3A_133 = arith.addi %mul3A_44, %add3A_132 : i32
        %mul3A_134 = arith.constant 2000 : i32
        %mul3A_135 = arith.muli %add3A_133, %mul3A_134 : i32
        %add3A_136 = arith.addi %add3A_8, %mul3A_135 : i32
        %dma_start3A_137 = arith.constant 5 : i32
        %dma_start3A_138 = tpu.memref_slice %arg6[%add3A_136] : memref<3200000xf32, #tpu.memory_space<hbm>> -> memref<2000xf32, #tpu.memory_space<hbm>>
        %dma_start3A_139 = tpu.memref_slice %arg14[%dma_start3A_137] : memref<6x!tpu.dma_semaphore, #tpu.memory_space<semaphore_mem>> -> memref<1x!tpu.dma_semaphore, #tpu.memory_space<semaphore_mem>>
        %dma_start3A_140 = tpu.memref_squeeze %dma_start3A_139 : memref<1x!tpu.dma_semaphore, #tpu.memory_space<semaphore_mem>> -> memref<!tpu.dma_semaphore, #tpu.memory_space<semaphore_mem>>
        %dma_start3A_141 = tpu.memref_slice %arg6[%add3A_136] : memref<3200000xf32, #tpu.memory_space<hbm>> -> memref<2000xf32, #tpu.memory_space<hbm>>
        tpu.enqueue_dma source(%arg13 : memref<2000xf32, #tpu.memory_space<vmem>>) target(%dma_start3A_141 : memref<2000xf32, #tpu.memory_space<hbm>>) target_semaphore(%dma_start3A_140 : memref<!tpu.dma_semaphore, #tpu.memory_space<semaphore_mem>>)
        %scan3A_142 = arith.constant 0 : i32
        scf.yield %scan3A_142 : i32
      }
      %scan3A_27 = arith.constant 24 : i32
      %add3A_28 = arith.constant 92000 : i32
      %add3A_29 = arith.addi %add3A_8, %add3A_28 : i32
      %dma_wait3A = arith.constant 4 : i32
      %dma_wait3A_30 = tpu.memref_slice %arg6[%add3A_29] : memref<3200000xf32, #tpu.memory_space<hbm>> -> memref<2000xf32, #tpu.memory_space<hbm>>
      %dma_wait3A_31 = tpu.memref_slice %arg14[%dma_wait3A] : memref<6x!tpu.dma_semaphore, #tpu.memory_space<semaphore_mem>> -> memref<1x!tpu.dma_semaphore, #tpu.memory_space<semaphore_mem>>
      %dma_wait3A_32 = tpu.memref_squeeze %dma_wait3A_31 : memref<1x!tpu.dma_semaphore, #tpu.memory_space<semaphore_mem>> -> memref<!tpu.dma_semaphore, #tpu.memory_space<semaphore_mem>>
      %dma_wait3A_33 = tpu.memref_slice %arg6[%add3A_29] : memref<3200000xf32, #tpu.memory_space<hbm>> -> memref<2000xf32, #tpu.memory_space<hbm>>
      tpu.wait_dma2 semaphore(%dma_wait3A_32 : memref<!tpu.dma_semaphore, #tpu.memory_space<semaphore_mem>>) src(%arg12 : memref<2000xf32, #tpu.memory_space<vmem>>) dst(%dma_wait3A_33 : memref<2000xf32, #tpu.memory_space<hbm>>)
      %add3A_34 = arith.constant 94000 : i32
      %add3A_35 = arith.addi %add3A_8, %add3A_34 : i32
      %dma_wait3A_36 = arith.constant 5 : i32
      %dma_wait3A_37 = tpu.memref_slice %arg6[%add3A_35] : memref<3200000xf32, #tpu.memory_space<hbm>> -> memref<2000xf32, #tpu.memory_space<hbm>>
      %dma_wait3A_38 = tpu.memref_slice %arg14[%dma_wait3A_36] : memref<6x!tpu.dma_semaphore, #tpu.memory_space<semaphore_mem>> -> memref<1x!tpu.dma_semaphore, #tpu.memory_space<semaphore_mem>>
      %dma_wait3A_39 = tpu.memref_squeeze %dma_wait3A_38 : memref<1x!tpu.dma_semaphore, #tpu.memory_space<semaphore_mem>> -> memref<!tpu.dma_semaphore, #tpu.memory_space<semaphore_mem>>
      %dma_wait3A_40 = tpu.memref_slice %arg6[%add3A_35] : memref<3200000xf32, #tpu.memory_space<hbm>> -> memref<2000xf32, #tpu.memory_space<hbm>>
      tpu.wait_dma2 semaphore(%dma_wait3A_39 : memref<!tpu.dma_semaphore, #tpu.memory_space<semaphore_mem>>) src(%arg13 : memref<2000xf32, #tpu.memory_space<vmem>>) dst(%dma_wait3A_40 : memref<2000xf32, #tpu.memory_space<hbm>>)
    } else {
    }
    %eq3A_2 = arith.constant 1 : i32
    %eq3A_3 = arith.cmpi eq, %arg0, %eq3A_2 : i32
    %convert_element_type3A_4 = arith.extui %eq3A_3 : i1 to i32
    %cond3A_5 = arith.constant 0 : i32
    %cond3A_6 = arith.cmpi ne, %convert_element_type3A_4, %cond3A_5 : i32
    scf.if %cond3A_6 {
      %mul3A = arith.constant 104000 : i32
      %mul3A_7 = arith.muli %arg1, %mul3A : i32
      %add3A = arith.constant 1536000 : i32
      %add3A_8 = arith.addi %add3A, %mul3A_7 : i32
      %add3A_9 = arith.constant 0 : i32
      %add3A_10 = arith.addi %mul3A_7, %add3A_9 : i32
      %dma_start3A = arith.constant 0 : i32
      %dma_start3A_11 = tpu.memref_slice %arg3[%add3A_10] : memref<1664000xf32, #tpu.memory_space<hbm>> -> memref<2000xf32, #tpu.memory_space<hbm>>
      %dma_start3A_12 = tpu.memref_slice %arg14[%dma_start3A] : memref<6x!tpu.dma_semaphore, #tpu.memory_space<semaphore_mem>> -> memref<1x!tpu.dma_semaphore, #tpu.memory_space<semaphore_mem>>
      %dma_start3A_13 = tpu.memref_squeeze %dma_start3A_12 : memref<1x!tpu.dma_semaphore, #tpu.memory_space<semaphore_mem>> -> memref<!tpu.dma_semaphore, #tpu.memory_space<semaphore_mem>>
      %dma_start3A_14 = tpu.memref_slice %arg3[%add3A_10] : memref<1664000xf32, #tpu.memory_space<hbm>> -> memref<2000xf32, #tpu.memory_space<hbm>>
      tpu.enqueue_dma source(%dma_start3A_14 : memref<2000xf32, #tpu.memory_space<hbm>>) target(%arg8 : memref<2000xf32, #tpu.memory_space<vmem>>) target_semaphore(%dma_start3A_13 : memref<!tpu.dma_semaphore, #tpu.memory_space<semaphore_mem>>)
      %add3A_15 = arith.constant 0 : i32
      %add3A_16 = arith.addi %add3A_8, %add3A_15 : i32
      %dma_start3A_17 = arith.constant 2 : i32
      %dma_start3A_18 = tpu.memref_slice %arg4[%add3A_16] : memref<3200000xi32, #tpu.memory_space<hbm>> -> memref<2000xi32, #tpu.memory_space<hbm>>
      %dma_start3A_19 = tpu.memref_slice %arg14[%dma_start3A_17] : memref<6x!tpu.dma_semaphore, #tpu.memory_space<semaphore_mem>> -> memref<1x!tpu.dma_semaphore, #tpu.memory_space<semaphore_mem>>
      %dma_start3A_20 = tpu.memref_squeeze %dma_start3A_19 : memref<1x!tpu.dma_semaphore, #tpu.memory_space<semaphore_mem>> -> memref<!tpu.dma_semaphore, #tpu.memory_space<semaphore_mem>>
      %dma_start3A_21 = tpu.memref_slice %arg4[%add3A_16] : memref<3200000xi32, #tpu.memory_space<hbm>> -> memref<2000xi32, #tpu.memory_space<hbm>>
      tpu.enqueue_dma source(%dma_start3A_21 : memref<2000xi32, #tpu.memory_space<hbm>>) target(%arg10 : memref<2000xi32, #tpu.memory_space<vmem>>) target_semaphore(%dma_start3A_20 : memref<!tpu.dma_semaphore, #tpu.memory_space<semaphore_mem>>)
      %scan3A = arith.constant 0 : i32
      %scan3A_22 = arith.constant 0 : i32
      %scan3A_23 = arith.constant 26 : i32
      %scan3A_24 = arith.addi %scan3A_22, %scan3A_23 : i32
      %scan3A_25 = arith.constant 1 : i32
      %scan3A_26 = scf.for %scan3A_41 = %scan3A_22 to %scan3A_24 step %scan3A_25 iter_args(%scan3A_42 = %scan3A) -> (i32)  : i32 {
        %mul3A_43 = arith.constant 2 : i32
        %mul3A_44 = arith.muli %mul3A_43, %scan3A_41 : i32
        %add3A_45 = arith.constant 1 : i32
        %add3A_46 = arith.addi %mul3A_44, %add3A_45 : i32
        %mul3A_47 = arith.constant 2000 : i32
        %mul3A_48 = arith.muli %add3A_46, %mul3A_47 : i32
        %add3A_49 = arith.addi %mul3A_7, %mul3A_48 : i32
        %dma_start3A_50 = arith.constant 1 : i32
        %dma_start3A_51 = tpu.memref_slice %arg3[%add3A_49] : memref<1664000xf32, #tpu.memory_space<hbm>> -> memref<2000xf32, #tpu.memory_space<hbm>>
        %dma_start3A_52 = tpu.memref_slice %arg14[%dma_start3A_50] : memref<6x!tpu.dma_semaphore, #tpu.memory_space<semaphore_mem>> -> memref<1x!tpu.dma_semaphore, #tpu.memory_space<semaphore_mem>>
        %dma_start3A_53 = tpu.memref_squeeze %dma_start3A_52 : memref<1x!tpu.dma_semaphore, #tpu.memory_space<semaphore_mem>> -> memref<!tpu.dma_semaphore, #tpu.memory_space<semaphore_mem>>
        %dma_start3A_54 = tpu.memref_slice %arg3[%add3A_49] : memref<1664000xf32, #tpu.memory_space<hbm>> -> memref<2000xf32, #tpu.memory_space<hbm>>
        tpu.enqueue_dma source(%dma_start3A_54 : memref<2000xf32, #tpu.memory_space<hbm>>) target(%arg9 : memref<2000xf32, #tpu.memory_space<vmem>>) target_semaphore(%dma_start3A_53 : memref<!tpu.dma_semaphore, #tpu.memory_space<semaphore_mem>>)
        %mul3A_55 = arith.constant 2000 : i32
        %mul3A_56 = arith.muli %add3A_46, %mul3A_55 : i32
        %add3A_57 = arith.addi %add3A_8, %mul3A_56 : i32
        %dma_start3A_58 = arith.constant 3 : i32
        %dma_start3A_59 = tpu.memref_slice %arg4[%add3A_57] : memref<3200000xi32, #tpu.memory_space<hbm>> -> memref<2000xi32, #tpu.memory_space<hbm>>
        %dma_start3A_60 = tpu.memref_slice %arg14[%dma_start3A_58] : memref<6x!tpu.dma_semaphore, #tpu.memory_space<semaphore_mem>> -> memref<1x!tpu.dma_semaphore, #tpu.memory_space<semaphore_mem>>
        %dma_start3A_61 = tpu.memref_squeeze %dma_start3A_60 : memref<1x!tpu.dma_semaphore, #tpu.memory_space<semaphore_mem>> -> memref<!tpu.dma_semaphore, #tpu.memory_space<semaphore_mem>>
        %dma_start3A_62 = tpu.memref_slice %arg4[%add3A_57] : memref<3200000xi32, #tpu.memory_space<hbm>> -> memref<2000xi32, #tpu.memory_space<hbm>>
        tpu.enqueue_dma source(%dma_start3A_62 : memref<2000xi32, #tpu.memory_space<hbm>>) target(%arg11 : memref<2000xi32, #tpu.memory_space<vmem>>) target_semaphore(%dma_start3A_61 : memref<!tpu.dma_semaphore, #tpu.memory_space<semaphore_mem>>)
        %mul3A_63 = arith.constant 2000 : i32
        %mul3A_64 = arith.muli %mul3A_44, %mul3A_63 : i32
        %add3A_65 = arith.addi %mul3A_7, %mul3A_64 : i32
        %dma_wait3A_66 = arith.constant 0 : i32
        %dma_wait3A_67 = tpu.memref_slice %arg3[%add3A_65] : memref<1664000xf32, #tpu.memory_space<hbm>> -> memref<2000xf32, #tpu.memory_space<hbm>>
        %dma_wait3A_68 = tpu.memref_slice %arg14[%dma_wait3A_66] : memref<6x!tpu.dma_semaphore, #tpu.memory_space<semaphore_mem>> -> memref<1x!tpu.dma_semaphore, #tpu.memory_space<semaphore_mem>>
        %dma_wait3A_69 = tpu.memref_squeeze %dma_wait3A_68 : memref<1x!tpu.dma_semaphore, #tpu.memory_space<semaphore_mem>> -> memref<!tpu.dma_semaphore, #tpu.memory_space<semaphore_mem>>
        %dma_wait3A_70 = tpu.memref_slice %arg3[%add3A_65] : memref<1664000xf32, #tpu.memory_space<hbm>> -> memref<2000xf32, #tpu.memory_space<hbm>>
        tpu.wait_dma2 semaphore(%dma_wait3A_69 : memref<!tpu.dma_semaphore, #tpu.memory_space<semaphore_mem>>) src(%dma_wait3A_70 : memref<2000xf32, #tpu.memory_space<hbm>>) dst(%arg8 : memref<2000xf32, #tpu.memory_space<vmem>>)
        %mul3A_71 = arith.constant 2000 : i32
        %mul3A_72 = arith.muli %mul3A_44, %mul3A_71 : i32
        %add3A_73 = arith.addi %add3A_8, %mul3A_72 : i32
        %dma_wait3A_74 = arith.constant 2 : i32
        %dma_wait3A_75 = tpu.memref_slice %arg4[%add3A_73] : memref<3200000xi32, #tpu.memory_space<hbm>> -> memref<2000xi32, #tpu.memory_space<hbm>>
        %dma_wait3A_76 = tpu.memref_slice %arg14[%dma_wait3A_74] : memref<6x!tpu.dma_semaphore, #tpu.memory_space<semaphore_mem>> -> memref<1x!tpu.dma_semaphore, #tpu.memory_space<semaphore_mem>>
        %dma_wait3A_77 = tpu.memref_squeeze %dma_wait3A_76 : memref<1x!tpu.dma_semaphore, #tpu.memory_space<semaphore_mem>> -> memref<!tpu.dma_semaphore, #tpu.memory_space<semaphore_mem>>
        %dma_wait3A_78 = tpu.memref_slice %arg4[%add3A_73] : memref<3200000xi32, #tpu.memory_space<hbm>> -> memref<2000xi32, #tpu.memory_space<hbm>>
        tpu.wait_dma2 semaphore(%dma_wait3A_77 : memref<!tpu.dma_semaphore, #tpu.memory_space<semaphore_mem>>) src(%dma_wait3A_78 : memref<2000xi32, #tpu.memory_space<hbm>>) dst(%arg10 : memref<2000xi32, #tpu.memory_space<vmem>>)
        %gt3A = arith.constant 0 : i32
        %gt3A_79 = arith.cmpi sgt, %scan3A_41, %gt3A : i32
        %convert_element_type3A_80 = arith.extui %gt3A_79 : i1 to i32
        %cond3A_81 = arith.constant 0 : i32
        %cond3A_82 = arith.cmpi ne, %convert_element_type3A_80, %cond3A_81 : i32
        scf.if %cond3A_82 {
          %sub3A = arith.constant 2 : i32
          %sub3A_143 = arith.subi %mul3A_44, %sub3A : i32
          %mul3A_144 = arith.constant 2000 : i32
          %mul3A_145 = arith.muli %sub3A_143, %mul3A_144 : i32
          %add3A_146 = arith.addi %add3A_8, %mul3A_145 : i32
          %dma_wait3A_147 = arith.constant 4 : i32
          %dma_wait3A_148 = tpu.memref_slice %arg6[%add3A_146] : memref<3200000xf32, #tpu.memory_space<hbm>> -> memref<2000xf32, #tpu.memory_space<hbm>>
          %dma_wait3A_149 = tpu.memref_slice %arg14[%dma_wait3A_147] : memref<6x!tpu.dma_semaphore, #tpu.memory_space<semaphore_mem>> -> memref<1x!tpu.dma_semaphore, #tpu.memory_space<semaphore_mem>>
          %dma_wait3A_150 = tpu.memref_squeeze %dma_wait3A_149 : memref<1x!tpu.dma_semaphore, #tpu.memory_space<semaphore_mem>> -> memref<!tpu.dma_semaphore, #tpu.memory_space<semaphore_mem>>
          %dma_wait3A_151 = tpu.memref_slice %arg6[%add3A_146] : memref<3200000xf32, #tpu.memory_space<hbm>> -> memref<2000xf32, #tpu.memory_space<hbm>>
          tpu.wait_dma2 semaphore(%dma_wait3A_150 : memref<!tpu.dma_semaphore, #tpu.memory_space<semaphore_mem>>) src(%arg12 : memref<2000xf32, #tpu.memory_space<vmem>>) dst(%dma_wait3A_151 : memref<2000xf32, #tpu.memory_space<hbm>>)
        } else {
        }
        %scan3A_83 = arith.constant 0 : i32
        %scan3A_84 = arith.constant 0 : i32
        %scan3A_85 = arith.constant 25 : i32
        %scan3A_86 = arith.addi %scan3A_84, %scan3A_85 : i32
        %scan3A_87 = arith.constant 1 : i32
        %scan3A_88 = scf.for %scan3A_143 = %scan3A_84 to %scan3A_86 step %scan3A_87 iter_args(%scan3A_144 = %scan3A_83) -> (i32)  : i32 {
          %mul3A_145 = arith.constant 5 : i32
          %mul3A_146 = arith.muli %scan3A_143, %mul3A_145 : i32
          %add3A_147 = arith.constant 0 : i32
          %add3A_148 = arith.addi %mul3A_146, %add3A_147 : i32
          %mul3A_149 = arith.constant 16 : i32
          %mul3A_150 = arith.muli %add3A_148, %mul3A_149 : i32
          %get3A = arith.index_cast %mul3A_150 : i32 to index
          %get3A_151 = tpu.vector_load %arg8[%get3A] {strides = array<i32>} : memref<2000xf32, #tpu.memory_space<vmem>>, vector<16xf32>,
          %mul3A_152 = arith.constant 16 : i32
          %mul3A_153 = arith.muli %add3A_148, %mul3A_152 : i32
          %get3A_154 = arith.index_cast %mul3A_153 : i32 to index
          %get3A_155 = tpu.vector_load %arg10[%get3A_154] {strides = array<i32>} : memref<2000xi32, #tpu.memory_space<vmem>>, vector<16xi32>,
          %gather3A = tpu.vector_load_idx %arg7[%get3A_155] : memref<102400xf32, #tpu.memory_space<vmem>>[vector<16xi32>], vector<16xf32>,
          %exp3A = math.exp %get3A_151 : vector<16xf32>
          %mul3A_156 = arith.mulf %exp3A, %gather3A : vector<16xf32>
          %mul3A_157 = arith.constant 16 : i32
          %mul3A_158 = arith.muli %add3A_148, %mul3A_157 : i32
          %swap3A = arith.index_cast %mul3A_158 : i32 to index
          %swap3A_159 = tpu.vector_load %arg12[%swap3A] {strides = array<i32>} : memref<2000xf32, #tpu.memory_space<vmem>>, vector<16xf32>,
          tpu.vector_store %arg12[%swap3A], %mul3A_156 {strides = array<i32>} : memref<2000xf32, #tpu.memory_space<vmem>>, vector<16xf32>,
          %mul3A_160 = arith.constant 5 : i32
          %mul3A_161 = arith.muli %scan3A_143, %mul3A_160 : i32
          %add3A_162 = arith.constant 1 : i32
          %add3A_163 = arith.addi %mul3A_161, %add3A_162 : i32
          %mul3A_164 = arith.constant 16 : i32
          %mul3A_165 = arith.muli %add3A_163, %mul3A_164 : i32
          %get3A_166 = arith.index_cast %mul3A_165 : i32 to index
          %get3A_167 = tpu.vector_load %arg8[%get3A_166] {strides = array<i32>} : memref<2000xf32, #tpu.memory_space<vmem>>, vector<16xf32>,
          %mul3A_168 = arith.constant 16 : i32
          %mul3A_169 = arith.muli %add3A_163, %mul3A_168 : i32
          %get3A_170 = arith.index_cast %mul3A_169 : i32 to index
          %get3A_171 = tpu.vector_load %arg10[%get3A_170] {strides = array<i32>} : memref<2000xi32, #tpu.memory_space<vmem>>, vector<16xi32>,
          %gather3A_172 = tpu.vector_load_idx %arg7[%get3A_171] : memref<102400xf32, #tpu.memory_space<vmem>>[vector<16xi32>], vector<16xf32>,
          %exp3A_173 = math.exp %get3A_167 : vector<16xf32>
          %mul3A_174 = arith.mulf %exp3A_173, %gather3A_172 : vector<16xf32>
          %mul3A_175 = arith.constant 16 : i32
          %mul3A_176 = arith.muli %add3A_163, %mul3A_175 : i32
          %swap3A_177 = arith.index_cast %mul3A_176 : i32 to index
          %swap3A_178 = tpu.vector_load %arg12[%swap3A_177] {strides = array<i32>} : memref<2000xf32, #tpu.memory_space<vmem>>, vector<16xf32>,
          tpu.vector_store %arg12[%swap3A_177], %mul3A_174 {strides = array<i32>} : memref<2000xf32, #tpu.memory_space<vmem>>, vector<16xf32>,
          %mul3A_179 = arith.constant 5 : i32
          %mul3A_180 = arith.muli %scan3A_143, %mul3A_179 : i32
          %add3A_181 = arith.constant 2 : i32
          %add3A_182 = arith.addi %mul3A_180, %add3A_181 : i32
          %mul3A_183 = arith.constant 16 : i32
          %mul3A_184 = arith.muli %add3A_182, %mul3A_183 : i32
          %get3A_185 = arith.index_cast %mul3A_184 : i32 to index
          %get3A_186 = tpu.vector_load %arg8[%get3A_185] {strides = array<i32>} : memref<2000xf32, #tpu.memory_space<vmem>>, vector<16xf32>,
          %mul3A_187 = arith.constant 16 : i32
          %mul3A_188 = arith.muli %add3A_182, %mul3A_187 : i32
          %get3A_189 = arith.index_cast %mul3A_188 : i32 to index
          %get3A_190 = tpu.vector_load %arg10[%get3A_189] {strides = array<i32>} : memref<2000xi32, #tpu.memory_space<vmem>>, vector<16xi32>,
          %gather3A_191 = tpu.vector_load_idx %arg7[%get3A_190] : memref<102400xf32, #tpu.memory_space<vmem>>[vector<16xi32>], vector<16xf32>,
          %exp3A_192 = math.exp %get3A_186 : vector<16xf32>
          %mul3A_193 = arith.mulf %exp3A_192, %gather3A_191 : vector<16xf32>
          %mul3A_194 = arith.constant 16 : i32
          %mul3A_195 = arith.muli %add3A_182, %mul3A_194 : i32
          %swap3A_196 = arith.index_cast %mul3A_195 : i32 to index
          %swap3A_197 = tpu.vector_load %arg12[%swap3A_196] {strides = array<i32>} : memref<2000xf32, #tpu.memory_space<vmem>>, vector<16xf32>,
          tpu.vector_store %arg12[%swap3A_196], %mul3A_193 {strides = array<i32>} : memref<2000xf32, #tpu.memory_space<vmem>>, vector<16xf32>,
          %mul3A_198 = arith.constant 5 : i32
          %mul3A_199 = arith.muli %scan3A_143, %mul3A_198 : i32
          %add3A_200 = arith.constant 3 : i32
          %add3A_201 = arith.addi %mul3A_199, %add3A_200 : i32
          %mul3A_202 = arith.constant 16 : i32
          %mul3A_203 = arith.muli %add3A_201, %mul3A_202 : i32
          %get3A_204 = arith.index_cast %mul3A_203 : i32 to index
          %get3A_205 = tpu.vector_load %arg8[%get3A_204] {strides = array<i32>} : memref<2000xf32, #tpu.memory_space<vmem>>, vector<16xf32>,
          %mul3A_206 = arith.constant 16 : i32
          %mul3A_207 = arith.muli %add3A_201, %mul3A_206 : i32
          %get3A_208 = arith.index_cast %mul3A_207 : i32 to index
          %get3A_209 = tpu.vector_load %arg10[%get3A_208] {strides = array<i32>} : memref<2000xi32, #tpu.memory_space<vmem>>, vector<16xi32>,
          %gather3A_210 = tpu.vector_load_idx %arg7[%get3A_209] : memref<102400xf32, #tpu.memory_space<vmem>>[vector<16xi32>], vector<16xf32>,
          %exp3A_211 = math.exp %get3A_205 : vector<16xf32>
          %mul3A_212 = arith.mulf %exp3A_211, %gather3A_210 : vector<16xf32>
          %mul3A_213 = arith.constant 16 : i32
          %mul3A_214 = arith.muli %add3A_201, %mul3A_213 : i32
          %swap3A_215 = arith.index_cast %mul3A_214 : i32 to index
          %swap3A_216 = tpu.vector_load %arg12[%swap3A_215] {strides = array<i32>} : memref<2000xf32, #tpu.memory_space<vmem>>, vector<16xf32>,
          tpu.vector_store %arg12[%swap3A_215], %mul3A_212 {strides = array<i32>} : memref<2000xf32, #tpu.memory_space<vmem>>, vector<16xf32>,
          %mul3A_217 = arith.constant 5 : i32
          %mul3A_218 = arith.muli %scan3A_143, %mul3A_217 : i32
          %add3A_219 = arith.constant 4 : i32
          %add3A_220 = arith.addi %mul3A_218, %add3A_219 : i32
          %mul3A_221 = arith.constant 16 : i32
          %mul3A_222 = arith.muli %add3A_220, %mul3A_221 : i32
          %get3A_223 = arith.index_cast %mul3A_222 : i32 to index
          %get3A_224 = tpu.vector_load %arg8[%get3A_223] {strides = array<i32>} : memref<2000xf32, #tpu.memory_space<vmem>>, vector<16xf32>,
          %mul3A_225 = arith.constant 16 : i32
          %mul3A_226 = arith.muli %add3A_220, %mul3A_225 : i32
          %get3A_227 = arith.index_cast %mul3A_226 : i32 to index
          %get3A_228 = tpu.vector_load %arg10[%get3A_227] {strides = array<i32>} : memref<2000xi32, #tpu.memory_space<vmem>>, vector<16xi32>,
          %gather3A_229 = tpu.vector_load_idx %arg7[%get3A_228] : memref<102400xf32, #tpu.memory_space<vmem>>[vector<16xi32>], vector<16xf32>,
          %exp3A_230 = math.exp %get3A_224 : vector<16xf32>
          %mul3A_231 = arith.mulf %exp3A_230, %gather3A_229 : vector<16xf32>
          %mul3A_232 = arith.constant 16 : i32
          %mul3A_233 = arith.muli %add3A_220, %mul3A_232 : i32
          %swap3A_234 = arith.index_cast %mul3A_233 : i32 to index
          %swap3A_235 = tpu.vector_load %arg12[%swap3A_234] {strides = array<i32>} : memref<2000xf32, #tpu.memory_space<vmem>>, vector<16xf32>,
          tpu.vector_store %arg12[%swap3A_234], %mul3A_231 {strides = array<i32>} : memref<2000xf32, #tpu.memory_space<vmem>>, vector<16xf32>,
          %scan3A_236 = arith.constant 0 : i32
          scf.yield %scan3A_236 : i32
        }
        %scan3A_89 = arith.constant 25 : i32
        %mul3A_90 = arith.constant 2000 : i32
        %mul3A_91 = arith.muli %mul3A_44, %mul3A_90 : i32
        %add3A_92 = arith.addi %add3A_8, %mul3A_91 : i32
        %dma_start3A_93 = arith.constant 4 : i32
        %dma_start3A_94 = tpu.memref_slice %arg6[%add3A_92] : memref<3200000xf32, #tpu.memory_space<hbm>> -> memref<2000xf32, #tpu.memory_space<hbm>>
        %dma_start3A_95 = tpu.memref_slice %arg14[%dma_start3A_93] : memref<6x!tpu.dma_semaphore, #tpu.memory_space<semaphore_mem>> -> memref<1x!tpu.dma_semaphore, #tpu.memory_space<semaphore_mem>>
        %dma_start3A_96 = tpu.memref_squeeze %dma_start3A_95 : memref<1x!tpu.dma_semaphore, #tpu.memory_space<semaphore_mem>> -> memref<!tpu.dma_semaphore, #tpu.memory_space<semaphore_mem>>
        %dma_start3A_97 = tpu.memref_slice %arg6[%add3A_92] : memref<3200000xf32, #tpu.memory_space<hbm>> -> memref<2000xf32, #tpu.memory_space<hbm>>
        tpu.enqueue_dma source(%arg12 : memref<2000xf32, #tpu.memory_space<vmem>>) target(%dma_start3A_97 : memref<2000xf32, #tpu.memory_space<hbm>>) target_semaphore(%dma_start3A_96 : memref<!tpu.dma_semaphore, #tpu.memory_space<semaphore_mem>>)
        %lt3A = arith.constant 25 : i32
        %lt3A_98 = arith.cmpi slt, %scan3A_41, %lt3A : i32
        %convert_element_type3A_99 = arith.extui %lt3A_98 : i1 to i32
        %cond3A_100 = arith.constant 0 : i32
        %cond3A_101 = arith.cmpi ne, %convert_element_type3A_99, %cond3A_100 : i32
        scf.if %cond3A_101 {
          %add3A_143 = arith.constant 2 : i32
          %add3A_144 = arith.addi %mul3A_44, %add3A_143 : i32
          %mul3A_145 = arith.constant 2000 : i32
          %mul3A_146 = arith.muli %add3A_144, %mul3A_145 : i32
          %add3A_147 = arith.addi %mul3A_7, %mul3A_146 : i32
          %dma_start3A_148 = arith.constant 0 : i32
          %dma_start3A_149 = tpu.memref_slice %arg3[%add3A_147] : memref<1664000xf32, #tpu.memory_space<hbm>> -> memref<2000xf32, #tpu.memory_space<hbm>>
          %dma_start3A_150 = tpu.memref_slice %arg14[%dma_start3A_148] : memref<6x!tpu.dma_semaphore, #tpu.memory_space<semaphore_mem>> -> memref<1x!tpu.dma_semaphore, #tpu.memory_space<semaphore_mem>>
          %dma_start3A_151 = tpu.memref_squeeze %dma_start3A_150 : memref<1x!tpu.dma_semaphore, #tpu.memory_space<semaphore_mem>> -> memref<!tpu.dma_semaphore, #tpu.memory_space<semaphore_mem>>
          %dma_start3A_152 = tpu.memref_slice %arg3[%add3A_147] : memref<1664000xf32, #tpu.memory_space<hbm>> -> memref<2000xf32, #tpu.memory_space<hbm>>
          tpu.enqueue_dma source(%dma_start3A_152 : memref<2000xf32, #tpu.memory_space<hbm>>) target(%arg8 : memref<2000xf32, #tpu.memory_space<vmem>>) target_semaphore(%dma_start3A_151 : memref<!tpu.dma_semaphore, #tpu.memory_space<semaphore_mem>>)
          %mul3A_153 = arith.constant 2000 : i32
          %mul3A_154 = arith.muli %add3A_144, %mul3A_153 : i32
          %add3A_155 = arith.addi %add3A_8, %mul3A_154 : i32
          %dma_start3A_156 = arith.constant 2 : i32
          %dma_start3A_157 = tpu.memref_slice %arg4[%add3A_155] : memref<3200000xi32, #tpu.memory_space<hbm>> -> memref<2000xi32, #tpu.memory_space<hbm>>
          %dma_start3A_158 = tpu.memref_slice %arg14[%dma_start3A_156] : memref<6x!tpu.dma_semaphore, #tpu.memory_space<semaphore_mem>> -> memref<1x!tpu.dma_semaphore, #tpu.memory_space<semaphore_mem>>
          %dma_start3A_159 = tpu.memref_squeeze %dma_start3A_158 : memref<1x!tpu.dma_semaphore, #tpu.memory_space<semaphore_mem>> -> memref<!tpu.dma_semaphore, #tpu.memory_space<semaphore_mem>>
          %dma_start3A_160 = tpu.memref_slice %arg4[%add3A_155] : memref<3200000xi32, #tpu.memory_space<hbm>> -> memref<2000xi32, #tpu.memory_space<hbm>>
          tpu.enqueue_dma source(%dma_start3A_160 : memref<2000xi32, #tpu.memory_space<hbm>>) target(%arg10 : memref<2000xi32, #tpu.memory_space<vmem>>) target_semaphore(%dma_start3A_159 : memref<!tpu.dma_semaphore, #tpu.memory_space<semaphore_mem>>)
        } else {
        }
        %add3A_102 = arith.constant 1 : i32
        %add3A_103 = arith.addi %mul3A_44, %add3A_102 : i32
        %mul3A_104 = arith.constant 2000 : i32
        %mul3A_105 = arith.muli %add3A_103, %mul3A_104 : i32
        %add3A_106 = arith.addi %mul3A_7, %mul3A_105 : i32
        %dma_wait3A_107 = arith.constant 1 : i32
        %dma_wait3A_108 = tpu.memref_slice %arg3[%add3A_106] : memref<1664000xf32, #tpu.memory_space<hbm>> -> memref<2000xf32, #tpu.memory_space<hbm>>
        %dma_wait3A_109 = tpu.memref_slice %arg14[%dma_wait3A_107] : memref<6x!tpu.dma_semaphore, #tpu.memory_space<semaphore_mem>> -> memref<1x!tpu.dma_semaphore, #tpu.memory_space<semaphore_mem>>
        %dma_wait3A_110 = tpu.memref_squeeze %dma_wait3A_109 : memref<1x!tpu.dma_semaphore, #tpu.memory_space<semaphore_mem>> -> memref<!tpu.dma_semaphore, #tpu.memory_space<semaphore_mem>>
        %dma_wait3A_111 = tpu.memref_slice %arg3[%add3A_106] : memref<1664000xf32, #tpu.memory_space<hbm>> -> memref<2000xf32, #tpu.memory_space<hbm>>
        tpu.wait_dma2 semaphore(%dma_wait3A_110 : memref<!tpu.dma_semaphore, #tpu.memory_space<semaphore_mem>>) src(%dma_wait3A_111 : memref<2000xf32, #tpu.memory_space<hbm>>) dst(%arg9 : memref<2000xf32, #tpu.memory_space<vmem>>)
        %mul3A_112 = arith.constant 2000 : i32
        %mul3A_113 = arith.muli %add3A_103, %mul3A_112 : i32
        %add3A_114 = arith.addi %add3A_8, %mul3A_113 : i32
        %dma_wait3A_115 = arith.constant 3 : i32
        %dma_wait3A_116 = tpu.memref_slice %arg4[%add3A_114] : memref<3200000xi32, #tpu.memory_space<hbm>> -> memref<2000xi32, #tpu.memory_space<hbm>>
        %dma_wait3A_117 = tpu.memref_slice %arg14[%dma_wait3A_115] : memref<6x!tpu.dma_semaphore, #tpu.memory_space<semaphore_mem>> -> memref<1x!tpu.dma_semaphore, #tpu.memory_space<semaphore_mem>>
        %dma_wait3A_118 = tpu.memref_squeeze %dma_wait3A_117 : memref<1x!tpu.dma_semaphore, #tpu.memory_space<semaphore_mem>> -> memref<!tpu.dma_semaphore, #tpu.memory_space<semaphore_mem>>
        %dma_wait3A_119 = tpu.memref_slice %arg4[%add3A_114] : memref<3200000xi32, #tpu.memory_space<hbm>> -> memref<2000xi32, #tpu.memory_space<hbm>>
        tpu.wait_dma2 semaphore(%dma_wait3A_118 : memref<!tpu.dma_semaphore, #tpu.memory_space<semaphore_mem>>) src(%dma_wait3A_119 : memref<2000xi32, #tpu.memory_space<hbm>>) dst(%arg11 : memref<2000xi32, #tpu.memory_space<vmem>>)
        %gt3A_120 = arith.constant 0 : i32
        %gt3A_121 = arith.cmpi sgt, %scan3A_41, %gt3A_120 : i32
        %convert_element_type3A_122 = arith.extui %gt3A_121 : i1 to i32
        %cond3A_123 = arith.constant 0 : i32
        %cond3A_124 = arith.cmpi ne, %convert_element_type3A_122, %cond3A_123 : i32
        scf.if %cond3A_124 {
          %sub3A = arith.constant 1 : i32
          %sub3A_143 = arith.subi %mul3A_44, %sub3A : i32
          %mul3A_144 = arith.constant 2000 : i32
          %mul3A_145 = arith.muli %sub3A_143, %mul3A_144 : i32
          %add3A_146 = arith.addi %add3A_8, %mul3A_145 : i32
          %dma_wait3A_147 = arith.constant 5 : i32
          %dma_wait3A_148 = tpu.memref_slice %arg6[%add3A_146] : memref<3200000xf32, #tpu.memory_space<hbm>> -> memref<2000xf32, #tpu.memory_space<hbm>>
          %dma_wait3A_149 = tpu.memref_slice %arg14[%dma_wait3A_147] : memref<6x!tpu.dma_semaphore, #tpu.memory_space<semaphore_mem>> -> memref<1x!tpu.dma_semaphore, #tpu.memory_space<semaphore_mem>>
          %dma_wait3A_150 = tpu.memref_squeeze %dma_wait3A_149 : memref<1x!tpu.dma_semaphore, #tpu.memory_space<semaphore_mem>> -> memref<!tpu.dma_semaphore, #tpu.memory_space<semaphore_mem>>
          %dma_wait3A_151 = tpu.memref_slice %arg6[%add3A_146] : memref<3200000xf32, #tpu.memory_space<hbm>> -> memref<2000xf32, #tpu.memory_space<hbm>>
          tpu.wait_dma2 semaphore(%dma_wait3A_150 : memref<!tpu.dma_semaphore, #tpu.memory_space<semaphore_mem>>) src(%arg13 : memref<2000xf32, #tpu.memory_space<vmem>>) dst(%dma_wait3A_151 : memref<2000xf32, #tpu.memory_space<hbm>>)
        } else {
        }
        %scan3A_125 = arith.constant 0 : i32
        %scan3A_126 = arith.constant 0 : i32
        %scan3A_127 = arith.constant 25 : i32
        %scan3A_128 = arith.addi %scan3A_126, %scan3A_127 : i32
        %scan3A_129 = arith.constant 1 : i32
        %scan3A_130 = scf.for %scan3A_143 = %scan3A_126 to %scan3A_128 step %scan3A_129 iter_args(%scan3A_144 = %scan3A_125) -> (i32)  : i32 {
          %mul3A_145 = arith.constant 5 : i32
          %mul3A_146 = arith.muli %scan3A_143, %mul3A_145 : i32
          %add3A_147 = arith.constant 0 : i32
          %add3A_148 = arith.addi %mul3A_146, %add3A_147 : i32
          %mul3A_149 = arith.constant 16 : i32
          %mul3A_150 = arith.muli %add3A_148, %mul3A_149 : i32
          %get3A = arith.index_cast %mul3A_150 : i32 to index
          %get3A_151 = tpu.vector_load %arg9[%get3A] {strides = array<i32>} : memref<2000xf32, #tpu.memory_space<vmem>>, vector<16xf32>,
          %mul3A_152 = arith.constant 16 : i32
          %mul3A_153 = arith.muli %add3A_148, %mul3A_152 : i32
          %get3A_154 = arith.index_cast %mul3A_153 : i32 to index
          %get3A_155 = tpu.vector_load %arg11[%get3A_154] {strides = array<i32>} : memref<2000xi32, #tpu.memory_space<vmem>>, vector<16xi32>,
          %gather3A = tpu.vector_load_idx %arg7[%get3A_155] : memref<102400xf32, #tpu.memory_space<vmem>>[vector<16xi32>], vector<16xf32>,
          %exp3A = math.exp %get3A_151 : vector<16xf32>
          %mul3A_156 = arith.mulf %exp3A, %gather3A : vector<16xf32>
          %mul3A_157 = arith.constant 16 : i32
          %mul3A_158 = arith.muli %add3A_148, %mul3A_157 : i32
          %swap3A = arith.index_cast %mul3A_158 : i32 to index
          %swap3A_159 = tpu.vector_load %arg13[%swap3A] {strides = array<i32>} : memref<2000xf32, #tpu.memory_space<vmem>>, vector<16xf32>,
          tpu.vector_store %arg13[%swap3A], %mul3A_156 {strides = array<i32>} : memref<2000xf32, #tpu.memory_space<vmem>>, vector<16xf32>,
          %mul3A_160 = arith.constant 5 : i32
          %mul3A_161 = arith.muli %scan3A_143, %mul3A_160 : i32
          %add3A_162 = arith.constant 1 : i32
          %add3A_163 = arith.addi %mul3A_161, %add3A_162 : i32
          %mul3A_164 = arith.constant 16 : i32
          %mul3A_165 = arith.muli %add3A_163, %mul3A_164 : i32
          %get3A_166 = arith.index_cast %mul3A_165 : i32 to index
          %get3A_167 = tpu.vector_load %arg9[%get3A_166] {strides = array<i32>} : memref<2000xf32, #tpu.memory_space<vmem>>, vector<16xf32>,
          %mul3A_168 = arith.constant 16 : i32
          %mul3A_169 = arith.muli %add3A_163, %mul3A_168 : i32
          %get3A_170 = arith.index_cast %mul3A_169 : i32 to index
          %get3A_171 = tpu.vector_load %arg11[%get3A_170] {strides = array<i32>} : memref<2000xi32, #tpu.memory_space<vmem>>, vector<16xi32>,
          %gather3A_172 = tpu.vector_load_idx %arg7[%get3A_171] : memref<102400xf32, #tpu.memory_space<vmem>>[vector<16xi32>], vector<16xf32>,
          %exp3A_173 = math.exp %get3A_167 : vector<16xf32>
          %mul3A_174 = arith.mulf %exp3A_173, %gather3A_172 : vector<16xf32>
          %mul3A_175 = arith.constant 16 : i32
          %mul3A_176 = arith.muli %add3A_163, %mul3A_175 : i32
          %swap3A_177 = arith.index_cast %mul3A_176 : i32 to index
          %swap3A_178 = tpu.vector_load %arg13[%swap3A_177] {strides = array<i32>} : memref<2000xf32, #tpu.memory_space<vmem>>, vector<16xf32>,
          tpu.vector_store %arg13[%swap3A_177], %mul3A_174 {strides = array<i32>} : memref<2000xf32, #tpu.memory_space<vmem>>, vector<16xf32>,
          %mul3A_179 = arith.constant 5 : i32
          %mul3A_180 = arith.muli %scan3A_143, %mul3A_179 : i32
          %add3A_181 = arith.constant 2 : i32
          %add3A_182 = arith.addi %mul3A_180, %add3A_181 : i32
          %mul3A_183 = arith.constant 16 : i32
          %mul3A_184 = arith.muli %add3A_182, %mul3A_183 : i32
          %get3A_185 = arith.index_cast %mul3A_184 : i32 to index
          %get3A_186 = tpu.vector_load %arg9[%get3A_185] {strides = array<i32>} : memref<2000xf32, #tpu.memory_space<vmem>>, vector<16xf32>,
          %mul3A_187 = arith.constant 16 : i32
          %mul3A_188 = arith.muli %add3A_182, %mul3A_187 : i32
          %get3A_189 = arith.index_cast %mul3A_188 : i32 to index
          %get3A_190 = tpu.vector_load %arg11[%get3A_189] {strides = array<i32>} : memref<2000xi32, #tpu.memory_space<vmem>>, vector<16xi32>,
          %gather3A_191 = tpu.vector_load_idx %arg7[%get3A_190] : memref<102400xf32, #tpu.memory_space<vmem>>[vector<16xi32>], vector<16xf32>,
          %exp3A_192 = math.exp %get3A_186 : vector<16xf32>
          %mul3A_193 = arith.mulf %exp3A_192, %gather3A_191 : vector<16xf32>
          %mul3A_194 = arith.constant 16 : i32
          %mul3A_195 = arith.muli %add3A_182, %mul3A_194 : i32
          %swap3A_196 = arith.index_cast %mul3A_195 : i32 to index
          %swap3A_197 = tpu.vector_load %arg13[%swap3A_196] {strides = array<i32>} : memref<2000xf32, #tpu.memory_space<vmem>>, vector<16xf32>,
          tpu.vector_store %arg13[%swap3A_196], %mul3A_193 {strides = array<i32>} : memref<2000xf32, #tpu.memory_space<vmem>>, vector<16xf32>,
          %mul3A_198 = arith.constant 5 : i32
          %mul3A_199 = arith.muli %scan3A_143, %mul3A_198 : i32
          %add3A_200 = arith.constant 3 : i32
          %add3A_201 = arith.addi %mul3A_199, %add3A_200 : i32
          %mul3A_202 = arith.constant 16 : i32
          %mul3A_203 = arith.muli %add3A_201, %mul3A_202 : i32
          %get3A_204 = arith.index_cast %mul3A_203 : i32 to index
          %get3A_205 = tpu.vector_load %arg9[%get3A_204] {strides = array<i32>} : memref<2000xf32, #tpu.memory_space<vmem>>, vector<16xf32>,
          %mul3A_206 = arith.constant 16 : i32
          %mul3A_207 = arith.muli %add3A_201, %mul3A_206 : i32
          %get3A_208 = arith.index_cast %mul3A_207 : i32 to index
          %get3A_209 = tpu.vector_load %arg11[%get3A_208] {strides = array<i32>} : memref<2000xi32, #tpu.memory_space<vmem>>, vector<16xi32>,
          %gather3A_210 = tpu.vector_load_idx %arg7[%get3A_209] : memref<102400xf32, #tpu.memory_space<vmem>>[vector<16xi32>], vector<16xf32>,
          %exp3A_211 = math.exp %get3A_205 : vector<16xf32>
          %mul3A_212 = arith.mulf %exp3A_211, %gather3A_210 : vector<16xf32>
          %mul3A_213 = arith.constant 16 : i32
          %mul3A_214 = arith.muli %add3A_201, %mul3A_213 : i32
          %swap3A_215 = arith.index_cast %mul3A_214 : i32 to index
          %swap3A_216 = tpu.vector_load %arg13[%swap3A_215] {strides = array<i32>} : memref<2000xf32, #tpu.memory_space<vmem>>, vector<16xf32>,
          tpu.vector_store %arg13[%swap3A_215], %mul3A_212 {strides = array<i32>} : memref<2000xf32, #tpu.memory_space<vmem>>, vector<16xf32>,
          %mul3A_217 = arith.constant 5 : i32
          %mul3A_218 = arith.muli %scan3A_143, %mul3A_217 : i32
          %add3A_219 = arith.constant 4 : i32
          %add3A_220 = arith.addi %mul3A_218, %add3A_219 : i32
          %mul3A_221 = arith.constant 16 : i32
          %mul3A_222 = arith.muli %add3A_220, %mul3A_221 : i32
          %get3A_223 = arith.index_cast %mul3A_222 : i32 to index
          %get3A_224 = tpu.vector_load %arg9[%get3A_223] {strides = array<i32>} : memref<2000xf32, #tpu.memory_space<vmem>>, vector<16xf32>,
          %mul3A_225 = arith.constant 16 : i32
          %mul3A_226 = arith.muli %add3A_220, %mul3A_225 : i32
          %get3A_227 = arith.index_cast %mul3A_226 : i32 to index
          %get3A_228 = tpu.vector_load %arg11[%get3A_227] {strides = array<i32>} : memref<2000xi32, #tpu.memory_space<vmem>>, vector<16xi32>,
          %gather3A_229 = tpu.vector_load_idx %arg7[%get3A_228] : memref<102400xf32, #tpu.memory_space<vmem>>[vector<16xi32>], vector<16xf32>,
          %exp3A_230 = math.exp %get3A_224 : vector<16xf32>
          %mul3A_231 = arith.mulf %exp3A_230, %gather3A_229 : vector<16xf32>
          %mul3A_232 = arith.constant 16 : i32
          %mul3A_233 = arith.muli %add3A_220, %mul3A_232 : i32
          %swap3A_234 = arith.index_cast %mul3A_233 : i32 to index
          %swap3A_235 = tpu.vector_load %arg13[%swap3A_234] {strides = array<i32>} : memref<2000xf32, #tpu.memory_space<vmem>>, vector<16xf32>,
          tpu.vector_store %arg13[%swap3A_234], %mul3A_231 {strides = array<i32>} : memref<2000xf32, #tpu.memory_space<vmem>>, vector<16xf32>,
          %scan3A_236 = arith.constant 0 : i32
          scf.yield %scan3A_236 : i32
        }
        %scan3A_131 = arith.constant 25 : i32
        %add3A_132 = arith.constant 1 : i32
        %add3A_133 = arith.addi %mul3A_44, %add3A_132 : i32
        %mul3A_134 = arith.constant 2000 : i32
        %mul3A_135 = arith.muli %add3A_133, %mul3A_134 : i32
        %add3A_136 = arith.addi %add3A_8, %mul3A_135 : i32
        %dma_start3A_137 = arith.constant 5 : i32
        %dma_start3A_138 = tpu.memref_slice %arg6[%add3A_136] : memref<3200000xf32, #tpu.memory_space<hbm>> -> memref<2000xf32, #tpu.memory_space<hbm>>
        %dma_start3A_139 = tpu.memref_slice %arg14[%dma_start3A_137] : memref<6x!tpu.dma_semaphore, #tpu.memory_space<semaphore_mem>> -> memref<1x!tpu.dma_semaphore, #tpu.memory_space<semaphore_mem>>
        %dma_start3A_140 = tpu.memref_squeeze %dma_start3A_139 : memref<1x!tpu.dma_semaphore, #tpu.memory_space<semaphore_mem>> -> memref<!tpu.dma_semaphore, #tpu.memory_space<semaphore_mem>>
        %dma_start3A_141 = tpu.memref_slice %arg6[%add3A_136] : memref<3200000xf32, #tpu.memory_space<hbm>> -> memref<2000xf32, #tpu.memory_space<hbm>>
        tpu.enqueue_dma source(%arg13 : memref<2000xf32, #tpu.memory_space<vmem>>) target(%dma_start3A_141 : memref<2000xf32, #tpu.memory_space<hbm>>) target_semaphore(%dma_start3A_140 : memref<!tpu.dma_semaphore, #tpu.memory_space<semaphore_mem>>)
        %scan3A_142 = arith.constant 0 : i32
        scf.yield %scan3A_142 : i32
      }
      %scan3A_27 = arith.constant 26 : i32
      %add3A_28 = arith.constant 100000 : i32
      %add3A_29 = arith.addi %add3A_8, %add3A_28 : i32
      %dma_wait3A = arith.constant 4 : i32
      %dma_wait3A_30 = tpu.memref_slice %arg6[%add3A_29] : memref<3200000xf32, #tpu.memory_space<hbm>> -> memref<2000xf32, #tpu.memory_space<hbm>>
      %dma_wait3A_31 = tpu.memref_slice %arg14[%dma_wait3A] : memref<6x!tpu.dma_semaphore, #tpu.memory_space<semaphore_mem>> -> memref<1x!tpu.dma_semaphore, #tpu.memory_space<semaphore_mem>>
      %dma_wait3A_32 = tpu.memref_squeeze %dma_wait3A_31 : memref<1x!tpu.dma_semaphore, #tpu.memory_space<semaphore_mem>> -> memref<!tpu.dma_semaphore, #tpu.memory_space<semaphore_mem>>
      %dma_wait3A_33 = tpu.memref_slice %arg6[%add3A_29] : memref<3200000xf32, #tpu.memory_space<hbm>> -> memref<2000xf32, #tpu.memory_space<hbm>>
      tpu.wait_dma2 semaphore(%dma_wait3A_32 : memref<!tpu.dma_semaphore, #tpu.memory_space<semaphore_mem>>) src(%arg12 : memref<2000xf32, #tpu.memory_space<vmem>>) dst(%dma_wait3A_33 : memref<2000xf32, #tpu.memory_space<hbm>>)
      %add3A_34 = arith.constant 102000 : i32
      %add3A_35 = arith.addi %add3A_8, %add3A_34 : i32
      %dma_wait3A_36 = arith.constant 5 : i32
      %dma_wait3A_37 = tpu.memref_slice %arg6[%add3A_35] : memref<3200000xf32, #tpu.memory_space<hbm>> -> memref<2000xf32, #tpu.memory_space<hbm>>
      %dma_wait3A_38 = tpu.memref_slice %arg14[%dma_wait3A_36] : memref<6x!tpu.dma_semaphore, #tpu.memory_space<semaphore_mem>> -> memref<1x!tpu.dma_semaphore, #tpu.memory_space<semaphore_mem>>
      %dma_wait3A_39 = tpu.memref_squeeze %dma_wait3A_38 : memref<1x!tpu.dma_semaphore, #tpu.memory_space<semaphore_mem>> -> memref<!tpu.dma_semaphore, #tpu.memory_space<semaphore_mem>>
      %dma_wait3A_40 = tpu.memref_slice %arg6[%add3A_35] : memref<3200000xf32, #tpu.memory_space<hbm>> -> memref<2000xf32, #tpu.memory_space<hbm>>
      tpu.wait_dma2 semaphore(%dma_wait3A_39 : memref<!tpu.dma_semaphore, #tpu.memory_space<semaphore_mem>>) src(%arg13 : memref<2000xf32, #tpu.memory_space<vmem>>) dst(%dma_wait3A_40 : memref<2000xf32, #tpu.memory_space<hbm>>)
    } else {
    }
    return
  }
}

#map = affine_map<(d0, d1) -> (0)>
#map1 = affine_map<(d0, d1) -> (0, 0)>
module attributes {stable_mosaic.version = 14 : i64} {
  func.func @_k2_body(%arg0: i32, %arg1: i32, %arg2: memref<1664000xf32, #tpu.memory_space<hbm>>, %arg3: memref<3200000xi32, #tpu.memory_space<hbm>>, %arg4: memref<32x102400xf32, #tpu.memory_space<hbm>>, %arg5: memref<102400xf32, #tpu.memory_space<vmem>>, %arg6: memref<2000xf32, #tpu.memory_space<vmem>>, %arg7: memref<2000xf32, #tpu.memory_space<vmem>>, %arg8: memref<2000xi32, #tpu.memory_space<vmem>>, %arg9: memref<2000xi32, #tpu.memory_space<vmem>>, %arg10: memref<4x!tpu.dma_semaphore, #tpu.memory_space<semaphore_mem>>) attributes {dimension_semantics = [#tpu.dimension_semantics<core_parallel>, #tpu.dimension_semantics<subcore_parallel>], iteration_bounds = array<i64: 2, 16>, scalar_prefetch = 0 : i64, scratch_operands = 6 : i64, tpu.core_type = #tpu.core_type<sc_vector_subcore>, window_params = [{transform_indices = #map}, {transform_indices = #map}, {transform_indices = #map1}]} {
    %mul3A = arith.constant 16 : i32
    %mul3A_0 = arith.muli %arg0, %mul3A : i32
    %add3A = arith.addi %mul3A_0, %arg1 : i32
    %mul3A_1 = arith.constant 52000 : i32
    %mul3A_2 = arith.muli %add3A, %mul3A_1 : i32
    %add3A_3 = arith.constant 1536000 : i32
    %add3A_4 = arith.addi %add3A_3, %mul3A_2 : i32
    %add3A_5 = arith.constant 0 : i32
    %add3A_6 = arith.addi %mul3A_2, %add3A_5 : i32
    %dma_start3A = arith.constant 0 : i32
    %dma_start3A_7 = tpu.memref_slice %arg2[%add3A_6] : memref<1664000xf32, #tpu.memory_space<hbm>> -> memref<2000xf32, #tpu.memory_space<hbm>>
    %dma_start3A_8 = tpu.memref_slice %arg10[%dma_start3A] : memref<4x!tpu.dma_semaphore, #tpu.memory_space<semaphore_mem>> -> memref<1x!tpu.dma_semaphore, #tpu.memory_space<semaphore_mem>>
    %dma_start3A_9 = tpu.memref_squeeze %dma_start3A_8 : memref<1x!tpu.dma_semaphore, #tpu.memory_space<semaphore_mem>> -> memref<!tpu.dma_semaphore, #tpu.memory_space<semaphore_mem>>
    %dma_start3A_10 = tpu.memref_slice %arg2[%add3A_6] : memref<1664000xf32, #tpu.memory_space<hbm>> -> memref<2000xf32, #tpu.memory_space<hbm>>
    tpu.enqueue_dma source(%dma_start3A_10 : memref<2000xf32, #tpu.memory_space<hbm>>) target(%arg6 : memref<2000xf32, #tpu.memory_space<vmem>>) target_semaphore(%dma_start3A_9 : memref<!tpu.dma_semaphore, #tpu.memory_space<semaphore_mem>>)
    %add3A_11 = arith.constant 0 : i32
    %add3A_12 = arith.addi %add3A_4, %add3A_11 : i32
    %dma_start3A_13 = arith.constant 2 : i32
    %dma_start3A_14 = tpu.memref_slice %arg3[%add3A_12] : memref<3200000xi32, #tpu.memory_space<hbm>> -> memref<2000xi32, #tpu.memory_space<hbm>>
    %dma_start3A_15 = tpu.memref_slice %arg10[%dma_start3A_13] : memref<4x!tpu.dma_semaphore, #tpu.memory_space<semaphore_mem>> -> memref<1x!tpu.dma_semaphore, #tpu.memory_space<semaphore_mem>>
    %dma_start3A_16 = tpu.memref_squeeze %dma_start3A_15 : memref<1x!tpu.dma_semaphore, #tpu.memory_space<semaphore_mem>> -> memref<!tpu.dma_semaphore, #tpu.memory_space<semaphore_mem>>
    %dma_start3A_17 = tpu.memref_slice %arg3[%add3A_12] : memref<3200000xi32, #tpu.memory_space<hbm>> -> memref<2000xi32, #tpu.memory_space<hbm>>
    tpu.enqueue_dma source(%dma_start3A_17 : memref<2000xi32, #tpu.memory_space<hbm>>) target(%arg8 : memref<2000xi32, #tpu.memory_space<vmem>>) target_semaphore(%dma_start3A_16 : memref<!tpu.dma_semaphore, #tpu.memory_space<semaphore_mem>>)
    %broadcast_in_dim3A = arith.constant 0.000000e+00 : f32
    %broadcast_in_dim3A_18 = vector.broadcast %broadcast_in_dim3A : f32 to vector<16xf32>
    %scan3A = arith.constant 0 : i32
    %scan3A_19 = arith.constant 0 : i32
    %scan3A_20 = arith.constant 800 : i32
    %scan3A_21 = arith.addi %scan3A_19, %scan3A_20 : i32
    %scan3A_22 = arith.constant 1 : i32
    %scan3A_23 = scf.for %scan3A_32 = %scan3A_19 to %scan3A_21 step %scan3A_22 iter_args(%scan3A_33 = %scan3A) -> (i32)  : i32 {
      %mul3A_34 = arith.constant 8 : i32
      %mul3A_35 = arith.muli %scan3A_32, %mul3A_34 : i32
      %add3A_36 = arith.constant 0 : i32
      %add3A_37 = arith.addi %mul3A_35, %add3A_36 : i32
      %mul3A_38 = arith.constant 16 : i32
      %mul3A_39 = arith.muli %add3A_37, %mul3A_38 : i32
      %swap3A = arith.index_cast %mul3A_39 : i32 to index
      %swap3A_40 = tpu.vector_load %arg5[%swap3A] {strides = array<i32>} : memref<102400xf32, #tpu.memory_space<vmem>>, vector<16xf32>,
      tpu.vector_store %arg5[%swap3A], %broadcast_in_dim3A_18 {strides = array<i32>} : memref<102400xf32, #tpu.memory_space<vmem>>, vector<16xf32>,
      %mul3A_41 = arith.constant 8 : i32
      %mul3A_42 = arith.muli %scan3A_32, %mul3A_41 : i32
      %add3A_43 = arith.constant 1 : i32
      %add3A_44 = arith.addi %mul3A_42, %add3A_43 : i32
      %mul3A_45 = arith.constant 16 : i32
      %mul3A_46 = arith.muli %add3A_44, %mul3A_45 : i32
      %swap3A_47 = arith.index_cast %mul3A_46 : i32 to index
      %swap3A_48 = tpu.vector_load %arg5[%swap3A_47] {strides = array<i32>} : memref<102400xf32, #tpu.memory_space<vmem>>, vector<16xf32>,
      tpu.vector_store %arg5[%swap3A_47], %broadcast_in_dim3A_18 {strides = array<i32>} : memref<102400xf32, #tpu.memory_space<vmem>>, vector<16xf32>,
      %mul3A_49 = arith.constant 8 : i32
      %mul3A_50 = arith.muli %scan3A_32, %mul3A_49 : i32
      %add3A_51 = arith.constant 2 : i32
      %add3A_52 = arith.addi %mul3A_50, %add3A_51 : i32
      %mul3A_53 = arith.constant 16 : i32
      %mul3A_54 = arith.muli %add3A_52, %mul3A_53 : i32
      %swap3A_55 = arith.index_cast %mul3A_54 : i32 to index
      %swap3A_56 = tpu.vector_load %arg5[%swap3A_55] {strides = array<i32>} : memref<102400xf32, #tpu.memory_space<vmem>>, vector<16xf32>,
      tpu.vector_store %arg5[%swap3A_55], %broadcast_in_dim3A_18 {strides = array<i32>} : memref<102400xf32, #tpu.memory_space<vmem>>, vector<16xf32>,
      %mul3A_57 = arith.constant 8 : i32
      %mul3A_58 = arith.muli %scan3A_32, %mul3A_57 : i32
      %add3A_59 = arith.constant 3 : i32
      %add3A_60 = arith.addi %mul3A_58, %add3A_59 : i32
      %mul3A_61 = arith.constant 16 : i32
      %mul3A_62 = arith.muli %add3A_60, %mul3A_61 : i32
      %swap3A_63 = arith.index_cast %mul3A_62 : i32 to index
      %swap3A_64 = tpu.vector_load %arg5[%swap3A_63] {strides = array<i32>} : memref<102400xf32, #tpu.memory_space<vmem>>, vector<16xf32>,
      tpu.vector_store %arg5[%swap3A_63], %broadcast_in_dim3A_18 {strides = array<i32>} : memref<102400xf32, #tpu.memory_space<vmem>>, vector<16xf32>,
      %mul3A_65 = arith.constant 8 : i32
      %mul3A_66 = arith.muli %scan3A_32, %mul3A_65 : i32
      %add3A_67 = arith.constant 4 : i32
      %add3A_68 = arith.addi %mul3A_66, %add3A_67 : i32
      %mul3A_69 = arith.constant 16 : i32
      %mul3A_70 = arith.muli %add3A_68, %mul3A_69 : i32
      %swap3A_71 = arith.index_cast %mul3A_70 : i32 to index
      %swap3A_72 = tpu.vector_load %arg5[%swap3A_71] {strides = array<i32>} : memref<102400xf32, #tpu.memory_space<vmem>>, vector<16xf32>,
      tpu.vector_store %arg5[%swap3A_71], %broadcast_in_dim3A_18 {strides = array<i32>} : memref<102400xf32, #tpu.memory_space<vmem>>, vector<16xf32>,
      %mul3A_73 = arith.constant 8 : i32
      %mul3A_74 = arith.muli %scan3A_32, %mul3A_73 : i32
      %add3A_75 = arith.constant 5 : i32
      %add3A_76 = arith.addi %mul3A_74, %add3A_75 : i32
      %mul3A_77 = arith.constant 16 : i32
      %mul3A_78 = arith.muli %add3A_76, %mul3A_77 : i32
      %swap3A_79 = arith.index_cast %mul3A_78 : i32 to index
      %swap3A_80 = tpu.vector_load %arg5[%swap3A_79] {strides = array<i32>} : memref<102400xf32, #tpu.memory_space<vmem>>, vector<16xf32>,
      tpu.vector_store %arg5[%swap3A_79], %broadcast_in_dim3A_18 {strides = array<i32>} : memref<102400xf32, #tpu.memory_space<vmem>>, vector<16xf32>,
      %mul3A_81 = arith.constant 8 : i32
      %mul3A_82 = arith.muli %scan3A_32, %mul3A_81 : i32
      %add3A_83 = arith.constant 6 : i32
      %add3A_84 = arith.addi %mul3A_82, %add3A_83 : i32
      %mul3A_85 = arith.constant 16 : i32
      %mul3A_86 = arith.muli %add3A_84, %mul3A_85 : i32
      %swap3A_87 = arith.index_cast %mul3A_86 : i32 to index
      %swap3A_88 = tpu.vector_load %arg5[%swap3A_87] {strides = array<i32>} : memref<102400xf32, #tpu.memory_space<vmem>>, vector<16xf32>,
      tpu.vector_store %arg5[%swap3A_87], %broadcast_in_dim3A_18 {strides = array<i32>} : memref<102400xf32, #tpu.memory_space<vmem>>, vector<16xf32>,
      %mul3A_89 = arith.constant 8 : i32
      %mul3A_90 = arith.muli %scan3A_32, %mul3A_89 : i32
      %add3A_91 = arith.constant 7 : i32
      %add3A_92 = arith.addi %mul3A_90, %add3A_91 : i32
      %mul3A_93 = arith.constant 16 : i32
      %mul3A_94 = arith.muli %add3A_92, %mul3A_93 : i32
      %swap3A_95 = arith.index_cast %mul3A_94 : i32 to index
      %swap3A_96 = tpu.vector_load %arg5[%swap3A_95] {strides = array<i32>} : memref<102400xf32, #tpu.memory_space<vmem>>, vector<16xf32>,
      tpu.vector_store %arg5[%swap3A_95], %broadcast_in_dim3A_18 {strides = array<i32>} : memref<102400xf32, #tpu.memory_space<vmem>>, vector<16xf32>,
      %scan3A_97 = arith.constant 0 : i32
      scf.yield %scan3A_97 : i32
    }
    %scan3A_24 = arith.constant 800 : i32
    %scan3A_25 = arith.constant 0 : i32
    %scan3A_26 = arith.constant 0 : i32
    %scan3A_27 = arith.constant 13 : i32
    %scan3A_28 = arith.addi %scan3A_26, %scan3A_27 : i32
    %scan3A_29 = arith.constant 1 : i32
    %scan3A_30 = scf.for %scan3A_32 = %scan3A_26 to %scan3A_28 step %scan3A_29 iter_args(%scan3A_33 = %scan3A_25) -> (i32)  : i32 {
      %mul3A_34 = arith.constant 2 : i32
      %mul3A_35 = arith.muli %mul3A_34, %scan3A_32 : i32
      %add3A_36 = arith.constant 1 : i32
      %add3A_37 = arith.addi %mul3A_35, %add3A_36 : i32
      %mul3A_38 = arith.constant 2000 : i32
      %mul3A_39 = arith.muli %add3A_37, %mul3A_38 : i32
      %add3A_40 = arith.addi %mul3A_2, %mul3A_39 : i32
      %dma_start3A_41 = arith.constant 1 : i32
      %dma_start3A_42 = tpu.memref_slice %arg2[%add3A_40] : memref<1664000xf32, #tpu.memory_space<hbm>> -> memref<2000xf32, #tpu.memory_space<hbm>>
      %dma_start3A_43 = tpu.memref_slice %arg10[%dma_start3A_41] : memref<4x!tpu.dma_semaphore, #tpu.memory_space<semaphore_mem>> -> memref<1x!tpu.dma_semaphore, #tpu.memory_space<semaphore_mem>>
      %dma_start3A_44 = tpu.memref_squeeze %dma_start3A_43 : memref<1x!tpu.dma_semaphore, #tpu.memory_space<semaphore_mem>> -> memref<!tpu.dma_semaphore, #tpu.memory_space<semaphore_mem>>
      %dma_start3A_45 = tpu.memref_slice %arg2[%add3A_40] : memref<1664000xf32, #tpu.memory_space<hbm>> -> memref<2000xf32, #tpu.memory_space<hbm>>
      tpu.enqueue_dma source(%dma_start3A_45 : memref<2000xf32, #tpu.memory_space<hbm>>) target(%arg7 : memref<2000xf32, #tpu.memory_space<vmem>>) target_semaphore(%dma_start3A_44 : memref<!tpu.dma_semaphore, #tpu.memory_space<semaphore_mem>>)
      %mul3A_46 = arith.constant 2000 : i32
      %mul3A_47 = arith.muli %add3A_37, %mul3A_46 : i32
      %add3A_48 = arith.addi %add3A_4, %mul3A_47 : i32
      %dma_start3A_49 = arith.constant 3 : i32
      %dma_start3A_50 = tpu.memref_slice %arg3[%add3A_48] : memref<3200000xi32, #tpu.memory_space<hbm>> -> memref<2000xi32, #tpu.memory_space<hbm>>
      %dma_start3A_51 = tpu.memref_slice %arg10[%dma_start3A_49] : memref<4x!tpu.dma_semaphore, #tpu.memory_space<semaphore_mem>> -> memref<1x!tpu.dma_semaphore, #tpu.memory_space<semaphore_mem>>
      %dma_start3A_52 = tpu.memref_squeeze %dma_start3A_51 : memref<1x!tpu.dma_semaphore, #tpu.memory_space<semaphore_mem>> -> memref<!tpu.dma_semaphore, #tpu.memory_space<semaphore_mem>>
      %dma_start3A_53 = tpu.memref_slice %arg3[%add3A_48] : memref<3200000xi32, #tpu.memory_space<hbm>> -> memref<2000xi32, #tpu.memory_space<hbm>>
      tpu.enqueue_dma source(%dma_start3A_53 : memref<2000xi32, #tpu.memory_space<hbm>>) target(%arg9 : memref<2000xi32, #tpu.memory_space<vmem>>) target_semaphore(%dma_start3A_52 : memref<!tpu.dma_semaphore, #tpu.memory_space<semaphore_mem>>)
      %mul3A_54 = arith.constant 2000 : i32
      %mul3A_55 = arith.muli %mul3A_35, %mul3A_54 : i32
      %add3A_56 = arith.addi %mul3A_2, %mul3A_55 : i32
      %dma_wait3A = arith.constant 0 : i32
      %dma_wait3A_57 = tpu.memref_slice %arg2[%add3A_56] : memref<1664000xf32, #tpu.memory_space<hbm>> -> memref<2000xf32, #tpu.memory_space<hbm>>
      %dma_wait3A_58 = tpu.memref_slice %arg10[%dma_wait3A] : memref<4x!tpu.dma_semaphore, #tpu.memory_space<semaphore_mem>> -> memref<1x!tpu.dma_semaphore, #tpu.memory_space<semaphore_mem>>
      %dma_wait3A_59 = tpu.memref_squeeze %dma_wait3A_58 : memref<1x!tpu.dma_semaphore, #tpu.memory_space<semaphore_mem>> -> memref<!tpu.dma_semaphore, #tpu.memory_space<semaphore_mem>>
      %dma_wait3A_60 = tpu.memref_slice %arg2[%add3A_56] : memref<1664000xf32, #tpu.memory_space<hbm>> -> memref<2000xf32, #tpu.memory_space<hbm>>
      tpu.wait_dma2 semaphore(%dma_wait3A_59 : memref<!tpu.dma_semaphore, #tpu.memory_space<semaphore_mem>>) src(%dma_wait3A_60 : memref<2000xf32, #tpu.memory_space<hbm>>) dst(%arg6 : memref<2000xf32, #tpu.memory_space<vmem>>)
      %mul3A_61 = arith.constant 2000 : i32
      %mul3A_62 = arith.muli %mul3A_35, %mul3A_61 : i32
      %add3A_63 = arith.addi %add3A_4, %mul3A_62 : i32
      %dma_wait3A_64 = arith.constant 2 : i32
      %dma_wait3A_65 = tpu.memref_slice %arg3[%add3A_63] : memref<3200000xi32, #tpu.memory_space<hbm>> -> memref<2000xi32, #tpu.memory_space<hbm>>
      %dma_wait3A_66 = tpu.memref_slice %arg10[%dma_wait3A_64] : memref<4x!tpu.dma_semaphore, #tpu.memory_space<semaphore_mem>> -> memref<1x!tpu.dma_semaphore, #tpu.memory_space<semaphore_mem>>
      %dma_wait3A_67 = tpu.memref_squeeze %dma_wait3A_66 : memref<1x!tpu.dma_semaphore, #tpu.memory_space<semaphore_mem>> -> memref<!tpu.dma_semaphore, #tpu.memory_space<semaphore_mem>>
      %dma_wait3A_68 = tpu.memref_slice %arg3[%add3A_63] : memref<3200000xi32, #tpu.memory_space<hbm>> -> memref<2000xi32, #tpu.memory_space<hbm>>
      tpu.wait_dma2 semaphore(%dma_wait3A_67 : memref<!tpu.dma_semaphore, #tpu.memory_space<semaphore_mem>>) src(%dma_wait3A_68 : memref<2000xi32, #tpu.memory_space<hbm>>) dst(%arg8 : memref<2000xi32, #tpu.memory_space<vmem>>)
      %scan3A_69 = arith.constant 0 : i32
      %scan3A_70 = arith.constant 0 : i32
      %scan3A_71 = arith.constant 25 : i32
      %scan3A_72 = arith.addi %scan3A_70, %scan3A_71 : i32
      %scan3A_73 = arith.constant 1 : i32
      %scan3A_74 = scf.for %scan3A_104 = %scan3A_70 to %scan3A_72 step %scan3A_73 iter_args(%scan3A_105 = %scan3A_69) -> (i32)  : i32 {
        %mul3A_106 = arith.constant 5 : i32
        %mul3A_107 = arith.muli %scan3A_104, %mul3A_106 : i32
        %add3A_108 = arith.constant 0 : i32
        %add3A_109 = arith.addi %mul3A_107, %add3A_108 : i32
        %mul3A_110 = arith.constant 16 : i32
        %mul3A_111 = arith.muli %add3A_109, %mul3A_110 : i32
        %get3A = arith.index_cast %mul3A_111 : i32 to index
        %get3A_112 = tpu.vector_load %arg6[%get3A] {strides = array<i32>} : memref<2000xf32, #tpu.memory_space<vmem>>, vector<16xf32>,
        %mul3A_113 = arith.constant 16 : i32
        %mul3A_114 = arith.muli %add3A_109, %mul3A_113 : i32
        %get3A_115 = arith.index_cast %mul3A_114 : i32 to index
        %get3A_116 = tpu.vector_load %arg8[%get3A_115] {strides = array<i32>} : memref<2000xi32, #tpu.memory_space<vmem>>, vector<16xi32>,
        %exp3A = math.exp %get3A_112 : vector<16xf32>
        tpu.vector_store_idx %arg5[%get3A_116], %exp3A {add = true} : memref<102400xf32, #tpu.memory_space<vmem>>[vector<16xi32>], vector<16xf32>,
        %mul3A_117 = arith.constant 5 : i32
        %mul3A_118 = arith.muli %scan3A_104, %mul3A_117 : i32
        %add3A_119 = arith.constant 1 : i32
        %add3A_120 = arith.addi %mul3A_118, %add3A_119 : i32
        %mul3A_121 = arith.constant 16 : i32
        %mul3A_122 = arith.muli %add3A_120, %mul3A_121 : i32
        %get3A_123 = arith.index_cast %mul3A_122 : i32 to index
        %get3A_124 = tpu.vector_load %arg6[%get3A_123] {strides = array<i32>} : memref<2000xf32, #tpu.memory_space<vmem>>, vector<16xf32>,
        %mul3A_125 = arith.constant 16 : i32
        %mul3A_126 = arith.muli %add3A_120, %mul3A_125 : i32
        %get3A_127 = arith.index_cast %mul3A_126 : i32 to index
        %get3A_128 = tpu.vector_load %arg8[%get3A_127] {strides = array<i32>} : memref<2000xi32, #tpu.memory_space<vmem>>, vector<16xi32>,
        %exp3A_129 = math.exp %get3A_124 : vector<16xf32>
        tpu.vector_store_idx %arg5[%get3A_128], %exp3A_129 {add = true} : memref<102400xf32, #tpu.memory_space<vmem>>[vector<16xi32>], vector<16xf32>,
        %mul3A_130 = arith.constant 5 : i32
        %mul3A_131 = arith.muli %scan3A_104, %mul3A_130 : i32
        %add3A_132 = arith.constant 2 : i32
        %add3A_133 = arith.addi %mul3A_131, %add3A_132 : i32
        %mul3A_134 = arith.constant 16 : i32
        %mul3A_135 = arith.muli %add3A_133, %mul3A_134 : i32
        %get3A_136 = arith.index_cast %mul3A_135 : i32 to index
        %get3A_137 = tpu.vector_load %arg6[%get3A_136] {strides = array<i32>} : memref<2000xf32, #tpu.memory_space<vmem>>, vector<16xf32>,
        %mul3A_138 = arith.constant 16 : i32
        %mul3A_139 = arith.muli %add3A_133, %mul3A_138 : i32
        %get3A_140 = arith.index_cast %mul3A_139 : i32 to index
        %get3A_141 = tpu.vector_load %arg8[%get3A_140] {strides = array<i32>} : memref<2000xi32, #tpu.memory_space<vmem>>, vector<16xi32>,
        %exp3A_142 = math.exp %get3A_137 : vector<16xf32>
        tpu.vector_store_idx %arg5[%get3A_141], %exp3A_142 {add = true} : memref<102400xf32, #tpu.memory_space<vmem>>[vector<16xi32>], vector<16xf32>,
        %mul3A_143 = arith.constant 5 : i32
        %mul3A_144 = arith.muli %scan3A_104, %mul3A_143 : i32
        %add3A_145 = arith.constant 3 : i32
        %add3A_146 = arith.addi %mul3A_144, %add3A_145 : i32
        %mul3A_147 = arith.constant 16 : i32
        %mul3A_148 = arith.muli %add3A_146, %mul3A_147 : i32
        %get3A_149 = arith.index_cast %mul3A_148 : i32 to index
        %get3A_150 = tpu.vector_load %arg6[%get3A_149] {strides = array<i32>} : memref<2000xf32, #tpu.memory_space<vmem>>, vector<16xf32>,
        %mul3A_151 = arith.constant 16 : i32
        %mul3A_152 = arith.muli %add3A_146, %mul3A_151 : i32
        %get3A_153 = arith.index_cast %mul3A_152 : i32 to index
        %get3A_154 = tpu.vector_load %arg8[%get3A_153] {strides = array<i32>} : memref<2000xi32, #tpu.memory_space<vmem>>, vector<16xi32>,
        %exp3A_155 = math.exp %get3A_150 : vector<16xf32>
        tpu.vector_store_idx %arg5[%get3A_154], %exp3A_155 {add = true} : memref<102400xf32, #tpu.memory_space<vmem>>[vector<16xi32>], vector<16xf32>,
        %mul3A_156 = arith.constant 5 : i32
        %mul3A_157 = arith.muli %scan3A_104, %mul3A_156 : i32
        %add3A_158 = arith.constant 4 : i32
        %add3A_159 = arith.addi %mul3A_157, %add3A_158 : i32
        %mul3A_160 = arith.constant 16 : i32
        %mul3A_161 = arith.muli %add3A_159, %mul3A_160 : i32
        %get3A_162 = arith.index_cast %mul3A_161 : i32 to index
        %get3A_163 = tpu.vector_load %arg6[%get3A_162] {strides = array<i32>} : memref<2000xf32, #tpu.memory_space<vmem>>, vector<16xf32>,
        %mul3A_164 = arith.constant 16 : i32
        %mul3A_165 = arith.muli %add3A_159, %mul3A_164 : i32
        %get3A_166 = arith.index_cast %mul3A_165 : i32 to index
        %get3A_167 = tpu.vector_load %arg8[%get3A_166] {strides = array<i32>} : memref<2000xi32, #tpu.memory_space<vmem>>, vector<16xi32>,
        %exp3A_168 = math.exp %get3A_163 : vector<16xf32>
        tpu.vector_store_idx %arg5[%get3A_167], %exp3A_168 {add = true} : memref<102400xf32, #tpu.memory_space<vmem>>[vector<16xi32>], vector<16xf32>,
        %scan3A_169 = arith.constant 0 : i32
        scf.yield %scan3A_169 : i32
      }
      %scan3A_75 = arith.constant 25 : i32
      %lt3A = arith.constant 12 : i32
      %lt3A_76 = arith.cmpi slt, %scan3A_32, %lt3A : i32
      %convert_element_type3A = arith.extui %lt3A_76 : i1 to i32
      %cond3A = arith.constant 0 : i32
      %cond3A_77 = arith.cmpi ne, %convert_element_type3A, %cond3A : i32
      scf.if %cond3A_77 {
        %add3A_104 = arith.constant 2 : i32
        %add3A_105 = arith.addi %mul3A_35, %add3A_104 : i32
        %mul3A_106 = arith.constant 2000 : i32
        %mul3A_107 = arith.muli %add3A_105, %mul3A_106 : i32
        %add3A_108 = arith.addi %mul3A_2, %mul3A_107 : i32
        %dma_start3A_109 = arith.constant 0 : i32
        %dma_start3A_110 = tpu.memref_slice %arg2[%add3A_108] : memref<1664000xf32, #tpu.memory_space<hbm>> -> memref<2000xf32, #tpu.memory_space<hbm>>
        %dma_start3A_111 = tpu.memref_slice %arg10[%dma_start3A_109] : memref<4x!tpu.dma_semaphore, #tpu.memory_space<semaphore_mem>> -> memref<1x!tpu.dma_semaphore, #tpu.memory_space<semaphore_mem>>
        %dma_start3A_112 = tpu.memref_squeeze %dma_start3A_111 : memref<1x!tpu.dma_semaphore, #tpu.memory_space<semaphore_mem>> -> memref<!tpu.dma_semaphore, #tpu.memory_space<semaphore_mem>>
        %dma_start3A_113 = tpu.memref_slice %arg2[%add3A_108] : memref<1664000xf32, #tpu.memory_space<hbm>> -> memref<2000xf32, #tpu.memory_space<hbm>>
        tpu.enqueue_dma source(%dma_start3A_113 : memref<2000xf32, #tpu.memory_space<hbm>>) target(%arg6 : memref<2000xf32, #tpu.memory_space<vmem>>) target_semaphore(%dma_start3A_112 : memref<!tpu.dma_semaphore, #tpu.memory_space<semaphore_mem>>)
        %mul3A_114 = arith.constant 2000 : i32
        %mul3A_115 = arith.muli %add3A_105, %mul3A_114 : i32
        %add3A_116 = arith.addi %add3A_4, %mul3A_115 : i32
        %dma_start3A_117 = arith.constant 2 : i32
        %dma_start3A_118 = tpu.memref_slice %arg3[%add3A_116] : memref<3200000xi32, #tpu.memory_space<hbm>> -> memref<2000xi32, #tpu.memory_space<hbm>>
        %dma_start3A_119 = tpu.memref_slice %arg10[%dma_start3A_117] : memref<4x!tpu.dma_semaphore, #tpu.memory_space<semaphore_mem>> -> memref<1x!tpu.dma_semaphore, #tpu.memory_space<semaphore_mem>>
        %dma_start3A_120 = tpu.memref_squeeze %dma_start3A_119 : memref<1x!tpu.dma_semaphore, #tpu.memory_space<semaphore_mem>> -> memref<!tpu.dma_semaphore, #tpu.memory_space<semaphore_mem>>
        %dma_start3A_121 = tpu.memref_slice %arg3[%add3A_116] : memref<3200000xi32, #tpu.memory_space<hbm>> -> memref<2000xi32, #tpu.memory_space<hbm>>
        tpu.enqueue_dma source(%dma_start3A_121 : memref<2000xi32, #tpu.memory_space<hbm>>) target(%arg8 : memref<2000xi32, #tpu.memory_space<vmem>>) target_semaphore(%dma_start3A_120 : memref<!tpu.dma_semaphore, #tpu.memory_space<semaphore_mem>>)
      } else {
      }
      %add3A_78 = arith.constant 1 : i32
      %add3A_79 = arith.addi %mul3A_35, %add3A_78 : i32
      %mul3A_80 = arith.constant 2000 : i32
      %mul3A_81 = arith.muli %add3A_79, %mul3A_80 : i32
      %add3A_82 = arith.addi %mul3A_2, %mul3A_81 : i32
      %dma_wait3A_83 = arith.constant 1 : i32
      %dma_wait3A_84 = tpu.memref_slice %arg2[%add3A_82] : memref<1664000xf32, #tpu.memory_space<hbm>> -> memref<2000xf32, #tpu.memory_space<hbm>>
      %dma_wait3A_85 = tpu.memref_slice %arg10[%dma_wait3A_83] : memref<4x!tpu.dma_semaphore, #tpu.memory_space<semaphore_mem>> -> memref<1x!tpu.dma_semaphore, #tpu.memory_space<semaphore_mem>>
      %dma_wait3A_86 = tpu.memref_squeeze %dma_wait3A_85 : memref<1x!tpu.dma_semaphore, #tpu.memory_space<semaphore_mem>> -> memref<!tpu.dma_semaphore, #tpu.memory_space<semaphore_mem>>
      %dma_wait3A_87 = tpu.memref_slice %arg2[%add3A_82] : memref<1664000xf32, #tpu.memory_space<hbm>> -> memref<2000xf32, #tpu.memory_space<hbm>>
      tpu.wait_dma2 semaphore(%dma_wait3A_86 : memref<!tpu.dma_semaphore, #tpu.memory_space<semaphore_mem>>) src(%dma_wait3A_87 : memref<2000xf32, #tpu.memory_space<hbm>>) dst(%arg7 : memref<2000xf32, #tpu.memory_space<vmem>>)
      %mul3A_88 = arith.constant 2000 : i32
      %mul3A_89 = arith.muli %add3A_79, %mul3A_88 : i32
      %add3A_90 = arith.addi %add3A_4, %mul3A_89 : i32
      %dma_wait3A_91 = arith.constant 3 : i32
      %dma_wait3A_92 = tpu.memref_slice %arg3[%add3A_90] : memref<3200000xi32, #tpu.memory_space<hbm>> -> memref<2000xi32, #tpu.memory_space<hbm>>
      %dma_wait3A_93 = tpu.memref_slice %arg10[%dma_wait3A_91] : memref<4x!tpu.dma_semaphore, #tpu.memory_space<semaphore_mem>> -> memref<1x!tpu.dma_semaphore, #tpu.memory_space<semaphore_mem>>
      %dma_wait3A_94 = tpu.memref_squeeze %dma_wait3A_93 : memref<1x!tpu.dma_semaphore, #tpu.memory_space<semaphore_mem>> -> memref<!tpu.dma_semaphore, #tpu.memory_space<semaphore_mem>>
      %dma_wait3A_95 = tpu.memref_slice %arg3[%add3A_90] : memref<3200000xi32, #tpu.memory_space<hbm>> -> memref<2000xi32, #tpu.memory_space<hbm>>
      tpu.wait_dma2 semaphore(%dma_wait3A_94 : memref<!tpu.dma_semaphore, #tpu.memory_space<semaphore_mem>>) src(%dma_wait3A_95 : memref<2000xi32, #tpu.memory_space<hbm>>) dst(%arg9 : memref<2000xi32, #tpu.memory_space<vmem>>)
      %scan3A_96 = arith.constant 0 : i32
      %scan3A_97 = arith.constant 0 : i32
      %scan3A_98 = arith.constant 25 : i32
      %scan3A_99 = arith.addi %scan3A_97, %scan3A_98 : i32
      %scan3A_100 = arith.constant 1 : i32
      %scan3A_101 = scf.for %scan3A_104 = %scan3A_97 to %scan3A_99 step %scan3A_100 iter_args(%scan3A_105 = %scan3A_96) -> (i32)  : i32 {
        %mul3A_106 = arith.constant 5 : i32
        %mul3A_107 = arith.muli %scan3A_104, %mul3A_106 : i32
        %add3A_108 = arith.constant 0 : i32
        %add3A_109 = arith.addi %mul3A_107, %add3A_108 : i32
        %mul3A_110 = arith.constant 16 : i32
        %mul3A_111 = arith.muli %add3A_109, %mul3A_110 : i32
        %get3A = arith.index_cast %mul3A_111 : i32 to index
        %get3A_112 = tpu.vector_load %arg7[%get3A] {strides = array<i32>} : memref<2000xf32, #tpu.memory_space<vmem>>, vector<16xf32>,
        %mul3A_113 = arith.constant 16 : i32
        %mul3A_114 = arith.muli %add3A_109, %mul3A_113 : i32
        %get3A_115 = arith.index_cast %mul3A_114 : i32 to index
        %get3A_116 = tpu.vector_load %arg9[%get3A_115] {strides = array<i32>} : memref<2000xi32, #tpu.memory_space<vmem>>, vector<16xi32>,
        %exp3A = math.exp %get3A_112 : vector<16xf32>
        tpu.vector_store_idx %arg5[%get3A_116], %exp3A {add = true} : memref<102400xf32, #tpu.memory_space<vmem>>[vector<16xi32>], vector<16xf32>,
        %mul3A_117 = arith.constant 5 : i32
        %mul3A_118 = arith.muli %scan3A_104, %mul3A_117 : i32
        %add3A_119 = arith.constant 1 : i32
        %add3A_120 = arith.addi %mul3A_118, %add3A_119 : i32
        %mul3A_121 = arith.constant 16 : i32
        %mul3A_122 = arith.muli %add3A_120, %mul3A_121 : i32
        %get3A_123 = arith.index_cast %mul3A_122 : i32 to index
        %get3A_124 = tpu.vector_load %arg7[%get3A_123] {strides = array<i32>} : memref<2000xf32, #tpu.memory_space<vmem>>, vector<16xf32>,
        %mul3A_125 = arith.constant 16 : i32
        %mul3A_126 = arith.muli %add3A_120, %mul3A_125 : i32
        %get3A_127 = arith.index_cast %mul3A_126 : i32 to index
        %get3A_128 = tpu.vector_load %arg9[%get3A_127] {strides = array<i32>} : memref<2000xi32, #tpu.memory_space<vmem>>, vector<16xi32>,
        %exp3A_129 = math.exp %get3A_124 : vector<16xf32>
        tpu.vector_store_idx %arg5[%get3A_128], %exp3A_129 {add = true} : memref<102400xf32, #tpu.memory_space<vmem>>[vector<16xi32>], vector<16xf32>,
        %mul3A_130 = arith.constant 5 : i32
        %mul3A_131 = arith.muli %scan3A_104, %mul3A_130 : i32
        %add3A_132 = arith.constant 2 : i32
        %add3A_133 = arith.addi %mul3A_131, %add3A_132 : i32
        %mul3A_134 = arith.constant 16 : i32
        %mul3A_135 = arith.muli %add3A_133, %mul3A_134 : i32
        %get3A_136 = arith.index_cast %mul3A_135 : i32 to index
        %get3A_137 = tpu.vector_load %arg7[%get3A_136] {strides = array<i32>} : memref<2000xf32, #tpu.memory_space<vmem>>, vector<16xf32>,
        %mul3A_138 = arith.constant 16 : i32
        %mul3A_139 = arith.muli %add3A_133, %mul3A_138 : i32
        %get3A_140 = arith.index_cast %mul3A_139 : i32 to index
        %get3A_141 = tpu.vector_load %arg9[%get3A_140] {strides = array<i32>} : memref<2000xi32, #tpu.memory_space<vmem>>, vector<16xi32>,
        %exp3A_142 = math.exp %get3A_137 : vector<16xf32>
        tpu.vector_store_idx %arg5[%get3A_141], %exp3A_142 {add = true} : memref<102400xf32, #tpu.memory_space<vmem>>[vector<16xi32>], vector<16xf32>,
        %mul3A_143 = arith.constant 5 : i32
        %mul3A_144 = arith.muli %scan3A_104, %mul3A_143 : i32
        %add3A_145 = arith.constant 3 : i32
        %add3A_146 = arith.addi %mul3A_144, %add3A_145 : i32
        %mul3A_147 = arith.constant 16 : i32
        %mul3A_148 = arith.muli %add3A_146, %mul3A_147 : i32
        %get3A_149 = arith.index_cast %mul3A_148 : i32 to index
        %get3A_150 = tpu.vector_load %arg7[%get3A_149] {strides = array<i32>} : memref<2000xf32, #tpu.memory_space<vmem>>, vector<16xf32>,
        %mul3A_151 = arith.constant 16 : i32
        %mul3A_152 = arith.muli %add3A_146, %mul3A_151 : i32
        %get3A_153 = arith.index_cast %mul3A_152 : i32 to index
        %get3A_154 = tpu.vector_load %arg9[%get3A_153] {strides = array<i32>} : memref<2000xi32, #tpu.memory_space<vmem>>, vector<16xi32>,
        %exp3A_155 = math.exp %get3A_150 : vector<16xf32>
        tpu.vector_store_idx %arg5[%get3A_154], %exp3A_155 {add = true} : memref<102400xf32, #tpu.memory_space<vmem>>[vector<16xi32>], vector<16xf32>,
        %mul3A_156 = arith.constant 5 : i32
        %mul3A_157 = arith.muli %scan3A_104, %mul3A_156 : i32
        %add3A_158 = arith.constant 4 : i32
        %add3A_159 = arith.addi %mul3A_157, %add3A_158 : i32
        %mul3A_160 = arith.constant 16 : i32
        %mul3A_161 = arith.muli %add3A_159, %mul3A_160 : i32
        %get3A_162 = arith.index_cast %mul3A_161 : i32 to index
        %get3A_163 = tpu.vector_load %arg7[%get3A_162] {strides = array<i32>} : memref<2000xf32, #tpu.memory_space<vmem>>, vector<16xf32>,
        %mul3A_164 = arith.constant 16 : i32
        %mul3A_165 = arith.muli %add3A_159, %mul3A_164 : i32
        %get3A_166 = arith.index_cast %mul3A_165 : i32 to index
        %get3A_167 = tpu.vector_load %arg9[%get3A_166] {strides = array<i32>} : memref<2000xi32, #tpu.memory_space<vmem>>, vector<16xi32>,
        %exp3A_168 = math.exp %get3A_163 : vector<16xf32>
        tpu.vector_store_idx %arg5[%get3A_167], %exp3A_168 {add = true} : memref<102400xf32, #tpu.memory_space<vmem>>[vector<16xi32>], vector<16xf32>,
        %scan3A_169 = arith.constant 0 : i32
        scf.yield %scan3A_169 : i32
      }
      %scan3A_102 = arith.constant 25 : i32
      %scan3A_103 = arith.constant 0 : i32
      scf.yield %scan3A_103 : i32
    }
    %scan3A_31 = arith.constant 13 : i32
    "tpu.region"() ({
      %run_scoped3A = tpu.sem_alloc : memref<!tpu.dma_semaphore, #tpu.memory_space<semaphore_mem>>
      %dma_start3A_32 = arith.constant 0 : i32
      %dma_start3A_33 = tpu.memref_slice %arg4[%add3A, %dma_start3A_32] : memref<32x102400xf32, #tpu.memory_space<hbm>> -> memref<1x102400xf32, #tpu.memory_space<hbm>>
      %dma_start3A_34 = tpu.memref_squeeze %dma_start3A_33 : memref<1x102400xf32, #tpu.memory_space<hbm>> -> memref<102400xf32, #tpu.memory_space<hbm>>
      %dma_start3A_35 = arith.constant 0 : i32
      %dma_start3A_36 = tpu.memref_slice %arg4[%add3A, %dma_start3A_35] : memref<32x102400xf32, #tpu.memory_space<hbm>> -> memref<1x102400xf32, #tpu.memory_space<hbm>>
      %dma_start3A_37 = tpu.memref_squeeze %dma_start3A_36 : memref<1x102400xf32, #tpu.memory_space<hbm>> -> memref<102400xf32, #tpu.memory_space<hbm>>
      tpu.enqueue_dma source(%arg5 : memref<102400xf32, #tpu.memory_space<vmem>>) target(%dma_start3A_37 : memref<102400xf32, #tpu.memory_space<hbm>>) target_semaphore(%run_scoped3A : memref<!tpu.dma_semaphore, #tpu.memory_space<semaphore_mem>>)
      %dma_wait3A = arith.constant 0 : i32
      %dma_wait3A_38 = tpu.memref_slice %arg4[%add3A, %dma_wait3A] : memref<32x102400xf32, #tpu.memory_space<hbm>> -> memref<1x102400xf32, #tpu.memory_space<hbm>>
      %dma_wait3A_39 = tpu.memref_squeeze %dma_wait3A_38 : memref<1x102400xf32, #tpu.memory_space<hbm>> -> memref<102400xf32, #tpu.memory_space<hbm>>
      %dma_wait3A_40 = arith.constant 0 : i32
      %dma_wait3A_41 = tpu.memref_slice %arg4[%add3A, %dma_wait3A_40] : memref<32x102400xf32, #tpu.memory_space<hbm>> -> memref<1x102400xf32, #tpu.memory_space<hbm>>
      %dma_wait3A_42 = tpu.memref_squeeze %dma_wait3A_41 : memref<1x102400xf32, #tpu.memory_space<hbm>> -> memref<102400xf32, #tpu.memory_space<hbm>>
      tpu.wait_dma2 semaphore(%run_scoped3A : memref<!tpu.dma_semaphore, #tpu.memory_space<semaphore_mem>>) src(%arg5 : memref<102400xf32, #tpu.memory_space<vmem>>) dst(%dma_wait3A_42 : memref<102400xf32, #tpu.memory_space<hbm>>)
      tpu.yield
    }) : () -> ()
    return
  }
}

module attributes {stable_mosaic.version = 14 : i64} {
  func.func @_k1_body(%arg0: i32, %arg1: memref<16x128000xf32, #tpu.memory_space<vmem>>, %arg2: memref<16x1xf32, #tpu.memory_space<vmem>>, %arg3: memref<128000xf32, #tpu.memory_space<vmem>>) attributes {dimension_semantics = [#tpu.dimension_semantics<arbitrary>], iteration_bounds = array<i64: 12>, scalar_prefetch = 0 : i64, scratch_operands = 0 : i64, tpu.core_type = #tpu.core_type<tc>, window_params = [{transform_indices = @transform_0, window_bounds = array<i64: 16, 128000>}, {pipeline_mode = #tpu.pipeline_mode<synchronous>, transform_indices = @transform_1, window_bounds = array<i64: 16, 1>}, {transform_indices = @transform_2, window_bounds = array<i64: 128000>}]} {
    %get3A = arith.constant 0 : index
    %get3A_0 = arith.constant 0 : index
    %get3A_1 = vector.load %arg1[%get3A, %get3A_0] : memref<16x128000xf32, #tpu.memory_space<vmem>>, vector<16x128000xf32>
    %get3A_2 = arith.constant 0 : index
    %get3A_3 = arith.constant 0 : index
    %get3A_4 = vector.load %arg2[%get3A_2, %get3A_3] : memref<16x1xf32, #tpu.memory_space<vmem>>, vector<16x1xf32>
    %mul3A = vector.broadcast %get3A_4 : vector<16x1xf32> to vector<16x128000xf32>
    %mul3A_5 = arith.mulf %get3A_1, %mul3A : vector<16x128000xf32>
    %reduce_sum3A = arith.constant dense<0.000000e+00> : vector<128000xf32>
    %reduce_sum3A_6 = vector.multi_reduction <add>, %mul3A_5, %reduce_sum3A [0] : vector<16x128000xf32> to vector<128000xf32>
    %swap3A = arith.constant 0 : index
    %swap3A_7 = vector.load %arg3[%swap3A] : memref<128000xf32, #tpu.memory_space<vmem>>, vector<128000xf32>
    tpu.vector_store %arg3[%swap3A], %reduce_sum3A_6 {strides = array<i32>} : memref<128000xf32, #tpu.memory_space<vmem>>, vector<128000xf32>,
    return
  }
  func.func @transform_0(%arg0: i32) -> (i32, i32) {
    %add3A = arith.constant 0 : i32
    %add3A_0 = arith.addi %arg0, %add3A : i32
    %c0_i32 = arith.constant 0 : i32
    %c0_i32_1 = arith.constant 0 : i32
    return %c0_i32, %add3A_0 : i32, i32
  }
  func.func @transform_1(%arg0: i32) -> (i32, i32) {
    %c0_i32 = arith.constant 0 : i32
    %c0_i32_0 = arith.constant 0 : i32
    %c0_i32_1 = arith.constant 0 : i32
    return %c0_i32, %c0_i32_0 : i32, i32
  }
  func.func @transform_2(%arg0: i32) -> i32 {
    %c0_i32 = arith.constant 0 : i32
    return %arg0 : i32
  }
}

module attributes {stable_mosaic.version = 14 : i64} {
  func.func @_k3_body(%arg0: i32, %arg1: memref<32x25600xf32, #tpu.memory_space<vmem>>, %arg2: memref<32x25600xf32, #tpu.memory_space<vmem>>, %arg3: memref<25600xf32, #tpu.memory_space<vmem>>) attributes {dimension_semantics = [#tpu.dimension_semantics<arbitrary>], iteration_bounds = array<i64: 4>, scalar_prefetch = 0 : i64, scratch_operands = 0 : i64, tpu.core_type = #tpu.core_type<tc>, window_params = [{transform_indices = @transform_0, window_bounds = array<i64: 32, 25600>}, {transform_indices = @transform_1, window_bounds = array<i64: 32, 25600>}, {transform_indices = @transform_2, window_bounds = array<i64: 25600>}]} {
    %get3A = arith.constant 0 : index
    %get3A_0 = arith.constant 0 : index
    %get3A_1 = vector.load %arg1[%get3A, %get3A_0] : memref<32x25600xf32, #tpu.memory_space<vmem>>, vector<32x25600xf32>
    %reduce_sum3A = arith.constant dense<0.000000e+00> : vector<25600xf32>
    %reduce_sum3A_2 = vector.multi_reduction <add>, %get3A_1, %reduce_sum3A [0] : vector<32x25600xf32> to vector<25600xf32>
    %get3A_3 = arith.constant 0 : index
    %get3A_4 = arith.constant 0 : index
    %get3A_5 = vector.load %arg2[%get3A_3, %get3A_4] : memref<32x25600xf32, #tpu.memory_space<vmem>>, vector<32x25600xf32>
    %reduce_sum3A_6 = arith.constant dense<0.000000e+00> : vector<25600xf32>
    %reduce_sum3A_7 = vector.multi_reduction <add>, %get3A_5, %reduce_sum3A_6 [0] : vector<32x25600xf32> to vector<25600xf32>
    %add3A = arith.addf %reduce_sum3A_2, %reduce_sum3A_7 : vector<25600xf32>
    %div3A = arith.constant 1.000000e+00 : f32
    %div3A_8 = vector.broadcast %div3A : f32 to vector<25600xf32>
    %div3A_9 = arith.divf %div3A_8, %add3A : vector<25600xf32>
    %swap3A = arith.constant 0 : index
    %swap3A_10 = vector.load %arg3[%swap3A] : memref<25600xf32, #tpu.memory_space<vmem>>, vector<25600xf32>
    tpu.vector_store %arg3[%swap3A], %div3A_9 {strides = array<i32>} : memref<25600xf32, #tpu.memory_space<vmem>>, vector<25600xf32>,
    return
  }
  func.func @transform_0(%arg0: i32) -> (i32, i32) {
    %c0_i32 = arith.constant 0 : i32
    %c0_i32_0 = arith.constant 0 : i32
    return %c0_i32, %arg0 : i32, i32
  }
  func.func @transform_1(%arg0: i32) -> (i32, i32) {
    %c0_i32 = arith.constant 0 : i32
    %c0_i32_0 = arith.constant 0 : i32
    return %c0_i32, %arg0 : i32, i32
  }
  func.func @transform_2(%arg0: i32) -> i32 {
    %c0_i32 = arith.constant 0 : i32
    return %arg0 : i32
  }
}

module attributes {stable_mosaic.version = 14 : i64} {
  func.func @_k1_body(%arg0: i32, %arg1: memref<16x128000xf32, #tpu.memory_space<vmem>>, %arg2: memref<16x1xf32, #tpu.memory_space<vmem>>, %arg3: memref<128000xf32, #tpu.memory_space<vmem>>) attributes {dimension_semantics = [#tpu.dimension_semantics<arbitrary>], iteration_bounds = array<i64: 13>, scalar_prefetch = 0 : i64, scratch_operands = 0 : i64, tpu.core_type = #tpu.core_type<tc>, window_params = [{transform_indices = @transform_0, window_bounds = array<i64: 16, 128000>}, {pipeline_mode = #tpu.pipeline_mode<synchronous>, transform_indices = @transform_1, window_bounds = array<i64: 16, 1>}, {transform_indices = @transform_2, window_bounds = array<i64: 128000>}]} {
    %get3A = arith.constant 0 : index
    %get3A_0 = arith.constant 0 : index
    %get3A_1 = vector.load %arg1[%get3A, %get3A_0] : memref<16x128000xf32, #tpu.memory_space<vmem>>, vector<16x128000xf32>
    %get3A_2 = arith.constant 0 : index
    %get3A_3 = arith.constant 0 : index
    %get3A_4 = vector.load %arg2[%get3A_2, %get3A_3] : memref<16x1xf32, #tpu.memory_space<vmem>>, vector<16x1xf32>
    %mul3A = vector.broadcast %get3A_4 : vector<16x1xf32> to vector<16x128000xf32>
    %mul3A_5 = arith.mulf %get3A_1, %mul3A : vector<16x128000xf32>
    %reduce_sum3A = arith.constant dense<0.000000e+00> : vector<128000xf32>
    %reduce_sum3A_6 = vector.multi_reduction <add>, %mul3A_5, %reduce_sum3A [0] : vector<16x128000xf32> to vector<128000xf32>
    %swap3A = arith.constant 0 : index
    %swap3A_7 = vector.load %arg3[%swap3A] : memref<128000xf32, #tpu.memory_space<vmem>>, vector<128000xf32>
    tpu.vector_store %arg3[%swap3A], %reduce_sum3A_6 {strides = array<i32>} : memref<128000xf32, #tpu.memory_space<vmem>>, vector<128000xf32>,
    return
  }
  func.func @transform_0(%arg0: i32) -> (i32, i32) {
    %add3A = arith.constant 12 : i32
    %add3A_0 = arith.addi %arg0, %add3A : i32
    %c0_i32 = arith.constant 0 : i32
    %c0_i32_1 = arith.constant 0 : i32
    return %c0_i32, %add3A_0 : i32, i32
  }
  func.func @transform_1(%arg0: i32) -> (i32, i32) {
    %c0_i32 = arith.constant 0 : i32
    %c0_i32_0 = arith.constant 0 : i32
    %c0_i32_1 = arith.constant 0 : i32
    return %c0_i32, %c0_i32_0 : i32, i32
  }
  func.func @transform_2(%arg0: i32) -> i32 {
    %c0_i32 = arith.constant 0 : i32
    return %arg0 : i32
  }
}

</mosaic_0001>

<sc_bundles>
// kernel: kernel.11.cloned.1.call-start
scs
__scs_entry_jumppad:
0x0: {  	(pc) =	sbr.rel $0x88, $3  }
0x1: {  	(tag) =	ssettag $0x0;
	lr =	simm.s32 $0x1  }
0x2: {  	[smem:$0x3F9E] =	sst lr;
	_ =	strace $0xD0000000  }
0x3: {  	_ = 	snop  }
0x4: {  	_ = 	snop  }
0x5: {  	_ = 	snop  }
0x6: {  	_ = 	snop  }
0x7: {  	_ = 	snop  }
__scs_overlays_trampoline_lowered:
0x8: {  	[smem:$0x3FAD] =	sst s0  }
0x9: {  	[smem:$0x3FAE] =	sst s1  }
0xa: {  	[smem:$0x3FAF] =	sst s2  }
0xb: {  	[smem:$0x3FB0] =	sst s3  }
0xc: {  	[smem:$0x3FB1] =	sst s4  }
0xd: {  	[smem:$0x3FB2] =	sst s5  }
0xe: {  	[smem:$0x3FB3] =	sst s6  }
0xf: {  	[smem:$0x3FB4] =	sst s7  }
0x10: {  	[smem:$0x3FB5] =	sst s8  }
0x11: {  	[smem:$0x3FB6] =	sst s9;
	s0 =	simm.s32 @!p0 $0x0  }
0x12: {  	s1 =	sld [smem:$0x3F9C];
	s0 =	simm.s32 @p0 $0x1  }
0x13: {  	[smem:$0x3FB7] =	sst s0;
	s0 =	simm.s32 @!p1 $0x0  }
0x14: {  	s2 =	sld [smem:$0x3F9B];
	s0 =	simm.s32 @p1 $0x1  }
0x15: {  	[smem:$0x3FB8] =	sst s0;
	s0 =	simm.s32 @!p2 $0x0  }
0x16: {  	s3 =	sld [smem:$0x3FDB];
	s0 =	simm.s32 @p2 $0x1  }
0x17: {  	s4 =	simm.s32 $0x1BF5;
	[smem:$0x3FBA] =	sst s0  }
0x18: {  	s0 =	sld [smem:$0x3F9D];
	_ =	swait.ge [sflag:s4], $0x0  }
0x19: {  	s7 =	sld [smem:$0x3F9E]  }
0x1a: {  	s8 =	sadd.s32 $0xFFFFE003, lr  }
0x1b: {  	s9 =	sadd.s32 $0xFFFFFEF7, lr;
	s5 =	simm.s32 $0xFFFFFFFF;
	p2 =	slt.u32 s8, $0xFFFFF086  }
0x1c: {  	p1 =	slt.u32 s9, $0xF7A;
	s5 =	simm.s32 @!p2 $0x0  }
0x1d: {  	s5 =	simm.s32 @p1 $0x1;
	p0 =	seq.s32 s7, s2  }
0x1e: {  	s7 =	smul.u32 @!p0 $0xF7A, s2;
	p2 =	seq.s32 @!p0 s5, $0x0  }
0x1f: {  	s9 =	smul.u32 $0xF7A, s1;
	s8 =	simm.s32 @!p0 $0x1BF5;
	p2 =	por !p2, p0  }
0x20: {  	[sflag:s8] =	ssyncset.s32 @!p0 $0xFFFFF086;
	s6 =	sadd.s32 @!p0 s3, s7;
	s7 =	simm.s32 @!p0 $0x108  }
0x21: {  	s3 =	sadd.s32 s3, s9;
	s6 =	sadd.s32 @!p0 $0x88, s6;
	s7 =	simm.s32 @p2 $0x1082  }
0x22: {  	[simem:s7], [sflag:s8] =	dma.local @!p0 [hbm:s6], $0xF7A  }
0x23: {  	s9 =	sor.u32 $0xD0000000, s2;
	s6 =	simm.s32 $0x108;
	_ =	swait.ge @!p0 [sflag:s8], $0x0  }
0x24: {  	s3 =	sadd.s32 $0x88, s3;
	s6 =	simm.s32 @!p1 $0x1082;
	[sflag:s4] =	ssyncset.s32 $0xFFFFF086  }
0x25: {  	[simem:s6], [sflag:s4] =	dma.local [hbm:s3], $0xF7A  }
0x26: {  	[smem:$0x3F9E] =	sst s1;
	(tag) =	ssettag s2;
	_ =	strace s9  }
0x27: {  	s1 =	sld [smem:$0x3FAE]  }
0x28: {  	s2 =	sld [smem:$0x3FAF]  }
0x29: {  	s4 =	sld [smem:$0x3FB1]  }
0x2a: {  	p0 =	seq.s32 s5, $0x0;
	s5 =	sld [smem:$0x3FB2]  }
0x2b: {  	s6 =	sld [smem:$0x3FB3]  }
0x2c: {  	s7 =	sld [smem:$0x3FB4]  }
0x2d: {  	s3 =	simm.s32 $0x108;
	s8 =	sld [smem:$0x3FB5]  }
0x2e: {  	s3 =	simm.s32 @!p0 $0x1082;
	s9 =	sld [smem:$0x3FB6]  }
0x2f: {  	lr =	sadd.s32 s0, s3;
	s0 =	sld [smem:$0x3FAD]  }
0x30: {  	s3 =	sld [smem:$0x3FB0]  }
0x31: {  	[smem:$0x3FB9] =	sst s10  }
0x32: {  	s10 =	sld [smem:$0x3FB7];
	_ =	sdelay $0x3  }
0x33: {  	p0 =	seq.s32 s10, $0x1;
	s10 =	sld [smem:$0x3FB9];
	_ =	sdelay $0x3  }
0x34: {  	[smem:$0x3FB9] =	sst s10  }
0x35: {  	s10 =	sld [smem:$0x3FB8];
	_ =	sdelay $0x3  }
0x36: {  	p1 =	seq.s32 s10, $0x1;
	s10 =	sld [smem:$0x3FB9];
	_ =	sdelay $0x3  }
0x37: {  	[smem:$0x3FB9] =	sst s10  }
0x38: {  	s10 =	sld [smem:$0x3FBA]  }
0x39: {  	_ = 	snop;
	(pc) =	sbr.ind lr, $3  }
0x3a: {  	_ = 	snop  }
0x3b: {  	_ = 	snop  }
0x3c: {  	p2 =	seq.s32 s10, $0x1;
	s10 =	sld [smem:$0x3FB9]  }
0x3d: {  	_ =	shalt  }
0x3e: {  	_ =	shalt  }
0x3f: {  	_ =	shalt  }
0x40: {  	_ =	shalt  }
0x41: {  	_ =	shalt  }
0x42: {  	_ =	shalt  }
0x43: {  	_ =	shalt  }
0x44: {  	_ =	shalt  }
0x45: {  	_ =	shalt  }
0x46: {  	_ =	shalt  }
0x47: {  	_ =	shalt  }
0x48: {  	_ =	shalt  }
0x49: {  	_ =	shalt  }
0x4a: {  	_ =	shalt  }
0x4b: {  	_ =	shalt  }
0x4c: {  	_ =	shalt  }
0x4d: {  	_ =	shalt  }
0x4e: {  	_ =	shalt  }
0x4f: {  	_ =	shalt  }
0x50: {  	_ =	shalt  }
0x51: {  	_ =	shalt  }
0x52: {  	_ =	shalt  }
0x53: {  	_ =	shalt  }
0x54: {  	_ =	shalt  }
0x55: {  	_ =	shalt  }
0x56: {  	_ =	shalt  }
0x57: {  	_ =	shalt  }
0x58: {  	_ =	shalt  }
0x59: {  	_ =	shalt  }
0x5a: {  	_ =	shalt  }
0x5b: {  	_ =	shalt  }
0x5c: {  	_ =	shalt  }
0x5d: {  	_ =	shalt  }
0x5e: {  	_ =	shalt  }
0x5f: {  	_ =	shalt  }
0x60: {  	_ =	shalt  }
0x61: {  	_ =	shalt  }
0x62: {  	_ =	shalt  }
0x63: {  	_ =	shalt  }
0x64: {  	_ =	shalt  }
0x65: {  	_ =	shalt  }
0x66: {  	_ =	shalt  }
0x67: {  	_ =	shalt  }
0x68: {  	_ =	shalt  }
0x69: {  	_ =	shalt  }
0x6a: {  	_ =	shalt  }
0x6b: {  	_ =	shalt  }
0x6c: {  	_ =	shalt  }
0x6d: {  	_ =	shalt  }
0x6e: {  	_ =	shalt  }
0x6f: {  	_ =	shalt  }
0x70: {  	_ =	shalt  }
0x71: {  	_ =	shalt  }
0x72: {  	_ =	shalt  }
0x73: {  	_ =	shalt  }
0x74: {  	_ =	shalt  }
0x75: {  	_ =	shalt  }
0x76: {  	_ =	shalt  }
0x77: {  	_ =	shalt  }
0x78: {  	_ =	shalt  }
0x79: {  	_ =	shalt  }
0x7a: {  	_ =	shalt  }
0x7b: {  	_ =	shalt  }
0x7c: {  	_ =	shalt  }
0x7d: {  	_ =	shalt  }
0x7e: {  	_ =	shalt  }
0x7f: {  	_ =	shalt  }
0x80: {  	_ =	shalt  }
0x81: {  	_ =	shalt  }
0x82: {  	_ =	shalt  }
0x83: {  	_ =	shalt  }
0x84: {  	_ =	shalt  }
0x85: {  	_ =	shalt  }
0x86: {  	_ =	shalt  }
0x87: {  	_ =	shalt  }
.Lfunc_end0:
.L_simem_size_0:
called_computation.1_lowered:
.L_overlay_start_0:
0x88: {  	s2 =	sld [smem:$0x3FD9]  }
0x89: {  	s3 =	sld [smem:$0x3FFE];
	_ =	sdelay $0x1  }
0x8a: {  	s1 =	srdreg.scid  }
0x8b: {  	s0 =	sand.u32 $0x1, s1  }
0x8c: {  	s16 =	sshll.u32 s0, $0xA;
	s2 =	sadd.s32 s3, s2  }
0x8d: {  	s2 =	sadd.s32 s2, s16  }
0x8e: {  	[smem:$0x3FC5] =	sst s2  }
0x8f: {  	_ = 	snop  }
0x90: {  	(tm) =	ssettm $0x1  }
0x91: {  	s17 =	sld [smem:$0x3FFB];
	_ =	sdelay $0x3  }
0x92: {  	_ =	strace s17  }
0x93: {  	s2 =	sld [smem:$0x3FFC];
	_ =	sdelay $0x3  }
0x94: {  	_ =	strace s2  }
0x95: {  	s2 =	sld [smem:$0x3FFD];
	_ =	sdelay $0x3  }
0x96: {  	_ =	strace s2  }
0x97: {  	_ =	strace $0x8FFFFFFF  }
0x98: {  	s18 =	sld [smem:$0x3FDB];
	_ =	sdelay $0x1  }
0x99: {  	s19 =	simm.s32 $_scs_section_size  }
0x9a: {  	s4 =	simm.s32 $_size__tile_overlayer_lowered;
	s5 =	simm.s32 $_tile_overlayer_lowered  }
0x9b: {  	s22 =	simm.s32 $0x1BFF;
	s21 =	sshll.u32 s5, $0x1;
	s2 =	sadd.s32 s19, s18  }
0x9c: {  	s6 =	simm.s32 $0x0;
	s20 =	sshll.u32 s4, $0x1;
	s4 =	sadd.s32 s21, s2  }
0x9d: {  	[timem:s6], [sflag:s22] =	dma.local [hbm:s4], s20  }
0x9e: {  	_ =	swait.ge [sflag:s22], s20  }
0x9f: {  	s3 =	ssub.s32 $0x0, s20;
	[sflag:s22] =	ssyncset.done $0x0  }
0xa0: {  	[sflag:s22] =	ssyncadd.s32 s3;
	_ =	sdelay $0x1  }
0xa1: {  	s23 =	simm.s32 $0x1B8B  }
0xa2: {  	_ =	swait.ge [sflag:s23], $0x1  }
0xa3: {  	[sflag:s23] =	ssyncset.done $0x0  }
0xa4: {  	s25 =	simm.s32 $0x1B8E;
	s24 =	sld [smem:$0x3FFE];
	[sflag:s23] =	ssyncadd.s32 $0xFFFFFFFF  }
0xa5: {  	s26 =	simm.s32 $execute0_lowered;
	[smem:$0x3FD2] =	sst s25  }
0xa6: {  	s4 =	sshll.u32 s26, $0x1;
	_ =	strace $0x80000046;
	[dreg:$0x1] =	wrdreg $0xFFFFFFFF  }
0xa7: {  	s28 =	simm.s32 $_size_execute0_lowered;
	s2 =	sadd.s32 s2, s4;
	[dreg:$0x0] =	wrdreg $0x0  }
0xa8: {  	s4 =	sshll.u32 s28, $0x1;
	[dreg:$0x2] =	wrdreg s2  }
0xa9: {  	[dreg:$0x3] =	wrdreg s4  }
0xaa: {  	[dreg:$0x4] =	wrdreg $0xC0  }
0xab: {  	_ =	task [dreg:s6], $0x5FFFF  }
0xac: {  	[dreg:$0x1] =	wrdreg $0xFFFFFFFF  }
0xad: {  	[dreg:$0x0] =	wrdreg $0x60  }
0xae: {  	[dreg:$0x2] =	wrdreg s24  }
0xaf: {  	[dreg:$0x3] =	wrdreg $0xA  }
0xb0: {  	_ =	task.clear_ibuf [dreg:s6], $0x4FFFF;
	_ =	strace $0x90000046  }
0xb1: {  	s29 =	simm.s32 $0xA;
	_ =	strace $0x80000048  }
0xb2: {  	_ =	swait.ge [sflag:s29], $0x1  }
0xb3: {  	[sflag:s29] =	ssyncadd.s32 $0xFFFFFFFF  }
0xb4: {  	_ =	strace $0x90000048  }
0xb5: {  	_ =	sfence  }
0xb6: {  	s30 =	sld [smem:$0x0];
	_ =	sdelay $0x2  }
0xb7: {  	s31 =	sshll.u32 s1, $0xD;
	s1 =	sshrl.u32 s1, $0x2  }
0xb8: {  	s3 =	sand.u32 $0x4000, s31;
	s1 =	sadd.s32 s1, s30  }
0xb9: {  	s0 =	sor.u32 s3, s0;
	s1 =	sshll.u32 s1, $0x11  }
0xba: {  	s0 =	sor.u32 s1, s0  }
0xbb: {  	s0 =	sadd.s32 $0x8F2B, s0  }
0xbc: {  	[sflag:s0] =	ssyncadd.remote.s32 $0x1  }
0xbd: {  	_ =	sfence.sel $0xFFFF  }
0xbe: {  	[dreg:$0x0] =	wrdreg $0xFFFFFFFF;
	(pc) =	sbr.abs _section_cstart, $3  }
0xbf: {  	[dreg:$0x1] =	wrdreg $0xFFFFFFFF  }
0xc0: {  	_ =	task.clear_ibuf [dreg:s6], $0x2FFFF;
	_ =	strace $0x9FFFFFFF  }
0xc1: {  	(tm) =	ssettm $0x7FFFFFFF  }
tec
execute0_lowered:
.L_overlay_start_1:
0x0: {  	(tag) =	ssettag $0x1  }
0x1: {  	s0 =	srdreg.scid;
	s7 =	rddreg [dreg:$0x0];
	s2 =	simm.s32 $0x0  }
0x2: {  	s12 =	simm.s32 $0x1A000;
	s13 =	simm.s32 $0x19800;
	s14 =	simm.s32 $0x1A800  }
0x3: {  	s15 =	simm.s32 $0x1;
	s16 =	simm.s32 $0x3;
	s17 =	simm.s32 $0x2  }
0x4: {  	s18 =	simm.s32 $0x4;
	s19 =	simm.s32 $0x80;
	s20 =	simm.s32 $0x400  }
0x5: {  	s21 =	simm.s32 $0x5;
	s22 =	simm.s32 $0x0;
	s6 =	sand.u32 $0x1, s0  }
0x6: {  	s0 =	stileid.u32;
	[smem:$0x7FF] =	sst s2;
	s1 =	sshll.u32 s6, $0x4  }
0x7: {  	s5 =	sshll.u32 s0, $0x7;
	s29 =	ssub.s32 $0x2, s6;
	s4 =	sor.u32 s0, s1  }
0x8: {  	s1 =	rddreg [dreg:$0x1];
	s3 =	sshrl.u32 s4, $0x3;
	s4 =	smul.u32 $0xCB20, s4  }
0x9: {  	s5 =	sand.u32 $0x380, s5;
	s30 =	sshrl.u32 s29, $0x1;
	s3 =	smul.u32 $0xC8000, s3  }
0xa: {  	_ =	strace $0x80000047;
	s11 =	ssub.s32 s29, s30;
	s6 =	sadd.s32 $0x177000, s4  }
0xb: {  	s10 =	sshrl.u32 s4, $0x3;
	s5 =	sor.u32 s5, s3;
	s3 =	sadd.s32 $0x63000, s7  }
0xc: {  	s31 =	sshrl.u32 s6, $0x3;
	s8 =	sshrl.u32 s5, $0x3;
	s5 =	sadd.s32 $0x1400, s7  }
0xd: {  	s9 =	sadd.s32 s8, s7;
	s7 =	sadd.s32 s3, s10;
	s8 =	sadd.s32 s5, s31  }
0xe: {  	v0 =	vimm.f32 $0.0e+00;
	s10 =	smax.u32 s11, $0x1;
	s11 =	simm.s32 $0x19000;
	s9 =	sadd.s32 $0x95E00, s9  }
.LBB2_1:
0xf: {  	[tilespmem:s11], [sflag:$0x1] =	stream.linear.gather [hbm4b:s7+s2], $0x7D0, $0x38;
	[tilespmem:$0x1B000] =	vst v63  }
0x10: {  	s24 =	simm.s32 $0x0;
	s23 =	simm.s32 $0x200  }
0x11: {  	[tilespmem:s12], [sflag:$0x3] =	stream.linear.gather [hbm4b:s8+s2], $0x7D0, $0x38;
	[tilespmem:$0x1B000] =	vst v63  }
.LBB2_2:
0x12: {  	p0 =	sne.s32 s23, $0x63E00;
	[tilespmem:s24+$0x70] =	vst v0  }
0x13: {  	[tilespmem:s24+$0x0] =	vst v0  }
0x14: {  	[tilespmem:s24+$0x10] =	vst v0  }
.Ltmp0:
0x15: {  	[tilespmem:s24+$0x20] =	vst v0;
	(pc) =	sbr.rel @p0 .LBB2_2-.Ltmp0, $4  }
0x16: {  	[tilespmem:s24+$0x30] =	vst v0  }
0x17: {  	[tilespmem:s24+$0x40] =	vst v0  }
0x18: {  	[tilespmem:s24+$0x50] =	vst v0  }
0x19: {  	[tilespmem:s24+$0x60] =	vst v0;
	s24 =	sshra.s32 s23, $0x2;
	s23 =	sadd.s32 $0x200, s23  }
0x1a: {  	[tilespmem:s24+$0x70] =	vst v0  }
0x1b: {  	[tilespmem:s24+$0x0] =	vst v0  }
0x1c: {  	[tilespmem:s24+$0x10] =	vst v0  }
0x1d: {  	[tilespmem:s24+$0x20] =	vst v0  }
0x1e: {  	[tilespmem:s24+$0x30] =	vst v0  }
0x1f: {  	[tilespmem:s24+$0x40] =	vst v0  }
0x20: {  	[tilespmem:s24+$0x50] =	vst v0  }
0x21: {  	s23 =	simm.s32 $0x0;
	[tilespmem:s24+$0x60] =	vst v0;
	s24 =	simm.s32 $0x0  }
.LBB2_4:
0x22: {  	s25 =	smul.u32 $0xFA0, s24;
	_ =	sdelay $0x1  }
0x23: {  	s26 =	sadd.s32 $0x7D0, s25  }
0x24: {  	s28 =	sadd.s32 s4, s26  }
0x25: {  	s26 =	sadd.s32 s6, s26;
	s28 =	sshrl.u32 s28, $0x3  }
0x26: {  	s26 =	sshrl.u32 s26, $0x3;
	s28 =	sadd.s32 s3, s28  }
0x27: {  	[tilespmem:s13], [sflag:$0x2] =	stream.linear.gather [hbm4b:s28+s23], $0x7D0, $0x38;
	[tilespmem:$0x1B000] =	vst v63  }
0x28: {  	s26 =	sadd.s32 s5, s26  }
0x29: {  	[tilespmem:s14], [sflag:$0x4] =	stream.linear.gather [hbm4b:s26+s23], $0x7D0, $0x38;
	[tilespmem:$0x1B000] =	vst v63  }
0x2a: {  	_ =	swait.ge [sflag:s15], $0x7D0  }
0x2b: {  	[sflag:s15] =	ssyncset.done $0x0  }
0x2c: {  	[sflag:s15] =	ssyncadd.s32 $0xFFFFF830  }
0x2d: {  	_ =	swait.ge [sflag:s16], $0x7D0  }
0x2e: {  	[sflag:s16] =	ssyncset.done $0x0  }
0x2f: {  	s28 =	simm.s32 $0x140;
	s26 =	simm.s32 $0x0;
	[sflag:s16] =	ssyncadd.s32 $0xFFFFF830  }
.LBB2_5:
0x30: {  	p0 =	sne.s32 s28, $0x1E00;
	v1 =	vld [tilespmem:s26+$0x19000]  }
0x31: {  	v2 =	vld [tilespmem:s26+$0x1A000];
	_ =	sdelay $0x3  }
0x32: {  	v1 =	vmul.f32 $1.442695020e+00, v1;
	_ =	sdelay $0x1  }
0x33: {  	(erf) = vpow2.f32 v1;
	_ =	sdelay $0x8  }
0x34: {  	v1 =	vpop (erf)  }
0x35: {  	[tilespmem:v2+s2+$0x0] =	vst.idx.add.f32.msk $0xffff, v1  }
0x36: {  	v1 =	vld [tilespmem:s26+$0x19010];
	_ =	sdelay $0x4  }
0x37: {  	v1 =	vmul.f32 $1.442695020e+00, v1;
	_ =	sdelay $0x1  }
0x38: {  	(erf) = vpow2.f32 v1;
	_ =	sdelay $0x1  }
0x39: {  	v1 =	vld [tilespmem:s26+$0x1A010];
	_ =	sdelay $0x6  }
0x3a: {  	v2 =	vpop (erf)  }
0x3b: {  	[tilespmem:v1+s2+$0x0] =	vst.idx.add.f32.msk $0xffff, v2  }
0x3c: {  	v1 =	vld [tilespmem:s26+$0x19020];
	_ =	sdelay $0x4  }
0x3d: {  	v1 =	vmul.f32 $1.442695020e+00, v1;
	_ =	sdelay $0x1  }
0x3e: {  	(erf) = vpow2.f32 v1;
	_ =	sdelay $0x1  }
0x3f: {  	v1 =	vld [tilespmem:s26+$0x1A020];
	_ =	sdelay $0x6  }
0x40: {  	v2 =	vpop (erf)  }
0x41: {  	[tilespmem:v1+s2+$0x0] =	vst.idx.add.f32.msk $0xffff, v2  }
0x42: {  	v1 =	vld [tilespmem:s26+$0x19030];
	_ =	sdelay $0x4  }
0x43: {  	v1 =	vmul.f32 $1.442695020e+00, v1;
	_ =	sdelay $0x1  }
0x44: {  	(erf) = vpow2.f32 v1;
	_ =	sdelay $0x1  }
0x45: {  	v1 =	vld [tilespmem:s26+$0x1A030];
	_ =	sdelay $0x6  }
0x46: {  	v2 =	vpop (erf)  }
0x47: {  	[tilespmem:v1+s2+$0x0] =	vst.idx.add.f32.msk $0xffff, v2  }
0x48: {  	v1 =	vld [tilespmem:s26+$0x19040]  }
0x49: {  	v2 =	vld [tilespmem:s26+$0x1A040];
	_ =	sdelay $0x3  }
0x4a: {  	v1 =	vmul.f32 $1.442695020e+00, v1;
	_ =	sdelay $0x1  }
0x4b: {  	(erf) = vpow2.f32 v1;
	_ =	sdelay $0x5  }
.Ltmp1:
0x4c: {  	(pc) =	sbr.rel @p0 .LBB2_5-.Ltmp1, $3  }
0x4d: {  	_ =	sdelay $0x1  }
0x4e: {  	v1 =	vpop (erf)  }
0x4f: {  	s26 =	sshra.s32 s28, $0x2;
	s28 =	sadd.s32 $0x140, s28;
	[tilespmem:v2+s2+$0x0] =	vst.idx.add.f32.msk $0xffff, v1  }
0x50: {  	v1 =	vld [tilespmem:s26+$0x19000];
	_ =	sdelay $0x4  }
0x51: {  	v1 =	vmul.f32 $1.442695020e+00, v1;
	_ =	sdelay $0x1  }
0x52: {  	(erf) = vpow2.f32 v1;
	_ =	sdelay $0x1  }
0x53: {  	v1 =	vld [tilespmem:s26+$0x1A000];
	_ =	sdelay $0x6  }
0x54: {  	v2 =	vpop (erf)  }
0x55: {  	[tilespmem:v1+s2+$0x0] =	vst.idx.add.f32.msk $0xffff, v2  }
0x56: {  	v1 =	vld [tilespmem:s26+$0x19010];
	_ =	sdelay $0x4  }
0x57: {  	v1 =	vmul.f32 $1.442695020e+00, v1;
	_ =	sdelay $0x1  }
0x58: {  	(erf) = vpow2.f32 v1;
	_ =	sdelay $0x1  }
0x59: {  	v1 =	vld [tilespmem:s26+$0x1A010];
	_ =	sdelay $0x6  }
0x5a: {  	v2 =	vpop (erf)  }
0x5b: {  	[tilespmem:v1+s2+$0x0] =	vst.idx.add.f32.msk $0xffff, v2  }
0x5c: {  	v1 =	vld [tilespmem:s26+$0x19020];
	_ =	sdelay $0x4  }
0x5d: {  	v1 =	vmul.f32 $1.442695020e+00, v1;
	_ =	sdelay $0x1  }
0x5e: {  	(erf) = vpow2.f32 v1;
	_ =	sdelay $0x1  }
0x5f: {  	v1 =	vld [tilespmem:s26+$0x1A020];
	_ =	sdelay $0x6  }
0x60: {  	v2 =	vpop (erf)  }
0x61: {  	[tilespmem:v1+s2+$0x0] =	vst.idx.add.f32.msk $0xffff, v2  }
0x62: {  	v1 =	vld [tilespmem:s26+$0x19030];
	_ =	sdelay $0x4  }
0x63: {  	v1 =	vmul.f32 $1.442695020e+00, v1;
	_ =	sdelay $0x1  }
0x64: {  	(erf) = vpow2.f32 v1;
	_ =	sdelay $0x1  }
0x65: {  	v1 =	vld [tilespmem:s26+$0x1A030];
	_ =	sdelay $0x6  }
0x66: {  	v2 =	vpop (erf)  }
0x67: {  	[tilespmem:v1+s2+$0x0] =	vst.idx.add.f32.msk $0xffff, v2  }
0x68: {  	v1 =	vld [tilespmem:s26+$0x19040];
	_ =	sdelay $0x4  }
0x69: {  	v1 =	vmul.f32 $1.442695020e+00, v1;
	_ =	sdelay $0x1  }
0x6a: {  	(erf) = vpow2.f32 v1;
	_ =	sdelay $0x1  }
0x6b: {  	v1 =	vld [tilespmem:s26+$0x1A040];
	_ =	sdelay $0x3  }
0x6c: {  	p0 =	seq.s32 s24, $0xC  }
0x6d: {  	s25 =	sadd.s32 @!p0 $0xFA0, s25  }
0x6e: {  	s26 =	sadd.s32 @!p0 s4, s25  }
0x6f: {  	s28 =	simm.s32 @!p0 $0x0;
	s25 =	sadd.s32 @!p0 s6, s25;
	s26 =	sshrl.u32 @!p0 s26, $0x3;
	v2 =	vpop (erf)  }
0x70: {  	s29 =	simm.s32 @!p0 $0x19000;
	s25 =	sshrl.u32 @!p0 s25, $0x3;
	s26 =	sadd.s32 @!p0 s3, s26;
	[tilespmem:v1+s2+$0x0] =	vst.idx.add.f32.msk $0xffff, v2  }
0x71: {  	[tilespmem:s29], [sflag:$0x1] =	stream.linear.gather @!p0 [hbm4b:s26+s28], $0x7D0, $0x38;
	[tilespmem:$0x1B000] =	vst v63  }
0x72: {  	s25 =	sadd.s32 @!p0 s5, s25;
	s26 =	simm.s32 @!p0 $0x1A000  }
0x73: {  	[tilespmem:s26], [sflag:$0x3] =	stream.linear.gather @!p0 [hbm4b:s25+s28], $0x7D0, $0x38;
	[tilespmem:$0x1B000] =	vst v63  }
0x74: {  	_ =	swait.ge [sflag:s17], $0x7D0  }
0x75: {  	[sflag:s17] =	ssyncset.done $0x0  }
0x76: {  	[sflag:s17] =	ssyncadd.s32 $0xFFFFF830  }
0x77: {  	_ =	swait.ge [sflag:s18], $0x7D0  }
0x78: {  	[sflag:s18] =	ssyncset.done $0x0  }
0x79: {  	s25 =	simm.s32 $0x0;
	s26 =	simm.s32 $0x140;
	[sflag:s18] =	ssyncadd.s32 $0xFFFFF830  }
.LBB2_7:
0x7a: {  	p0 =	sne.s32 s26, $0x1E00;
	v1 =	vld [tilespmem:s25+$0x19800]  }
0x7b: {  	v2 =	vld [tilespmem:s25+$0x1A800];
	_ =	sdelay $0x3  }
0x7c: {  	v1 =	vmul.f32 $1.442695020e+00, v1;
	_ =	sdelay $0x1  }
0x7d: {  	(erf) = vpow2.f32 v1;
	_ =	sdelay $0x8  }
0x7e: {  	v1 =	vpop (erf)  }
0x7f: {  	[tilespmem:v2+s2+$0x0] =	vst.idx.add.f32.msk $0xffff, v1  }
0x80: {  	v1 =	vld [tilespmem:s25+$0x19810];
	_ =	sdelay $0x4  }
0x81: {  	v1 =	vmul.f32 $1.442695020e+00, v1;
	_ =	sdelay $0x1  }
0x82: {  	(erf) = vpow2.f32 v1;
	_ =	sdelay $0x1  }
0x83: {  	v1 =	vld [tilespmem:s25+$0x1A810];
	_ =	sdelay $0x6  }
0x84: {  	v2 =	vpop (erf)  }
0x85: {  	[tilespmem:v1+s2+$0x0] =	vst.idx.add.f32.msk $0xffff, v2  }
0x86: {  	v1 =	vld [tilespmem:s25+$0x19820];
	_ =	sdelay $0x4  }
0x87: {  	v1 =	vmul.f32 $1.442695020e+00, v1;
	_ =	sdelay $0x1  }
0x88: {  	(erf) = vpow2.f32 v1;
	_ =	sdelay $0x1  }
0x89: {  	v1 =	vld [tilespmem:s25+$0x1A820];
	_ =	sdelay $0x6  }
0x8a: {  	v2 =	vpop (erf)  }
0x8b: {  	[tilespmem:v1+s2+$0x0] =	vst.idx.add.f32.msk $0xffff, v2  }
0x8c: {  	v1 =	vld [tilespmem:s25+$0x19830];
	_ =	sdelay $0x4  }
0x8d: {  	v1 =	vmul.f32 $1.442695020e+00, v1;
	_ =	sdelay $0x1  }
0x8e: {  	(erf) = vpow2.f32 v1;
	_ =	sdelay $0x1  }
0x8f: {  	v1 =	vld [tilespmem:s25+$0x1A830];
	_ =	sdelay $0x6  }
0x90: {  	v2 =	vpop (erf)  }
0x91: {  	[tilespmem:v1+s2+$0x0] =	vst.idx.add.f32.msk $0xffff, v2  }
0x92: {  	v1 =	vld [tilespmem:s25+$0x19840]  }
0x93: {  	v2 =	vld [tilespmem:s25+$0x1A840];
	_ =	sdelay $0x3  }
0x94: {  	v1 =	vmul.f32 $1.442695020e+00, v1;
	_ =	sdelay $0x1  }
0x95: {  	(erf) = vpow2.f32 v1;
	_ =	sdelay $0x5  }
.Ltmp2:
0x96: {  	(pc) =	sbr.rel @p0 .LBB2_7-.Ltmp2, $3  }
0x97: {  	_ =	sdelay $0x1  }
0x98: {  	v1 =	vpop (erf)  }
0x99: {  	s25 =	sshra.s32 s26, $0x2;
	s26 =	sadd.s32 $0x140, s26;
	[tilespmem:v2+s2+$0x0] =	vst.idx.add.f32.msk $0xffff, v1  }
0x9a: {  	v1 =	vld [tilespmem:s25+$0x19800];
	_ =	sdelay $0x4  }
0x9b: {  	v1 =	vmul.f32 $1.442695020e+00, v1;
	_ =	sdelay $0x1  }
0x9c: {  	(erf) = vpow2.f32 v1;
	_ =	sdelay $0x1  }
0x9d: {  	v1 =	vld [tilespmem:s25+$0x1A800];
	_ =	sdelay $0x6  }
0x9e: {  	v2 =	vpop (erf)  }
0x9f: {  	[tilespmem:v1+s2+$0x0] =	vst.idx.add.f32.msk $0xffff, v2  }
0xa0: {  	v1 =	vld [tilespmem:s25+$0x19810];
	_ =	sdelay $0x4  }
0xa1: {  	v1 =	vmul.f32 $1.442695020e+00, v1;
	_ =	sdelay $0x1  }
0xa2: {  	(erf) = vpow2.f32 v1;
	_ =	sdelay $0x1  }
0xa3: {  	v1 =	vld [tilespmem:s25+$0x1A810];
	_ =	sdelay $0x6  }
0xa4: {  	v2 =	vpop (erf)  }
0xa5: {  	[tilespmem:v1+s2+$0x0] =	vst.idx.add.f32.msk $0xffff, v2  }
0xa6: {  	v1 =	vld [tilespmem:s25+$0x19820];
	_ =	sdelay $0x4  }
0xa7: {  	v1 =	vmul.f32 $1.442695020e+00, v1;
	_ =	sdelay $0x1  }
0xa8: {  	(erf) = vpow2.f32 v1;
	_ =	sdelay $0x1  }
0xa9: {  	v1 =	vld [tilespmem:s25+$0x1A820];
	_ =	sdelay $0x6  }
0xaa: {  	v2 =	vpop (erf)  }
0xab: {  	[tilespmem:v1+s2+$0x0] =	vst.idx.add.f32.msk $0xffff, v2  }
0xac: {  	v1 =	vld [tilespmem:s25+$0x19830];
	_ =	sdelay $0x4  }
0xad: {  	v1 =	vmul.f32 $1.442695020e+00, v1;
	_ =	sdelay $0x1  }
0xae: {  	(erf) = vpow2.f32 v1;
	_ =	sdelay $0x1  }
0xaf: {  	v1 =	vld [tilespmem:s25+$0x1A830];
	_ =	sdelay $0x6  }
0xb0: {  	v2 =	vpop (erf)  }
0xb1: {  	[tilespmem:v1+s2+$0x0] =	vst.idx.add.f32.msk $0xffff, v2  }
0xb2: {  	v1 =	vld [tilespmem:s25+$0x19840];
	_ =	sdelay $0x4  }
0xb3: {  	v1 =	vmul.f32 $1.442695020e+00, v1;
	_ =	sdelay $0x1  }
0xb4: {  	(erf) = vpow2.f32 v1;
	_ =	sdelay $0x1  }
0xb5: {  	v1 =	vld [tilespmem:s25+$0x1A840];
	_ =	sdelay $0x1  }
0xb6: {  	s24 =	sadd.s32 $0x1, s24  }
0xb7: {  	p0 =	sne.s32 s24, $0xD  }
.Ltmp3:
0xb8: {  	_ = 	snop;
	(pc) =	sbr.rel @p0 .LBB2_4-.Ltmp3, $3  }
0xb9: {  	_ =	sdelay $0x1  }
0xba: {  	v2 =	vpop (erf)  }
0xbb: {  	[tilespmem:v1+s2+$0x0] =	vst.idx.add.f32.msk $0xffff, v2  }
0xbc: {  	s22 =	sadd.s32 $0x1, s22  }
0xbd: {  	p0 =	sne.s32 s22, s10  }
.Ltmp4:
0xbe: {  	_ = 	snop;
	(pc) =	sbr.rel @p0 .LBB2_1-.Ltmp4, $4  }
0xbf: {  	[hbm4b:s9+s19] =	stream.strided.scatter [tilespmem:s2], [sflag:$0x5], $0x19000, s20, s19, $0x38;
	[tilespmem:$0x1B000] =	vst v63  }
0xc0: {  	_ =	swait.ge [sflag:s21], $0x19000  }
0xc1: {  	[sflag:s21] =	ssyncset.done $0x0  }
0xc2: {  	[sflag:s21] =	ssyncadd.s32 $0xFFFE7000  }
0xc3: {  	_ =	sfence.sel $0x180000  }
0xc4: {  	[bflag:$0x0] =	sbarrier.arrive $0xFFFF  }
0xc5: {  	p0 =	sne.s32 s0, $0x0;
	_ =	strace $0x90000047  }
0xc6: {  	s0 =	sadd.s32 @!p0 $0x100000, s1;
	[bflag:$0x2] =	sbarrier.arrive $0xFFFF  }
0xc7: {  	[sflag:s0] =	ssyncadd.tile.s32 @!p0 $0x1;
	_ =	shalt  }
.Lfunc_end2:
_tile_overlayer_lowered:
.L_overlay_start_2:
0xc8: {  	(tag) =	ssettag $0x2  }
0xc9: {  	s0 =	rddreg [dreg:$0x0];
	s2 =	stileid.u32  }
0xca: {  	s1 =	rddreg [dreg:$0x1];
	p0 =	sne.s32 s2, $0x0  }
0xcb: {  	s3 =	rddreg [dreg:$0x2];
	[bflag:$0x3] =	sbarrier.arrive $0xFFFF;
	s2 =	simm.s32 @!p0 $0x1C05  }
0xcc: {  	[timem:s3], [sflag:s2] =	dma.local @!p0 [hbm:s0], s1  }
0xcd: {  	s0 =	simm.s32 @!p0 $0x5  }
0xce: {  	_ =	swait.ge @!p0 [sflag:s0], s1  }
0xcf: {  	s1 =	ssub.s32 @!p0 $0x0, s1;
	[sflag:s0] =	ssyncset.done @!p0 $0x0  }
0xd0: {  	[sflag:s0] =	ssyncadd.s32 @!p0 s1  }
0xd1: {  	[bflag:$0x3] =	sbarrier.arrive $0xFFFF  }
0xd2: {  	_ =	shalt  }

// kernel: kernel.14.cloned.1.call-start
scs
__scs_entry_jumppad:
0x0: {  	(pc) =	sbr.rel $0x88, $3  }
0x1: {  	(tag) =	ssettag $0x0;
	lr =	simm.s32 $0x1  }
0x2: {  	[smem:$0x3F9E] =	sst lr;
	_ =	strace $0xD0000000  }
0x3: {  	_ = 	snop  }
0x4: {  	_ = 	snop  }
0x5: {  	_ = 	snop  }
0x6: {  	_ = 	snop  }
0x7: {  	_ = 	snop  }
__scs_overlays_trampoline_lowered:
0x8: {  	[smem:$0x3FAD] =	sst s0  }
0x9: {  	[smem:$0x3FAE] =	sst s1  }
0xa: {  	[smem:$0x3FAF] =	sst s2  }
0xb: {  	[smem:$0x3FB0] =	sst s3  }
0xc: {  	[smem:$0x3FB1] =	sst s4  }
0xd: {  	[smem:$0x3FB2] =	sst s5  }
0xe: {  	[smem:$0x3FB3] =	sst s6  }
0xf: {  	[smem:$0x3FB4] =	sst s7  }
0x10: {  	[smem:$0x3FB5] =	sst s8  }
0x11: {  	[smem:$0x3FB6] =	sst s9;
	s0 =	simm.s32 @!p0 $0x0  }
0x12: {  	s1 =	sld [smem:$0x3F9C];
	s0 =	simm.s32 @p0 $0x1  }
0x13: {  	[smem:$0x3FB7] =	sst s0;
	s0 =	simm.s32 @!p1 $0x0  }
0x14: {  	s2 =	sld [smem:$0x3F9B];
	s0 =	simm.s32 @p1 $0x1  }
0x15: {  	[smem:$0x3FB8] =	sst s0;
	s0 =	simm.s32 @!p2 $0x0  }
0x16: {  	s3 =	sld [smem:$0x3FDB];
	s0 =	simm.s32 @p2 $0x1  }
0x17: {  	s4 =	simm.s32 $0x1BF5;
	[smem:$0x3FBA] =	sst s0  }
0x18: {  	s0 =	sld [smem:$0x3F9D];
	_ =	swait.ge [sflag:s4], $0x0  }
0x19: {  	s7 =	sld [smem:$0x3F9E]  }
0x1a: {  	s8 =	sadd.s32 $0xFFFFE003, lr  }
0x1b: {  	s9 =	sadd.s32 $0xFFFFFEF7, lr;
	s5 =	simm.s32 $0xFFFFFFFF;
	p2 =	slt.u32 s8, $0xFFFFF086  }
0x1c: {  	p1 =	slt.u32 s9, $0xF7A;
	s5 =	simm.s32 @!p2 $0x0  }
0x1d: {  	s5 =	simm.s32 @p1 $0x1;
	p0 =	seq.s32 s7, s2  }
0x1e: {  	s7 =	smul.u32 @!p0 $0xF7A, s2;
	p2 =	seq.s32 @!p0 s5, $0x0  }
0x1f: {  	s9 =	smul.u32 $0xF7A, s1;
	s8 =	simm.s32 @!p0 $0x1BF5;
	p2 =	por !p2, p0  }
0x20: {  	[sflag:s8] =	ssyncset.s32 @!p0 $0xFFFFF086;
	s6 =	sadd.s32 @!p0 s3, s7;
	s7 =	simm.s32 @!p0 $0x108  }
0x21: {  	s3 =	sadd.s32 s3, s9;
	s6 =	sadd.s32 @!p0 $0x88, s6;
	s7 =	simm.s32 @p2 $0x1082  }
0x22: {  	[simem:s7], [sflag:s8] =	dma.local @!p0 [hbm:s6], $0xF7A  }
0x23: {  	s9 =	sor.u32 $0xD0000000, s2;
	s6 =	simm.s32 $0x108;
	_ =	swait.ge @!p0 [sflag:s8], $0x0  }
0x24: {  	s3 =	sadd.s32 $0x88, s3;
	s6 =	simm.s32 @!p1 $0x1082;
	[sflag:s4] =	ssyncset.s32 $0xFFFFF086  }
0x25: {  	[simem:s6], [sflag:s4] =	dma.local [hbm:s3], $0xF7A  }
0x26: {  	[smem:$0x3F9E] =	sst s1;
	(tag) =	ssettag s2;
	_ =	strace s9  }
0x27: {  	s1 =	sld [smem:$0x3FAE]  }
0x28: {  	s2 =	sld [smem:$0x3FAF]  }
0x29: {  	s4 =	sld [smem:$0x3FB1]  }
0x2a: {  	p0 =	seq.s32 s5, $0x0;
	s5 =	sld [smem:$0x3FB2]  }
0x2b: {  	s6 =	sld [smem:$0x3FB3]  }
0x2c: {  	s7 =	sld [smem:$0x3FB4]  }
0x2d: {  	s3 =	simm.s32 $0x108;
	s8 =	sld [smem:$0x3FB5]  }
0x2e: {  	s3 =	simm.s32 @!p0 $0x1082;
	s9 =	sld [smem:$0x3FB6]  }
0x2f: {  	lr =	sadd.s32 s0, s3;
	s0 =	sld [smem:$0x3FAD]  }
0x30: {  	s3 =	sld [smem:$0x3FB0]  }
0x31: {  	[smem:$0x3FB9] =	sst s10  }
0x32: {  	s10 =	sld [smem:$0x3FB7];
	_ =	sdelay $0x3  }
0x33: {  	p0 =	seq.s32 s10, $0x1;
	s10 =	sld [smem:$0x3FB9];
	_ =	sdelay $0x3  }
0x34: {  	[smem:$0x3FB9] =	sst s10  }
0x35: {  	s10 =	sld [smem:$0x3FB8];
	_ =	sdelay $0x3  }
0x36: {  	p1 =	seq.s32 s10, $0x1;
	s10 =	sld [smem:$0x3FB9];
	_ =	sdelay $0x3  }
0x37: {  	[smem:$0x3FB9] =	sst s10  }
0x38: {  	s10 =	sld [smem:$0x3FBA]  }
0x39: {  	_ = 	snop;
	(pc) =	sbr.ind lr, $3  }
0x3a: {  	_ = 	snop  }
0x3b: {  	_ = 	snop  }
0x3c: {  	p2 =	seq.s32 s10, $0x1;
	s10 =	sld [smem:$0x3FB9]  }
0x3d: {  	_ =	shalt  }
0x3e: {  	_ =	shalt  }
0x3f: {  	_ =	shalt  }
0x40: {  	_ =	shalt  }
0x41: {  	_ =	shalt  }
0x42: {  	_ =	shalt  }
0x43: {  	_ =	shalt  }
0x44: {  	_ =	shalt  }
0x45: {  	_ =	shalt  }
0x46: {  	_ =	shalt  }
0x47: {  	_ =	shalt  }
0x48: {  	_ =	shalt  }
0x49: {  	_ =	shalt  }
0x4a: {  	_ =	shalt  }
0x4b: {  	_ =	shalt  }
0x4c: {  	_ =	shalt  }
0x4d: {  	_ =	shalt  }
0x4e: {  	_ =	shalt  }
0x4f: {  	_ =	shalt  }
0x50: {  	_ =	shalt  }
0x51: {  	_ =	shalt  }
0x52: {  	_ =	shalt  }
0x53: {  	_ =	shalt  }
0x54: {  	_ =	shalt  }
0x55: {  	_ =	shalt  }
0x56: {  	_ =	shalt  }
0x57: {  	_ =	shalt  }
0x58: {  	_ =	shalt  }
0x59: {  	_ =	shalt  }
0x5a: {  	_ =	shalt  }
0x5b: {  	_ =	shalt  }
0x5c: {  	_ =	shalt  }
0x5d: {  	_ =	shalt  }
0x5e: {  	_ =	shalt  }
0x5f: {  	_ =	shalt  }
0x60: {  	_ =	shalt  }
0x61: {  	_ =	shalt  }
0x62: {  	_ =	shalt  }
0x63: {  	_ =	shalt  }
0x64: {  	_ =	shalt  }
0x65: {  	_ =	shalt  }
0x66: {  	_ =	shalt  }
0x67: {  	_ =	shalt  }
0x68: {  	_ =	shalt  }
0x69: {  	_ =	shalt  }
0x6a: {  	_ =	shalt  }
0x6b: {  	_ =	shalt  }
0x6c: {  	_ =	shalt  }
0x6d: {  	_ =	shalt  }
0x6e: {  	_ =	shalt  }
0x6f: {  	_ =	shalt  }
0x70: {  	_ =	shalt  }
0x71: {  	_ =	shalt  }
0x72: {  	_ =	shalt  }
0x73: {  	_ =	shalt  }
0x74: {  	_ =	shalt  }
0x75: {  	_ =	shalt  }
0x76: {  	_ =	shalt  }
0x77: {  	_ =	shalt  }
0x78: {  	_ =	shalt  }
0x79: {  	_ =	shalt  }
0x7a: {  	_ =	shalt  }
0x7b: {  	_ =	shalt  }
0x7c: {  	_ =	shalt  }
0x7d: {  	_ =	shalt  }
0x7e: {  	_ =	shalt  }
0x7f: {  	_ =	shalt  }
0x80: {  	_ =	shalt  }
0x81: {  	_ =	shalt  }
0x82: {  	_ =	shalt  }
0x83: {  	_ =	shalt  }
0x84: {  	_ =	shalt  }
0x85: {  	_ =	shalt  }
0x86: {  	_ =	shalt  }
0x87: {  	_ =	shalt  }
.Lfunc_end0:
.L_simem_size_0:
called_computation.2_lowered:
.L_overlay_start_0:
0x88: {  	s2 =	sld [smem:$0x3FD9]  }
0x89: {  	s3 =	sld [smem:$0x3FFE];
	_ =	sdelay $0x1  }
0x8a: {  	s1 =	srdreg.scid  }
0x8b: {  	s0 =	sand.u32 $0x1, s1  }
0x8c: {  	s17 =	sshll.u32 s0, $0xA;
	s2 =	sadd.s32 s3, s2  }
0x8d: {  	s2 =	sadd.s32 s2, s17  }
0x8e: {  	[smem:$0x3FC5] =	sst s2  }
0x8f: {  	_ = 	snop  }
0x90: {  	s2 =	sld [smem:$0x3FD0];
	(tm) =	ssettm $0x1  }
0x91: {  	s18 =	sld [smem:$0x3FFB];
	_ =	sdelay $0x3  }
0x92: {  	_ =	strace s18  }
0x93: {  	s3 =	sld [smem:$0x3FFC];
	_ =	sdelay $0x3  }
0x94: {  	_ =	strace s3  }
0x95: {  	s3 =	sld [smem:$0x3FFD];
	_ =	sdelay $0x3  }
0x96: {  	_ =	strace s3  }
0x97: {  	_ =	strace $0x8FFFFFFF  }
0x98: {  	s19 =	sld [smem:$0x3FDB];
	_ =	sdelay $0x1  }
0x99: {  	s4 =	simm.s32 $_scs_section_size  }
0x9a: {  	s5 =	simm.s32 $_size__tile_overlayer_lowered;
	s6 =	simm.s32 $_tile_overlayer_lowered  }
0x9b: {  	s22 =	simm.s32 $0x1BFF;
	s21 =	sshll.u32 s6, $0x1;
	s3 =	sadd.s32 s4, s19  }
0x9c: {  	s7 =	simm.s32 $0x0;
	s20 =	sshll.u32 s5, $0x1;
	s5 =	sadd.s32 s21, s3  }
0x9d: {  	[timem:s7], [sflag:s22] =	dma.local [hbm:s5], s20  }
0x9e: {  	_ =	swait.ge [sflag:s22], s20  }
0x9f: {  	s4 =	ssub.s32 $0x0, s20;
	[sflag:s22] =	ssyncset.done $0x0  }
0xa0: {  	[sflag:s22] =	ssyncadd.s32 s4;
	_ =	sdelay $0x1  }
0xa1: {  	s23 =	simm.s32 $0x1B8B  }
0xa2: {  	_ =	swait.ge [sflag:s23], $0x1  }
0xa3: {  	[sflag:s23] =	ssyncset.done $0x0  }
0xa4: {  	s25 =	simm.s32 $0x1B8E;
	s24 =	sld [smem:$0x3FFE];
	[sflag:s23] =	ssyncadd.s32 $0xFFFFFFFF  }
0xa5: {  	s26 =	simm.s32 $execute0_lowered;
	[smem:$0x3FD2] =	sst s25  }
0xa6: {  	s5 =	sshll.u32 s26, $0x1;
	_ =	strace $0x8000004C;
	[dreg:$0x1] =	wrdreg $0xFFFFFFFF  }
0xa7: {  	s28 =	simm.s32 $_size_execute0_lowered;
	s3 =	sadd.s32 s3, s5;
	[dreg:$0x0] =	wrdreg $0x0  }
0xa8: {  	s5 =	sshll.u32 s28, $0x1;
	[dreg:$0x2] =	wrdreg s3  }
0xa9: {  	[dreg:$0x3] =	wrdreg s5  }
0xaa: {  	[dreg:$0x4] =	wrdreg $0xC0  }
0xab: {  	_ =	task [dreg:s7], $0x5FFFF  }
0xac: {  	[dreg:$0x1] =	wrdreg $0xFFFFFFFF  }
0xad: {  	[dreg:$0x0] =	wrdreg $0x60  }
0xae: {  	[dreg:$0x2] =	wrdreg s24  }
0xaf: {  	[dreg:$0x3] =	wrdreg s2  }
0xb0: {  	[dreg:$0x4] =	wrdreg $0x9  }
0xb1: {  	_ =	task.clear_ibuf [dreg:s7], $0x5FFFF;
	_ =	strace $0x9000004C  }
0xb2: {  	s29 =	simm.s32 $0x9;
	_ =	strace $0x8000004E  }
0xb3: {  	_ =	swait.ge [sflag:s29], $0x1  }
0xb4: {  	[sflag:s29] =	ssyncadd.s32 $0xFFFFFFFF  }
0xb5: {  	_ =	strace $0x9000004E  }
0xb6: {  	_ =	sfence  }
0xb7: {  	s30 =	sld [smem:$0x0];
	_ =	sdelay $0x2  }
0xb8: {  	s31 =	sshll.u32 s1, $0xD;
	s1 =	sshrl.u32 s1, $0x2  }
0xb9: {  	s3 =	sand.u32 $0x4000, s31;
	s1 =	sadd.s32 s1, s30  }
0xba: {  	s0 =	sor.u32 s3, s0;
	s1 =	sshll.u32 s1, $0x11  }
0xbb: {  	s0 =	sor.u32 s1, s0  }
0xbc: {  	s0 =	sadd.s32 $0x8F2B, s0  }
0xbd: {  	[sflag:s0] =	ssyncadd.remote.s32 $0x1  }
0xbe: {  	_ =	sfence.sel $0xFFFF  }
0xbf: {  	[dreg:$0x0] =	wrdreg $0xFFFFFFFF;
	(pc) =	sbr.abs _section_cstart, $3  }
0xc0: {  	[dreg:$0x1] =	wrdreg $0xFFFFFFFF  }
0xc1: {  	_ =	task.clear_ibuf [dreg:s7], $0x2FFFF;
	_ =	strace $0x9FFFFFFF  }
0xc2: {  	(tm) =	ssettm $0x7FFFFFFF  }
0xc3: {  	_ =	shalt  }
tec
execute0_lowered:
.L_overlay_start_1:
0x0: {  	(tag) =	ssettag $0x1  }
0x1: {  	s0 =	rddreg [dreg:$0x0]  }
0x2: {  	s1 =	rddreg [dreg:$0x1];
	s2 =	simm.s32 $0x0;
	s3 =	srdreg.scid  }
0x3: {  	s9 =	stileid.u32;
	s18 =	simm.s32 $0x7;
	s28 =	simm.s32 $0x4  }
0x4: {  	s29 =	simm.s32 $0x1B800;
	s30 =	simm.s32 $0x5;
	s31 =	simm.s32 $0x6  }
0x5: {  	[smem:$0x7FF] =	sst s2;
	s4 =	sadd.s32 $0xF9E00, s0;
	s5 =	sadd.s32 $0x63000, s0  }
0x6: {  	s3 =	sand.u32 $0x1, s3;
	s6 =	sadd.s32 $0x1400, s0;
	s7 =	smul.u32 $0x17700, s9  }
0x7: {  	s8 =	sadd.s32 $0x95E00, s0;
	s9 =	smul.u32 $0x19640, s9;
	s10 =	ssub.s32 $0x2, s3  }
0x8: {  	_ =	strace $0x8000004D;
	p0 =	seq.s32 s3, $0x1;
	s21 =	sshrl.u32 s10, $0x1  }
0x9: {  	s22 =	sshrl.u32 s7, $0x3;
	s12 =	sadd.s32 $0x177000, s9;
	s13 =	sadd.s32 $0x7D0, s7  }
0xa: {  	s24 =	sshrl.u32 s9, $0x3;
	s14 =	sadd.s32 $0xFA0, s7;
	s0 =	ssub.s32 s10, s21  }
0xb: {  	s23 =	sadd.s32 s4, s22;
	s3 =	sadd.s32 s6, s22;
	s25 =	sshrl.u32 s12, $0x3  }
.Ltmp0:
0xc: {  	s21 =	simm.s32 $0x19800;
	[dreg:$0x3] =	wrdreg s23;
	(pc) =	sbr.rel .LBB2_1-.Ltmp0, $4  }
0xd: {  	s22 =	simm.s32 $0x1A800;
	[dreg:$0x4] =	wrdreg s3;
	s3 =	sadd.s32 s5, s24  }
0xe: {  	s26 =	sadd.s32 s6, s25;
	s17 =	smax.u32 s0, $0x1;
	s23 =	simm.s32 $0x1  }
0xf: {  	s24 =	simm.s32 $0x3;
	s25 =	simm.s32 $0x1B000;
	[dreg:$0x5] =	wrdreg s3  }
0x10: {  	s0 =	simm.s32 $0x0;
	[dreg:$0x6] =	wrdreg s26;
	s26 =	simm.s32 $0x2  }
.LBB2_14:
0x11: {  	s0 =	sadd.s32 $0x1, s0  }
0x12: {  	_ =	swait.ge [sflag:s30], $0x7D0;
	p1 =	sne.s32 s0, s17  }
.Ltmp1:
0x13: {  	[sflag:s30] =	ssyncset.done $0x0;
	(pc) =	sbr.rel @!p1 .LBB2_15-.Ltmp1, $4  }
0x14: {  	[sflag:s30] =	ssyncadd.s32 $0xFFFFF830  }
0x15: {  	_ =	swait.ge [sflag:s31], $0x7D0  }
0x16: {  	[sflag:s31] =	ssyncset.done $0x0  }
0x17: {  	[sflag:s31] =	ssyncadd.s32 $0xFFFFF830  }
.LBB2_1:
.Ltmp2:
0x18: {  	(pc) =	sbr.rel @!p0 .LBB2_2-.Ltmp2, $4  }
0x19: {  	[tilespmem:s2], [sflag:$0x7] =	stream.linear.gather [hbm4b:s8+s2], $0x19000, $0x38;
	[tilespmem:$0x1C000] =	vst v63  }
0x1a: {  	_ =	swait.ge [sflag:s18], $0x19000  }
0x1b: {  	[sflag:s18] =	ssyncset.done $0x0  }
0x1c: {  	s3 =	simm.s32 $0x0;
	[sflag:s18] =	ssyncadd.s32 $0xFFFE7000  }
0x1d: {  	s10 =	rddreg [dreg:$0x5];
	s11 =	simm.s32 $0x19000  }
0x1e: {  	[tilespmem:s11], [sflag:$0x1] =	stream.linear.gather [hbm4b:s10+s3], $0x7D0, $0x38;
	[tilespmem:$0x1C000] =	vst v63  }
0x1f: {  	s19 =	rddreg [dreg:$0x6];
	s20 =	simm.s32 $0x1A000  }
0x20: {  	[tilespmem:s20], [sflag:$0x3] =	stream.linear.gather [hbm4b:s19+s3], $0x7D0, $0x38;
	[tilespmem:$0x1C000] =	vst v63  }
.LBB2_9:
0x21: {  	s20 =	smul.u32 $0xFA0, s3;
	_ =	sdelay $0x1  }
0x22: {  	s10 =	sadd.s32 $0x7D0, s20  }
0x23: {  	s11 =	sadd.s32 s9, s10  }
0x24: {  	s10 =	sadd.s32 s12, s10;
	s11 =	sshrl.u32 s11, $0x3  }
0x25: {  	s19 =	sshrl.u32 s10, $0x3;
	s11 =	sadd.s32 s5, s11  }
0x26: {  	[tilespmem:s21], [sflag:$0x2] =	stream.linear.gather [hbm4b:s11+s2], $0x7D0, $0x38;
	[tilespmem:$0x1C000] =	vst v63  }
0x27: {  	s10 =	sadd.s32 s6, s19  }
0x28: {  	[tilespmem:s22], [sflag:$0x4] =	stream.linear.gather [hbm4b:s10+s2], $0x7D0, $0x38;
	[tilespmem:$0x1C000] =	vst v63  }
0x29: {  	_ =	swait.ge [sflag:s23], $0x7D0  }
0x2a: {  	[sflag:s23] =	ssyncset.done $0x0  }
0x2b: {  	[sflag:s23] =	ssyncadd.s32 $0xFFFFF830  }
0x2c: {  	_ =	swait.ge [sflag:s24], $0x7D0  }
0x2d: {  	p1 =	seq.s32 s3, $0x0;
	[sflag:s24] =	ssyncset.done $0x0  }
0x2e: {  	s10 =	simm.s32 @!p1 $0x5;
	[sflag:s24] =	ssyncadd.s32 $0xFFFFF830  }
0x2f: {  	_ =	swait.ge @!p1 [sflag:s10], $0x7D0  }
0x30: {  	[sflag:s10] =	ssyncset.done @!p1 $0x0  }
0x31: {  	s11 =	simm.s32 $0x0;
	[sflag:s10] =	ssyncadd.s32 @!p1 $0xFFFFF830  }
0x32: {  	v0 =	vld [tilespmem:s11+$0x19000];
	_ =	sdelay $0x3  }
0x33: {  	v1 =	vld [tilespmem:s11+$0x1A000]  }
0x34: {  	v0 =	vmul.f32 $1.442695020e+00, v0;
	_ =	sdelay $0x1  }
0x35: {  	(erf) = vpow2.f32 v0;
	_ =	sdelay $0x1  }
0x36: {  	v0 =	vld [tilespmem:s11+$0x19010];
	_ =	sdelay $0x1  }
0x37: {  	v2 =	vld [tilespmem:s11+$0x1A010]  }
0x38: {  	v1 =	vld.idx.msk [tilespmem:v1+s2+$0x0], $0xffff;
	_ =	sdelay $0x1  }
0x39: {  	v0 =	vmul.f32 $1.442695020e+00, v0;
	_ =	sdelay $0x1  }
0x3a: {  	(erf) = vpow2.f32 v0;
	v3 =	vpop (erf)  }
0x3b: {  	v0 =	vmul.f32 v1, v3  }
0x3c: {  	v1 =	vld [tilespmem:s11+$0x19020]  }
0x3d: {  	[tilespmem:s11+$0x1B000] =	vst v0  }
0x3e: {  	v0 =	vld.idx.msk [tilespmem:v2+s2+$0x0], $0xffff  }
0x3f: {  	v2 =	vld [tilespmem:s11+$0x1A020];
	_ =	sdelay $0x1  }
0x40: {  	v1 =	vmul.f32 $1.442695020e+00, v1;
	_ =	sdelay $0x1  }
0x41: {  	v3 =	vpop (erf);
	(erf) = vpow2.f32 v1;
	v1 =	vld [tilespmem:s11+$0x19030]  }
0x42: {  	v0 =	vmul.f32 v0, v3;
	_ =	sdelay $0x1  }
0x43: {  	[tilespmem:s11+$0x1B010] =	vst v0  }
0x44: {  	v0 =	vld.idx.msk [tilespmem:v2+s2+$0x0], $0xffff  }
0x45: {  	v2 =	vld [tilespmem:s11+$0x1A030];
	v1 =	vmul.f32 $1.442695020e+00, v1;
	_ =	sdelay $0x2  }
0x46: {  	(erf) = vpow2.f32 v1  }
0x47: {  	v1 =	vpop (erf)  }
0x48: {  	v0 =	vmul.f32 v0, v1;
	v1 =	vld [tilespmem:s11+$0x19040];
	_ =	sdelay $0x1  }
0x49: {  	[tilespmem:s11+$0x1B020] =	vst v0;
	v0 =	vld [tilespmem:s11+$0x1A040]  }
0x4a: {  	v2 =	vld.idx.msk [tilespmem:v2+s2+$0x0], $0xffff;
	_ =	sdelay $0x1  }
0x4b: {  	v1 =	vmul.f32 $1.442695020e+00, v1;
	_ =	sdelay $0x1  }
0x4c: {  	v3 =	vpop (erf);
	(erf) = vpow2.f32 v1  }
0x4d: {  	s16 =	simm.s32 $0x50;
	s15 =	simm.s32 $0x280;
	s10 =	sadd.s32 s12, s20;
	v1 =	vmul.f32 v2, v3  }
.LBB2_10:
0x4e: {  	p2 =	sne.s32 s15, $0x1E00;
	v2 =	vld [tilespmem:s16+$0x19000]  }
0x4f: {  	[tilespmem:s11+$0x1B030] =	vst v1  }
0x50: {  	v0 =	vld.idx.msk [tilespmem:v0+s2+$0x0], $0xffff  }
0x51: {  	v1 =	vld [tilespmem:s16+$0x1A000];
	_ =	sdelay $0x1  }
0x52: {  	v3 =	vmul.f32 $1.442695020e+00, v2;
	_ =	sdelay $0x1  }
0x53: {  	(erf) = vpow2.f32 v3;
	v2 =	vpop (erf)  }
0x54: {  	v0 =	vmul.f32 v0, v2  }
0x55: {  	v2 =	vld [tilespmem:s16+$0x19010]  }
0x56: {  	[tilespmem:s11+$0x1B040] =	vst v0;
	s11 =	smov.u32 s16  }
0x57: {  	v0 =	vld.idx.msk [tilespmem:v1+s2+$0x0], $0xffff  }
0x58: {  	v1 =	vld [tilespmem:s11+$0x1A010];
	_ =	sdelay $0x1  }
0x59: {  	v2 =	vmul.f32 $1.442695020e+00, v2;
	_ =	sdelay $0x1  }
0x5a: {  	v3 =	vpop (erf);
	(erf) = vpow2.f32 v2  }
0x5b: {  	v0 =	vmul.f32 v0, v3  }
0x5c: {  	v2 =	vld [tilespmem:s11+$0x19020]  }
0x5d: {  	[tilespmem:s11+$0x1B000] =	vst v0  }
0x5e: {  	v0 =	vld.idx.msk [tilespmem:v1+s2+$0x0], $0xffff  }
0x5f: {  	v1 =	vld [tilespmem:s11+$0x1A020];
	_ =	sdelay $0x1  }
0x60: {  	v2 =	vmul.f32 $1.442695020e+00, v2;
	_ =	sdelay $0x1  }
0x61: {  	v3 =	vpop (erf);
	(erf) = vpow2.f32 v2  }
0x62: {  	v0 =	vmul.f32 v0, v3  }
0x63: {  	v2 =	vld [tilespmem:s11+$0x19030]  }
0x64: {  	[tilespmem:s11+$0x1B010] =	vst v0  }
0x65: {  	v0 =	vld.idx.msk [tilespmem:v1+s2+$0x0], $0xffff  }
0x66: {  	v1 =	vld [tilespmem:s11+$0x1A030];
	_ =	sdelay $0x1  }
0x67: {  	v2 =	vmul.f32 $1.442695020e+00, v2;
	_ =	sdelay $0x1  }
0x68: {  	v3 =	vpop (erf);
	(erf) = vpow2.f32 v2  }
0x69: {  	v0 =	vmul.f32 v0, v3  }
0x6a: {  	v2 =	vld [tilespmem:s11+$0x19040]  }
0x6b: {  	[tilespmem:s11+$0x1B020] =	vst v0  }
0x6c: {  	v1 =	vld.idx.msk [tilespmem:v1+s2+$0x0], $0xffff  }
0x6d: {  	v0 =	vld [tilespmem:s11+$0x1A040]  }
.Ltmp3:
0x6e: {  	(pc) =	sbr.rel @p2 .LBB2_10-.Ltmp3, $3  }
0x6f: {  	v2 =	vmul.f32 $1.442695020e+00, v2;
	_ =	sdelay $0x1  }
0x70: {  	v3 =	vpop (erf);
	(erf) = vpow2.f32 v2  }
0x71: {  	s16 =	sshra.s32 s15, $0x2;
	s15 =	sadd.s32 $0x140, s15;
	v1 =	vmul.f32 v1, v3  }
0x72: {  	v2 =	vld [tilespmem:s16+$0x19000];
	_ =	sdelay $0x2  }
0x73: {  	[tilespmem:s11+$0x1B030] =	vst v1  }
0x74: {  	v0 =	vld.idx.msk [tilespmem:v0+s2+$0x0], $0xffff  }
0x75: {  	v1 =	vld [tilespmem:s16+$0x1A000];
	v2 =	vmul.f32 $1.442695020e+00, v2;
	_ =	sdelay $0x3  }
0x76: {  	(erf) = vpow2.f32 v2;
	v2 =	vpop (erf)  }
0x77: {  	v0 =	vmul.f32 v0, v2  }
0x78: {  	v2 =	vld [tilespmem:s16+$0x19010]  }
0x79: {  	[tilespmem:s11+$0x1B040] =	vst v0  }
0x7a: {  	v0 =	vld.idx.msk [tilespmem:v1+s2+$0x0], $0xffff  }
0x7b: {  	v1 =	vld [tilespmem:s16+$0x1A010];
	_ =	sdelay $0x1  }
0x7c: {  	v2 =	vmul.f32 $1.442695020e+00, v2;
	_ =	sdelay $0x1  }
0x7d: {  	v3 =	vpop (erf);
	(erf) = vpow2.f32 v2  }
0x7e: {  	v0 =	vmul.f32 v0, v3  }
0x7f: {  	v2 =	vld [tilespmem:s16+$0x19020]  }
0x80: {  	[tilespmem:s16+$0x1B000] =	vst v0  }
0x81: {  	v0 =	vld.idx.msk [tilespmem:v1+s2+$0x0], $0xffff  }
0x82: {  	v1 =	vld [tilespmem:s16+$0x1A020];
	_ =	sdelay $0x1  }
0x83: {  	v2 =	vmul.f32 $1.442695020e+00, v2;
	_ =	sdelay $0x1  }
0x84: {  	v3 =	vpop (erf);
	(erf) = vpow2.f32 v2  }
0x85: {  	v0 =	vmul.f32 v0, v3  }
0x86: {  	v2 =	vld [tilespmem:s16+$0x19030]  }
0x87: {  	[tilespmem:s16+$0x1B010] =	vst v0  }
0x88: {  	v0 =	vld.idx.msk [tilespmem:v1+s2+$0x0], $0xffff  }
0x89: {  	v1 =	vld [tilespmem:s16+$0x1A030];
	_ =	sdelay $0x1  }
0x8a: {  	v2 =	vmul.f32 $1.442695020e+00, v2;
	_ =	sdelay $0x1  }
0x8b: {  	(erf) = vpow2.f32 v2;
	v2 =	vld [tilespmem:s16+$0x19040];
	v3 =	vpop (erf)  }
0x8c: {  	v0 =	vmul.f32 v0, v3;
	_ =	sdelay $0x1  }
0x8d: {  	[tilespmem:s16+$0x1B020] =	vst v0  }
0x8e: {  	v0 =	vld.idx.msk [tilespmem:v1+s2+$0x0], $0xffff  }
0x8f: {  	v2 =	vmul.f32 $1.442695020e+00, v2;
	v1 =	vld [tilespmem:s16+$0x1A040];
	_ =	sdelay $0x2  }
0x90: {  	(erf) = vpow2.f32 v2  }
0x91: {  	v2 =	vpop (erf)  }
0x92: {  	v0 =	vmul.f32 v0, v2;
	_ =	sdelay $0x1  }
0x93: {  	[tilespmem:s16+$0x1B030] =	vst v0  }
0x94: {  	v0 =	vld.idx.msk [tilespmem:v1+s2+$0x0], $0xffff;
	_ =	sdelay $0x3  }
0x95: {  	v1 =	vpop (erf)  }
0x96: {  	v0 =	vmul.f32 v0, v1  }
0x97: {  	s10 =	sshrl.u32 s10, $0x3  }
0x98: {  	p2 =	seq.s32 s3, $0x19;
	s10 =	sadd.s32 s1, s10;
	[tilespmem:s16+$0x1B040] =	vst v0  }
0x99: {  	[hbm4b:s10+s2] =	stream.linear.scatter [tilespmem:s25], [sflag:$0x5], $0x7D0, $0x38;
	[tilespmem:$0x1C000] =	vst v63  }
0x9a: {  	s10 =	sadd.s32 @!p2 $0xFA0, s20  }
0x9b: {  	s11 =	sadd.s32 @!p2 s9, s10  }
0x9c: {  	s15 =	simm.s32 @!p2 $0x0;
	s10 =	sadd.s32 @!p2 s12, s10;
	s11 =	sshrl.u32 @!p2 s11, $0x3  }
0x9d: {  	s16 =	simm.s32 @!p2 $0x19000;
	s10 =	sshrl.u32 @!p2 s10, $0x3;
	s11 =	sadd.s32 @!p2 s5, s11  }
0x9e: {  	[tilespmem:s16], [sflag:$0x1] =	stream.linear.gather @!p2 [hbm4b:s11+s15], $0x7D0, $0x38;
	[tilespmem:$0x1C000] =	vst v63  }
0x9f: {  	s10 =	sadd.s32 @!p2 s6, s10;
	s11 =	simm.s32 @!p2 $0x1A000  }
0xa0: {  	[tilespmem:s11], [sflag:$0x3] =	stream.linear.gather @!p2 [hbm4b:s10+s15], $0x7D0, $0x38;
	[tilespmem:$0x1C000] =	vst v63  }
0xa1: {  	_ =	swait.ge [sflag:s26], $0x7D0  }
0xa2: {  	[sflag:s26] =	ssyncset.done $0x0  }
0xa3: {  	[sflag:s26] =	ssyncadd.s32 $0xFFFFF830  }
0xa4: {  	_ =	swait.ge [sflag:s28], $0x7D0  }
0xa5: {  	[sflag:s28] =	ssyncset.done $0x0  }
0xa6: {  	s10 =	simm.s32 @!p1 $0x6;
	[sflag:s28] =	ssyncadd.s32 $0xFFFFF830  }
0xa7: {  	_ =	swait.ge @!p1 [sflag:s10], $0x7D0  }
0xa8: {  	[sflag:s10] =	ssyncset.done @!p1 $0x0  }
0xa9: {  	[sflag:s10] =	ssyncadd.s32 @!p1 $0xFFFFF830;
	s10 =	simm.s32 $0x0  }
0xaa: {  	v0 =	vld [tilespmem:s10+$0x19800];
	_ =	sdelay $0x3  }
0xab: {  	v1 =	vld [tilespmem:s10+$0x1A800]  }
0xac: {  	v0 =	vmul.f32 $1.442695020e+00, v0;
	_ =	sdelay $0x1  }
0xad: {  	(erf) = vpow2.f32 v0;
	_ =	sdelay $0x1  }
0xae: {  	v0 =	vld [tilespmem:s10+$0x19810];
	_ =	sdelay $0x1  }
0xaf: {  	v2 =	vld [tilespmem:s10+$0x1A810]  }
0xb0: {  	v1 =	vld.idx.msk [tilespmem:v1+s2+$0x0], $0xffff;
	_ =	sdelay $0x1  }
0xb1: {  	v0 =	vmul.f32 $1.442695020e+00, v0;
	_ =	sdelay $0x1  }
0xb2: {  	v3 =	vpop (erf);
	(erf) = vpow2.f32 v0  }
0xb3: {  	v0 =	vmul.f32 v1, v3  }
0xb4: {  	v1 =	vld [tilespmem:s10+$0x19820]  }
0xb5: {  	[tilespmem:s10+$0x1B800] =	vst v0  }
0xb6: {  	v0 =	vld.idx.msk [tilespmem:v2+s2+$0x0], $0xffff  }
0xb7: {  	v2 =	vld [tilespmem:s10+$0x1A820];
	_ =	sdelay $0x1  }
0xb8: {  	v1 =	vmul.f32 $1.442695020e+00, v1;
	_ =	sdelay $0x1  }
0xb9: {  	(erf) = vpow2.f32 v1;
	v1 =	vld [tilespmem:s10+$0x19830];
	v3 =	vpop (erf)  }
0xba: {  	v0 =	vmul.f32 v0, v3;
	_ =	sdelay $0x1  }
0xbb: {  	[tilespmem:s10+$0x1B810] =	vst v0  }
0xbc: {  	v0 =	vld.idx.msk [tilespmem:v2+s2+$0x0], $0xffff  }
0xbd: {  	v2 =	vld [tilespmem:s10+$0x1A830];
	v1 =	vmul.f32 $1.442695020e+00, v1;
	_ =	sdelay $0x2  }
0xbe: {  	(erf) = vpow2.f32 v1  }
0xbf: {  	v1 =	vpop (erf)  }
0xc0: {  	v0 =	vmul.f32 v0, v1;
	v1 =	vld [tilespmem:s10+$0x19840];
	_ =	sdelay $0x1  }
0xc1: {  	[tilespmem:s10+$0x1B820] =	vst v0;
	v0 =	vld [tilespmem:s10+$0x1A840]  }
0xc2: {  	v2 =	vld.idx.msk [tilespmem:v2+s2+$0x0], $0xffff;
	_ =	sdelay $0x1  }
0xc3: {  	v1 =	vmul.f32 $1.442695020e+00, v1;
	_ =	sdelay $0x1  }
0xc4: {  	v3 =	vpop (erf);
	(erf) = vpow2.f32 v1  }
0xc5: {  	s15 =	simm.s32 $0x50;
	s11 =	simm.s32 $0x280;
	v1 =	vmul.f32 v2, v3  }
.LBB2_12:
0xc6: {  	p1 =	sne.s32 s11, $0x1E00;
	v2 =	vld [tilespmem:s15+$0x19800]  }
0xc7: {  	[tilespmem:s10+$0x1B830] =	vst v1  }
0xc8: {  	v0 =	vld.idx.msk [tilespmem:v0+s2+$0x0], $0xffff  }
0xc9: {  	v1 =	vld [tilespmem:s15+$0x1A800];
	_ =	sdelay $0x1  }
0xca: {  	v3 =	vmul.f32 $1.442695020e+00, v2;
	_ =	sdelay $0x1  }
0xcb: {  	(erf) = vpow2.f32 v3;
	v2 =	vpop (erf)  }
0xcc: {  	v0 =	vmul.f32 v0, v2  }
0xcd: {  	v2 =	vld [tilespmem:s15+$0x19810]  }
0xce: {  	[tilespmem:s10+$0x1B840] =	vst v0;
	s10 =	smov.u32 s15  }
0xcf: {  	v0 =	vld.idx.msk [tilespmem:v1+s2+$0x0], $0xffff  }
0xd0: {  	v1 =	vld [tilespmem:s10+$0x1A810];
	_ =	sdelay $0x1  }
0xd1: {  	v2 =	vmul.f32 $1.442695020e+00, v2;
	_ =	sdelay $0x1  }
0xd2: {  	v3 =	vpop (erf);
	(erf) = vpow2.f32 v2  }
0xd3: {  	v0 =	vmul.f32 v0, v3  }
0xd4: {  	v2 =	vld [tilespmem:s10+$0x19820]  }
0xd5: {  	[tilespmem:s10+$0x1B800] =	vst v0  }
0xd6: {  	v0 =	vld.idx.msk [tilespmem:v1+s2+$0x0], $0xffff  }
0xd7: {  	v1 =	vld [tilespmem:s10+$0x1A820];
	_ =	sdelay $0x1  }
0xd8: {  	v2 =	vmul.f32 $1.442695020e+00, v2;
	_ =	sdelay $0x1  }
0xd9: {  	v3 =	vpop (erf);
	(erf) = vpow2.f32 v2  }
0xda: {  	v0 =	vmul.f32 v0, v3  }
0xdb: {  	v2 =	vld [tilespmem:s10+$0x19830]  }
0xdc: {  	[tilespmem:s10+$0x1B810] =	vst v0  }
0xdd: {  	v0 =	vld.idx.msk [tilespmem:v1+s2+$0x0], $0xffff  }
0xde: {  	v1 =	vld [tilespmem:s10+$0x1A830];
	_ =	sdelay $0x1  }
0xdf: {  	v2 =	vmul.f32 $1.442695020e+00, v2;
	_ =	sdelay $0x1  }
0xe0: {  	v3 =	vpop (erf);
	(erf) = vpow2.f32 v2  }
0xe1: {  	v0 =	vmul.f32 v0, v3  }
0xe2: {  	v2 =	vld [tilespmem:s10+$0x19840]  }
0xe3: {  	[tilespmem:s10+$0x1B820] =	vst v0  }
0xe4: {  	v1 =	vld.idx.msk [tilespmem:v1+s2+$0x0], $0xffff  }
0xe5: {  	v0 =	vld [tilespmem:s10+$0x1A840]  }
.Ltmp4:
0xe6: {  	(pc) =	sbr.rel @p1 .LBB2_12-.Ltmp4, $3  }
0xe7: {  	v2 =	vmul.f32 $1.442695020e+00, v2;
	_ =	sdelay $0x1  }
0xe8: {  	v3 =	vpop (erf);
	(erf) = vpow2.f32 v2  }
0xe9: {  	s15 =	sshra.s32 s11, $0x2;
	s11 =	sadd.s32 $0x140, s11;
	v1 =	vmul.f32 v1, v3  }
0xea: {  	v2 =	vld [tilespmem:s15+$0x19800];
	_ =	sdelay $0x2  }
0xeb: {  	[tilespmem:s10+$0x1B830] =	vst v1  }
0xec: {  	v0 =	vld.idx.msk [tilespmem:v0+s2+$0x0], $0xffff  }
0xed: {  	v1 =	vld [tilespmem:s15+$0x1A800];
	v2 =	vmul.f32 $1.442695020e+00, v2;
	_ =	sdelay $0x1  }
0xee: {  	(erf) = vpow2.f32 v2;
	_ =	sdelay $0x1  }
0xef: {  	v52 =	vld [tilespmem:s15+$0x19810];
	v51 =	vpop (erf)  }
0xf0: {  	v0 =	vmul.f32 v0, v51;
	_ =	sdelay $0x1  }
0xf1: {  	[tilespmem:s10+$0x1B840] =	vst v0  }
0xf2: {  	v0 =	vld.idx.msk [tilespmem:v1+s2+$0x0], $0xffff  }
0xf3: {  	v2 =	vmul.f32 $1.442695020e+00, v52;
	v53 =	vld [tilespmem:s15+$0x1A810];
	_ =	sdelay $0x1  }
0xf4: {  	v3 =	vpop (erf);
	(erf) = vpow2.f32 v2;
	_ =	sdelay $0x1  }
0xf5: {  	v54 =	vld [tilespmem:s15+$0x19820]  }
0xf6: {  	v0 =	vmul.f32 v0, v3;
	_ =	sdelay $0x1  }
0xf7: {  	v55 =	vld [tilespmem:s15+$0x1A820];
	[tilespmem:s15+$0x1B800] =	vst v0  }
0xf8: {  	v0 =	vld.idx.msk [tilespmem:v53+s2+$0x0], $0xffff  }
0xf9: {  	v2 =	vmul.f32 $1.442695020e+00, v54;
	_ =	sdelay $0x1  }
0xfa: {  	v56 =	vpop (erf);
	(erf) = vpow2.f32 v2  }
0xfb: {  	v57 =	vld [tilespmem:s15+$0x19830]  }
0xfc: {  	v0 =	vmul.f32 v0, v56;
	_ =	sdelay $0x1  }
0xfd: {  	v58 =	vld [tilespmem:s15+$0x1A830];
	[tilespmem:s15+$0x1B810] =	vst v0  }
0xfe: {  	v0 =	vld.idx.msk [tilespmem:v55+s2+$0x0], $0xffff  }
0xff: {  	v2 =	vmul.f32 $1.442695020e+00, v57;
	_ =	sdelay $0x1  }
0x100: {  	(erf) = vpow2.f32 v2  }
0x101: {  	v60 =	vld [tilespmem:s15+$0x19840];
	v59 =	vpop (erf)  }
0x102: {  	v0 =	vmul.f32 v0, v59;
	_ =	sdelay $0x1  }
0x103: {  	v61 =	vld [tilespmem:s15+$0x1A840];
	[tilespmem:s15+$0x1B820] =	vst v0  }
0x104: {  	v0 =	vld.idx.msk [tilespmem:v58+s2+$0x0], $0xffff  }
0x105: {  	v2 =	vmul.f32 $1.442695020e+00, v60;
	_ =	sdelay $0x1  }
0x106: {  	(erf) = vpow2.f32 v2  }
0x107: {  	v62 =	vpop (erf)  }
0x108: {  	v0 =	vmul.f32 v0, v62;
	_ =	sdelay $0x1  }
0x109: {  	[tilespmem:s15+$0x1B830] =	vst v0  }
0x10a: {  	v0 =	vld.idx.msk [tilespmem:v61+s2+$0x0], $0xffff;
	_ =	sdelay $0x1  }
0x10b: {  	s3 =	sadd.s32 $0x1, s3  }
0x10c: {  	p1 =	sne.s32 s3, $0x1A  }
.Ltmp5:
0x10d: {  	v63 =	vpop (erf);
	(pc) =	sbr.rel @p1 .LBB2_9-.Ltmp5, $4  }
.Ltmp6:
0x10e: {  	v0 =	vmul.f32 v0, v63;
	(pc) =	sbr.rel @!p1 .LBB2_14-.Ltmp6, $4  }
0x10f: {  	_ = 	snop  }
0x110: {  	s20 =	sadd.s32 s1, s19;
	[tilespmem:s15+$0x1B840] =	vst v0  }
0x111: {  	[hbm4b:s20+s2] =	stream.linear.scatter [tilespmem:s29], [sflag:$0x6], $0x7D0, $0x38;
	[tilespmem:$0x1C000] =	vst v63  }
0x112: {  	_ = 	snop  }
.LBB2_2:
0x113: {  	s10 =	rddreg [dreg:$0x3];
	s11 =	simm.s32 $0x19000  }
0x114: {  	[tilespmem:s11], [sflag:$0x1] =	stream.linear.gather [hbm4b:s10+s3], $0x7D0, $0x38;
	[tilespmem:$0x1C000] =	vst v63  }
0x115: {  	s19 =	rddreg [dreg:$0x4];
	s20 =	simm.s32 $0x1A000  }
0x116: {  	[tilespmem:s20], [sflag:$0x3] =	stream.linear.gather [hbm4b:s19+s3], $0x7D0, $0x38;
	[tilespmem:$0x1C000] =	vst v63  }
.LBB2_3:
0x117: {  	s20 =	smul.u32 $0xFA0, s3;
	_ =	sdelay $0x1  }
0x118: {  	s10 =	sadd.s32 s20, s13  }
0x119: {  	s19 =	sshrl.u32 s10, $0x3  }
0x11a: {  	s10 =	sadd.s32 s4, s19  }
0x11b: {  	[tilespmem:s21], [sflag:$0x2] =	stream.linear.gather [hbm4b:s10+s2], $0x7D0, $0x38;
	[tilespmem:$0x1C000] =	vst v63  }
0x11c: {  	s16 =	sadd.s32 s6, s19  }
0x11d: {  	[tilespmem:s22], [sflag:$0x4] =	stream.linear.gather [hbm4b:s16+s2], $0x7D0, $0x38;
	[tilespmem:$0x1C000] =	vst v63  }
0x11e: {  	_ =	swait.ge [sflag:s23], $0x7D0  }
0x11f: {  	[sflag:s23] =	ssyncset.done $0x0  }
0x120: {  	[sflag:s23] =	ssyncadd.s32 $0xFFFFF830  }
0x121: {  	_ =	swait.ge [sflag:s24], $0x7D0  }
0x122: {  	p1 =	seq.s32 s3, $0x0;
	[sflag:s24] =	ssyncset.done $0x0  }
0x123: {  	s10 =	simm.s32 @!p1 $0x5;
	[sflag:s24] =	ssyncadd.s32 $0xFFFFF830  }
0x124: {  	_ =	swait.ge @!p1 [sflag:s10], $0x7D0  }
0x125: {  	[sflag:s10] =	ssyncset.done @!p1 $0x0  }
0x126: {  	s11 =	simm.s32 $0x0;
	[sflag:s10] =	ssyncadd.s32 @!p1 $0xFFFFF830  }
0x127: {  	v0 =	vld [tilespmem:s11+$0x19000];
	_ =	sdelay $0x3  }
0x128: {  	v1 =	vld [tilespmem:s11+$0x1A000]  }
0x129: {  	v0 =	vmul.f32 $1.442695020e+00, v0;
	_ =	sdelay $0x1  }
0x12a: {  	(erf) = vpow2.f32 v0;
	_ =	sdelay $0x1  }
0x12b: {  	v0 =	vld [tilespmem:s11+$0x19010];
	_ =	sdelay $0x1  }
0x12c: {  	v2 =	vld [tilespmem:s11+$0x1A010]  }
0x12d: {  	v1 =	vld.idx.msk [tilespmem:v1+s2+$0x0], $0xffff;
	_ =	sdelay $0x1  }
0x12e: {  	v0 =	vmul.f32 $1.442695020e+00, v0;
	_ =	sdelay $0x1  }
0x12f: {  	(erf) = vpow2.f32 v0;
	v3 =	vpop (erf)  }
0x130: {  	v0 =	vmul.f32 v1, v3  }
0x131: {  	v1 =	vld [tilespmem:s11+$0x19020]  }
0x132: {  	[tilespmem:s11+$0x1B000] =	vst v0  }
0x133: {  	v0 =	vld.idx.msk [tilespmem:v2+s2+$0x0], $0xffff  }
0x134: {  	v2 =	vld [tilespmem:s11+$0x1A020];
	_ =	sdelay $0x1  }
0x135: {  	v1 =	vmul.f32 $1.442695020e+00, v1;
	_ =	sdelay $0x1  }
0x136: {  	v3 =	vpop (erf);
	(erf) = vpow2.f32 v1;
	v1 =	vld [tilespmem:s11+$0x19030]  }
0x137: {  	v0 =	vmul.f32 v0, v3;
	_ =	sdelay $0x1  }
0x138: {  	[tilespmem:s11+$0x1B010] =	vst v0  }
0x139: {  	v0 =	vld.idx.msk [tilespmem:v2+s2+$0x0], $0xffff  }
0x13a: {  	v2 =	vld [tilespmem:s11+$0x1A030];
	v1 =	vmul.f32 $1.442695020e+00, v1;
	_ =	sdelay $0x2  }
0x13b: {  	(erf) = vpow2.f32 v1  }
0x13c: {  	v1 =	vpop (erf)  }
0x13d: {  	v0 =	vmul.f32 v0, v1;
	v1 =	vld [tilespmem:s11+$0x19040];
	_ =	sdelay $0x1  }
0x13e: {  	[tilespmem:s11+$0x1B020] =	vst v0;
	v0 =	vld [tilespmem:s11+$0x1A040]  }
0x13f: {  	v2 =	vld.idx.msk [tilespmem:v2+s2+$0x0], $0xffff;
	_ =	sdelay $0x1  }
0x140: {  	v1 =	vmul.f32 $1.442695020e+00, v1;
	_ =	sdelay $0x1  }
0x141: {  	v3 =	vpop (erf);
	(erf) = vpow2.f32 v1  }
0x142: {  	s15 =	simm.s32 $0x280;
	s16 =	simm.s32 $0x50;
	s10 =	sadd.s32 s7, s20;
	v1 =	vmul.f32 v2, v3  }
.LBB2_4:
0x143: {  	p2 =	sne.s32 s15, $0x1E00;
	v2 =	vld [tilespmem:s16+$0x19000]  }
0x144: {  	[tilespmem:s11+$0x1B030] =	vst v1  }
0x145: {  	v0 =	vld.idx.msk [tilespmem:v0+s2+$0x0], $0xffff  }
0x146: {  	v1 =	vld [tilespmem:s16+$0x1A000];
	_ =	sdelay $0x1  }
0x147: {  	v3 =	vmul.f32 $1.442695020e+00, v2;
	_ =	sdelay $0x1  }
0x148: {  	(erf) = vpow2.f32 v3;
	v2 =	vpop (erf)  }
0x149: {  	v0 =	vmul.f32 v0, v2  }
0x14a: {  	v2 =	vld [tilespmem:s16+$0x19010]  }
0x14b: {  	[tilespmem:s11+$0x1B040] =	vst v0;
	s11 =	smov.u32 s16  }
0x14c: {  	v0 =	vld.idx.msk [tilespmem:v1+s2+$0x0], $0xffff  }
0x14d: {  	v1 =	vld [tilespmem:s11+$0x1A010];
	_ =	sdelay $0x1  }
0x14e: {  	v2 =	vmul.f32 $1.442695020e+00, v2;
	_ =	sdelay $0x1  }
0x14f: {  	v3 =	vpop (erf);
	(erf) = vpow2.f32 v2  }
0x150: {  	v0 =	vmul.f32 v0, v3  }
0x151: {  	v2 =	vld [tilespmem:s11+$0x19020]  }
0x152: {  	[tilespmem:s11+$0x1B000] =	vst v0  }
0x153: {  	v0 =	vld.idx.msk [tilespmem:v1+s2+$0x0], $0xffff  }
0x154: {  	v1 =	vld [tilespmem:s11+$0x1A020];
	_ =	sdelay $0x1  }
0x155: {  	v2 =	vmul.f32 $1.442695020e+00, v2;
	_ =	sdelay $0x1  }
0x156: {  	v3 =	vpop (erf);
	(erf) = vpow2.f32 v2  }
0x157: {  	v0 =	vmul.f32 v0, v3  }
0x158: {  	v2 =	vld [tilespmem:s11+$0x19030]  }
0x159: {  	[tilespmem:s11+$0x1B010] =	vst v0  }
0x15a: {  	v0 =	vld.idx.msk [tilespmem:v1+s2+$0x0], $0xffff  }
0x15b: {  	v1 =	vld [tilespmem:s11+$0x1A030];
	_ =	sdelay $0x1  }
0x15c: {  	v2 =	vmul.f32 $1.442695020e+00, v2;
	_ =	sdelay $0x1  }
0x15d: {  	v3 =	vpop (erf);
	(erf) = vpow2.f32 v2  }
0x15e: {  	v0 =	vmul.f32 v0, v3  }
0x15f: {  	v2 =	vld [tilespmem:s11+$0x19040]  }
0x160: {  	[tilespmem:s11+$0x1B020] =	vst v0  }
0x161: {  	v1 =	vld.idx.msk [tilespmem:v1+s2+$0x0], $0xffff  }
0x162: {  	v0 =	vld [tilespmem:s11+$0x1A040]  }
.Ltmp7:
0x163: {  	(pc) =	sbr.rel @p2 .LBB2_4-.Ltmp7, $3  }
0x164: {  	v2 =	vmul.f32 $1.442695020e+00, v2;
	_ =	sdelay $0x1  }
0x165: {  	v3 =	vpop (erf);
	(erf) = vpow2.f32 v2  }
0x166: {  	s16 =	sshra.s32 s15, $0x2;
	s15 =	sadd.s32 $0x140, s15;
	v1 =	vmul.f32 v1, v3  }
0x167: {  	v2 =	vld [tilespmem:s16+$0x19000];
	_ =	sdelay $0x2  }
0x168: {  	[tilespmem:s11+$0x1B030] =	vst v1  }
0x169: {  	v0 =	vld.idx.msk [tilespmem:v0+s2+$0x0], $0xffff  }
0x16a: {  	v1 =	vld [tilespmem:s16+$0x1A000];
	v2 =	vmul.f32 $1.442695020e+00, v2;
	_ =	sdelay $0x3  }
0x16b: {  	(erf) = vpow2.f32 v2;
	v2 =	vpop (erf)  }
0x16c: {  	v0 =	vmul.f32 v0, v2  }
0x16d: {  	v2 =	vld [tilespmem:s16+$0x19010]  }
0x16e: {  	[tilespmem:s11+$0x1B040] =	vst v0  }
0x16f: {  	v0 =	vld.idx.msk [tilespmem:v1+s2+$0x0], $0xffff  }
0x170: {  	v1 =	vld [tilespmem:s16+$0x1A010];
	_ =	sdelay $0x1  }
0x171: {  	v2 =	vmul.f32 $1.442695020e+00, v2;
	_ =	sdelay $0x1  }
0x172: {  	v3 =	vpop (erf);
	(erf) = vpow2.f32 v2  }
0x173: {  	v0 =	vmul.f32 v0, v3  }
0x174: {  	v2 =	vld [tilespmem:s16+$0x19020]  }
0x175: {  	[tilespmem:s16+$0x1B000] =	vst v0  }
0x176: {  	v0 =	vld.idx.msk [tilespmem:v1+s2+$0x0], $0xffff  }
0x177: {  	v1 =	vld [tilespmem:s16+$0x1A020];
	_ =	sdelay $0x1  }
0x178: {  	v2 =	vmul.f32 $1.442695020e+00, v2;
	_ =	sdelay $0x1  }
0x179: {  	v3 =	vpop (erf);
	(erf) = vpow2.f32 v2  }
0x17a: {  	v0 =	vmul.f32 v0, v3  }
0x17b: {  	v2 =	vld [tilespmem:s16+$0x19030]  }
0x17c: {  	[tilespmem:s16+$0x1B010] =	vst v0  }
0x17d: {  	v0 =	vld.idx.msk [tilespmem:v1+s2+$0x0], $0xffff  }
0x17e: {  	v1 =	vld [tilespmem:s16+$0x1A030];
	_ =	sdelay $0x1  }
0x17f: {  	v2 =	vmul.f32 $1.442695020e+00, v2;
	_ =	sdelay $0x1  }
0x180: {  	(erf) = vpow2.f32 v2;
	v2 =	vld [tilespmem:s16+$0x19040];
	v3 =	vpop (erf)  }
0x181: {  	v0 =	vmul.f32 v0, v3;
	_ =	sdelay $0x1  }
0x182: {  	[tilespmem:s16+$0x1B020] =	vst v0  }
0x183: {  	v0 =	vld.idx.msk [tilespmem:v1+s2+$0x0], $0xffff  }
0x184: {  	v2 =	vmul.f32 $1.442695020e+00, v2;
	v1 =	vld [tilespmem:s16+$0x1A040];
	_ =	sdelay $0x2  }
0x185: {  	(erf) = vpow2.f32 v2  }
0x186: {  	v2 =	vpop (erf)  }
0x187: {  	v0 =	vmul.f32 v0, v2;
	_ =	sdelay $0x1  }
0x188: {  	[tilespmem:s16+$0x1B030] =	vst v0  }
0x189: {  	v0 =	vld.idx.msk [tilespmem:v1+s2+$0x0], $0xffff;
	_ =	sdelay $0x3  }
0x18a: {  	v1 =	vpop (erf)  }
0x18b: {  	v0 =	vmul.f32 v0, v1  }
0x18c: {  	s10 =	sshrl.u32 s10, $0x3  }
0x18d: {  	p2 =	seq.s32 s3, $0x17;
	s10 =	sadd.s32 s1, s10;
	[tilespmem:s16+$0x1B040] =	vst v0  }
0x18e: {  	[hbm4b:s10+s2] =	stream.linear.scatter [tilespmem:s25], [sflag:$0x5], $0x7D0, $0x38;
	[tilespmem:$0x1C000] =	vst v63  }
0x18f: {  	s10 =	sadd.s32 @!p2 s20, s14  }
0x190: {  	s10 =	sshrl.u32 @!p2 s10, $0x3  }
0x191: {  	s15 =	simm.s32 @!p2 $0x0;
	s16 =	simm.s32 @!p2 $0x19000;
	s11 =	sadd.s32 @!p2 s4, s10  }
0x192: {  	[tilespmem:s16], [sflag:$0x1] =	stream.linear.gather @!p2 [hbm4b:s11+s15], $0x7D0, $0x38;
	[tilespmem:$0x1C000] =	vst v63  }
0x193: {  	s10 =	sadd.s32 @!p2 s6, s10;
	s11 =	simm.s32 @!p2 $0x1A000  }
0x194: {  	[tilespmem:s11], [sflag:$0x3] =	stream.linear.gather @!p2 [hbm4b:s10+s15], $0x7D0, $0x38;
	[tilespmem:$0x1C000] =	vst v63  }
0x195: {  	_ =	swait.ge [sflag:s26], $0x7D0  }
0x196: {  	[sflag:s26] =	ssyncset.done $0x0  }
0x197: {  	[sflag:s26] =	ssyncadd.s32 $0xFFFFF830  }
0x198: {  	_ =	swait.ge [sflag:s28], $0x7D0  }
0x199: {  	[sflag:s28] =	ssyncset.done $0x0  }
0x19a: {  	s10 =	simm.s32 @!p1 $0x6;
	[sflag:s28] =	ssyncadd.s32 $0xFFFFF830  }
0x19b: {  	_ =	swait.ge @!p1 [sflag:s10], $0x7D0  }
0x19c: {  	[sflag:s10] =	ssyncset.done @!p1 $0x0  }
0x19d: {  	[sflag:s10] =	ssyncadd.s32 @!p1 $0xFFFFF830;
	s10 =	simm.s32 $0x0  }
0x19e: {  	v0 =	vld [tilespmem:s10+$0x19800];
	_ =	sdelay $0x3  }
0x19f: {  	v1 =	vld [tilespmem:s10+$0x1A800]  }
0x1a0: {  	v0 =	vmul.f32 $1.442695020e+00, v0;
	_ =	sdelay $0x1  }
0x1a1: {  	(erf) = vpow2.f32 v0;
	_ =	sdelay $0x1  }
0x1a2: {  	v0 =	vld [tilespmem:s10+$0x19810];
	_ =	sdelay $0x1  }
0x1a3: {  	v2 =	vld [tilespmem:s10+$0x1A810]  }
0x1a4: {  	v1 =	vld.idx.msk [tilespmem:v1+s2+$0x0], $0xffff;
	_ =	sdelay $0x1  }
0x1a5: {  	v0 =	vmul.f32 $1.442695020e+00, v0;
	_ =	sdelay $0x1  }
0x1a6: {  	v3 =	vpop (erf);
	(erf) = vpow2.f32 v0  }
0x1a7: {  	v0 =	vmul.f32 v1, v3  }
0x1a8: {  	v1 =	vld [tilespmem:s10+$0x19820]  }
0x1a9: {  	[tilespmem:s10+$0x1B800] =	vst v0  }
0x1aa: {  	v0 =	vld.idx.msk [tilespmem:v2+s2+$0x0], $0xffff  }
0x1ab: {  	v2 =	vld [tilespmem:s10+$0x1A820];
	_ =	sdelay $0x1  }
0x1ac: {  	v1 =	vmul.f32 $1.442695020e+00, v1;
	_ =	sdelay $0x1  }
0x1ad: {  	(erf) = vpow2.f32 v1;
	v1 =	vld [tilespmem:s10+$0x19830];
	v3 =	vpop (erf)  }
0x1ae: {  	v0 =	vmul.f32 v0, v3;
	_ =	sdelay $0x1  }
0x1af: {  	[tilespmem:s10+$0x1B810] =	vst v0  }
0x1b0: {  	v0 =	vld.idx.msk [tilespmem:v2+s2+$0x0], $0xffff  }
0x1b1: {  	v2 =	vld [tilespmem:s10+$0x1A830];
	v1 =	vmul.f32 $1.442695020e+00, v1;
	_ =	sdelay $0x2  }
0x1b2: {  	(erf) = vpow2.f32 v1  }
0x1b3: {  	v1 =	vpop (erf)  }
0x1b4: {  	v0 =	vmul.f32 v0, v1;
	v1 =	vld [tilespmem:s10+$0x19840];
	_ =	sdelay $0x1  }
0x1b5: {  	[tilespmem:s10+$0x1B820] =	vst v0;
	v0 =	vld [tilespmem:s10+$0x1A840]  }
0x1b6: {  	v2 =	vld.idx.msk [tilespmem:v2+s2+$0x0], $0xffff;
	_ =	sdelay $0x1  }
0x1b7: {  	v1 =	vmul.f32 $1.442695020e+00, v1;
	_ =	sdelay $0x1  }
0x1b8: {  	v3 =	vpop (erf);
	(erf) = vpow2.f32 v1  }
0x1b9: {  	s15 =	simm.s32 $0x50;
	s11 =	simm.s32 $0x280;
	v1 =	vmul.f32 v2, v3  }
.LBB2_6:
0x1ba: {  	p1 =	sne.s32 s11, $0x1E00;
	v2 =	vld [tilespmem:s15+$0x19800]  }
0x1bb: {  	[tilespmem:s10+$0x1B830] =	vst v1  }
0x1bc: {  	v0 =	vld.idx.msk [tilespmem:v0+s2+$0x0], $0xffff  }
0x1bd: {  	v1 =	vld [tilespmem:s15+$0x1A800];
	_ =	sdelay $0x1  }
0x1be: {  	v3 =	vmul.f32 $1.442695020e+00, v2;
	_ =	sdelay $0x1  }
0x1bf: {  	(erf) = vpow2.f32 v3;
	v2 =	vpop (erf)  }
0x1c0: {  	v0 =	vmul.f32 v0, v2  }
0x1c1: {  	v2 =	vld [tilespmem:s15+$0x19810]  }
0x1c2: {  	[tilespmem:s10+$0x1B840] =	vst v0;
	s10 =	smov.u32 s15  }
0x1c3: {  	v0 =	vld.idx.msk [tilespmem:v1+s2+$0x0], $0xffff  }
0x1c4: {  	v1 =	vld [tilespmem:s10+$0x1A810];
	_ =	sdelay $0x1  }
0x1c5: {  	v2 =	vmul.f32 $1.442695020e+00, v2;
	_ =	sdelay $0x1  }
0x1c6: {  	v3 =	vpop (erf);
	(erf) = vpow2.f32 v2  }
0x1c7: {  	v0 =	vmul.f32 v0, v3  }
0x1c8: {  	v2 =	vld [tilespmem:s10+$0x19820]  }
0x1c9: {  	[tilespmem:s10+$0x1B800] =	vst v0  }
0x1ca: {  	v0 =	vld.idx.msk [tilespmem:v1+s2+$0x0], $0xffff  }
0x1cb: {  	v1 =	vld [tilespmem:s10+$0x1A820];
	_ =	sdelay $0x1  }
0x1cc: {  	v2 =	vmul.f32 $1.442695020e+00, v2;
	_ =	sdelay $0x1  }
0x1cd: {  	v3 =	vpop (erf);
	(erf) = vpow2.f32 v2  }
0x1ce: {  	v0 =	vmul.f32 v0, v3  }
0x1cf: {  	v2 =	vld [tilespmem:s10+$0x19830]  }
0x1d0: {  	[tilespmem:s10+$0x1B810] =	vst v0  }
0x1d1: {  	v0 =	vld.idx.msk [tilespmem:v1+s2+$0x0], $0xffff  }
0x1d2: {  	v1 =	vld [tilespmem:s10+$0x1A830];
	_ =	sdelay $0x1  }
0x1d3: {  	v2 =	vmul.f32 $1.442695020e+00, v2;
	_ =	sdelay $0x1  }
0x1d4: {  	v3 =	vpop (erf);
	(erf) = vpow2.f32 v2  }
0x1d5: {  	v0 =	vmul.f32 v0, v3  }
0x1d6: {  	v2 =	vld [tilespmem:s10+$0x19840]  }
0x1d7: {  	[tilespmem:s10+$0x1B820] =	vst v0  }
0x1d8: {  	v1 =	vld.idx.msk [tilespmem:v1+s2+$0x0], $0xffff  }
0x1d9: {  	v0 =	vld [tilespmem:s10+$0x1A840]  }
.Ltmp8:
0x1da: {  	(pc) =	sbr.rel @p1 .LBB2_6-.Ltmp8, $3  }
0x1db: {  	v2 =	vmul.f32 $1.442695020e+00, v2;
	_ =	sdelay $0x1  }
0x1dc: {  	v3 =	vpop (erf);
	(erf) = vpow2.f32 v2  }
0x1dd: {  	s15 =	sshra.s32 s11, $0x2;
	s11 =	sadd.s32 $0x140, s11;
	v1 =	vmul.f32 v1, v3  }
0x1de: {  	v2 =	vld [tilespmem:s15+$0x19800];
	_ =	sdelay $0x2  }
0x1df: {  	[tilespmem:s10+$0x1B830] =	vst v1  }
0x1e0: {  	v0 =	vld.idx.msk [tilespmem:v0+s2+$0x0], $0xffff  }
0x1e1: {  	v1 =	vld [tilespmem:s15+$0x1A800];
	v2 =	vmul.f32 $1.442695020e+00, v2;
	_ =	sdelay $0x1  }
0x1e2: {  	(erf) = vpow2.f32 v2;
	_ =	sdelay $0x1  }
0x1e3: {  	v52 =	vld [tilespmem:s15+$0x19810];
	v51 =	vpop (erf)  }
0x1e4: {  	v0 =	vmul.f32 v0, v51;
	_ =	sdelay $0x1  }
0x1e5: {  	[tilespmem:s10+$0x1B840] =	vst v0  }
0x1e6: {  	v0 =	vld.idx.msk [tilespmem:v1+s2+$0x0], $0xffff  }
0x1e7: {  	v2 =	vmul.f32 $1.442695020e+00, v52;
	v53 =	vld [tilespmem:s15+$0x1A810];
	_ =	sdelay $0x1  }
0x1e8: {  	v3 =	vpop (erf);
	(erf) = vpow2.f32 v2;
	_ =	sdelay $0x1  }
0x1e9: {  	v54 =	vld [tilespmem:s15+$0x19820]  }
0x1ea: {  	v0 =	vmul.f32 v0, v3;
	_ =	sdelay $0x1  }
0x1eb: {  	v55 =	vld [tilespmem:s15+$0x1A820];
	[tilespmem:s15+$0x1B800] =	vst v0  }
0x1ec: {  	v0 =	vld.idx.msk [tilespmem:v53+s2+$0x0], $0xffff  }
0x1ed: {  	v2 =	vmul.f32 $1.442695020e+00, v54;
	_ =	sdelay $0x1  }
0x1ee: {  	v56 =	vpop (erf);
	(erf) = vpow2.f32 v2  }
0x1ef: {  	v57 =	vld [tilespmem:s15+$0x19830]  }
0x1f0: {  	v0 =	vmul.f32 v0, v56;
	_ =	sdelay $0x1  }
0x1f1: {  	v58 =	vld [tilespmem:s15+$0x1A830];
	[tilespmem:s15+$0x1B810] =	vst v0  }
0x1f2: {  	v0 =	vld.idx.msk [tilespmem:v55+s2+$0x0], $0xffff  }
0x1f3: {  	v2 =	vmul.f32 $1.442695020e+00, v57;
	_ =	sdelay $0x1  }
0x1f4: {  	(erf) = vpow2.f32 v2  }
0x1f5: {  	v60 =	vld [tilespmem:s15+$0x19840];
	v59 =	vpop (erf)  }
0x1f6: {  	v0 =	vmul.f32 v0, v59;
	_ =	sdelay $0x1  }
0x1f7: {  	v61 =	vld [tilespmem:s15+$0x1A840];
	[tilespmem:s15+$0x1B820] =	vst v0  }
0x1f8: {  	v0 =	vld.idx.msk [tilespmem:v58+s2+$0x0], $0xffff  }
0x1f9: {  	v2 =	vmul.f32 $1.442695020e+00, v60;
	_ =	sdelay $0x1  }
0x1fa: {  	(erf) = vpow2.f32 v2  }
0x1fb: {  	v62 =	vpop (erf)  }
0x1fc: {  	v0 =	vmul.f32 v0, v62;
	_ =	sdelay $0x1  }
0x1fd: {  	[tilespmem:s15+$0x1B830] =	vst v0  }
0x1fe: {  	v0 =	vld.idx.msk [tilespmem:v61+s2+$0x0], $0xffff;
	_ =	sdelay $0x1  }
0x1ff: {  	s3 =	sadd.s32 $0x1, s3  }
0x200: {  	p1 =	seq.s32 s3, $0x18  }
.Ltmp9:
0x201: {  	v63 =	vpop (erf);
	(pc) =	sbr.rel @!p1 .LBB2_3-.Ltmp9, $4  }
.Ltmp10:
0x202: {  	v0 =	vmul.f32 v0, v63;
	(pc) =	sbr.rel @p1 .LBB2_14-.Ltmp10, $4  }
0x203: {  	_ = 	snop  }
0x204: {  	s20 =	sadd.s32 s1, s19;
	[tilespmem:s15+$0x1B840] =	vst v0  }
0x205: {  	[hbm4b:s20+s2] =	stream.linear.scatter [tilespmem:s29], [sflag:$0x6], $0x7D0, $0x38;
	[tilespmem:$0x1C000] =	vst v63  }
0x206: {  	_ = 	snop  }
.LBB2_15:
0x207: {  	_ =	sfence.sel $0x180000  }
0x208: {  	[bflag:$0x0] =	sbarrier.arrive $0xFFFF  }
0x209: {  	_ =	strace $0x9000004D  }
0x20a: {  	s0 =	stileid.u32;
	[bflag:$0x2] =	sbarrier.arrive $0xFFFF  }
0x20b: {  	p0 =	sne.s32 s0, $0x0;
	s0 =	rddreg [dreg:$0x2]  }
0x20c: {  	s0 =	sadd.s32 @!p0 $0x100000, s0  }
0x20d: {  	[sflag:s0] =	ssyncadd.tile.s32 @!p0 $0x1;
	_ =	shalt  }
.Lfunc_end2:
_tile_overlayer_lowered:
.L_overlay_start_2:
0x20e: {  	(tag) =	ssettag $0x2  }
0x20f: {  	s0 =	rddreg [dreg:$0x0];
	s2 =	stileid.u32  }
0x210: {  	s1 =	rddreg [dreg:$0x1];
	p0 =	sne.s32 s2, $0x0  }
0x211: {  	s3 =	rddreg [dreg:$0x2];
	[bflag:$0x3] =	sbarrier.arrive $0xFFFF;
	s2 =	simm.s32 @!p0 $0x1C07  }
0x212: {  	[timem:s3], [sflag:s2] =	dma.local @!p0 [hbm:s0], s1  }
0x213: {  	s0 =	simm.s32 @!p0 $0x7  }
0x214: {  	_ =	swait.ge @!p0 [sflag:s0], s1  }
0x215: {  	s1 =	ssub.s32 @!p0 $0x0, s1;
	[sflag:s0] =	ssyncset.done @!p0 $0x0  }
0x216: {  	[sflag:s0] =	ssyncadd.s32 @!p0 s1  }
0x217: {  	[bflag:$0x3] =	sbarrier.arrive $0xFFFF  }
0x218: {  	_ =	shalt  }

// kernel: kernel.8.cloned.1.call-start
scs
__scs_entry_jumppad:
0x0: {  	(pc) =	sbr.rel $0x88, $3  }
0x1: {  	(tag) =	ssettag $0x0;
	lr =	simm.s32 $0x1  }
0x2: {  	[smem:$0x3F9E] =	sst lr;
	_ =	strace $0xD0000000  }
0x3: {  	_ = 	snop  }
0x4: {  	_ = 	snop  }
0x5: {  	_ = 	snop  }
0x6: {  	_ = 	snop  }
0x7: {  	_ = 	snop  }
__scs_overlays_trampoline_lowered:
0x8: {  	[smem:$0x3FAD] =	sst s0  }
0x9: {  	[smem:$0x3FAE] =	sst s1  }
0xa: {  	[smem:$0x3FAF] =	sst s2  }
0xb: {  	[smem:$0x3FB0] =	sst s3  }
0xc: {  	[smem:$0x3FB1] =	sst s4  }
0xd: {  	[smem:$0x3FB2] =	sst s5  }
0xe: {  	[smem:$0x3FB3] =	sst s6  }
0xf: {  	[smem:$0x3FB4] =	sst s7  }
0x10: {  	[smem:$0x3FB5] =	sst s8  }
0x11: {  	[smem:$0x3FB6] =	sst s9;
	s0 =	simm.s32 @!p0 $0x0  }
0x12: {  	s1 =	sld [smem:$0x3F9C];
	s0 =	simm.s32 @p0 $0x1  }
0x13: {  	[smem:$0x3FB7] =	sst s0;
	s0 =	simm.s32 @!p1 $0x0  }
0x14: {  	s2 =	sld [smem:$0x3F9B];
	s0 =	simm.s32 @p1 $0x1  }
0x15: {  	[smem:$0x3FB8] =	sst s0;
	s0 =	simm.s32 @!p2 $0x0  }
0x16: {  	s3 =	sld [smem:$0x3FDB];
	s0 =	simm.s32 @p2 $0x1  }
0x17: {  	s4 =	simm.s32 $0x1BF5;
	[smem:$0x3FBA] =	sst s0  }
0x18: {  	s0 =	sld [smem:$0x3F9D];
	_ =	swait.ge [sflag:s4], $0x0  }
0x19: {  	s7 =	sld [smem:$0x3F9E]  }
0x1a: {  	s8 =	sadd.s32 $0xFFFFE003, lr  }
0x1b: {  	s9 =	sadd.s32 $0xFFFFFEF7, lr;
	s5 =	simm.s32 $0xFFFFFFFF;
	p2 =	slt.u32 s8, $0xFFFFF086  }
0x1c: {  	p1 =	slt.u32 s9, $0xF7A;
	s5 =	simm.s32 @!p2 $0x0  }
0x1d: {  	s5 =	simm.s32 @p1 $0x1;
	p0 =	seq.s32 s7, s2  }
0x1e: {  	s7 =	smul.u32 @!p0 $0xF7A, s2;
	p2 =	seq.s32 @!p0 s5, $0x0  }
0x1f: {  	s9 =	smul.u32 $0xF7A, s1;
	s8 =	simm.s32 @!p0 $0x1BF5;
	p2 =	por !p2, p0  }
0x20: {  	[sflag:s8] =	ssyncset.s32 @!p0 $0xFFFFF086;
	s6 =	sadd.s32 @!p0 s3, s7;
	s7 =	simm.s32 @!p0 $0x108  }
0x21: {  	s3 =	sadd.s32 s3, s9;
	s6 =	sadd.s32 @!p0 $0x88, s6;
	s7 =	simm.s32 @p2 $0x1082  }
0x22: {  	[simem:s7], [sflag:s8] =	dma.local @!p0 [hbm:s6], $0xF7A  }
0x23: {  	s9 =	sor.u32 $0xD0000000, s2;
	s6 =	simm.s32 $0x108;
	_ =	swait.ge @!p0 [sflag:s8], $0x0  }
0x24: {  	s3 =	sadd.s32 $0x88, s3;
	s6 =	simm.s32 @!p1 $0x1082;
	[sflag:s4] =	ssyncset.s32 $0xFFFFF086  }
0x25: {  	[simem:s6], [sflag:s4] =	dma.local [hbm:s3], $0xF7A  }
0x26: {  	[smem:$0x3F9E] =	sst s1;
	(tag) =	ssettag s2;
	_ =	strace s9  }
0x27: {  	s1 =	sld [smem:$0x3FAE]  }
0x28: {  	s2 =	sld [smem:$0x3FAF]  }
0x29: {  	s4 =	sld [smem:$0x3FB1]  }
0x2a: {  	p0 =	seq.s32 s5, $0x0;
	s5 =	sld [smem:$0x3FB2]  }
0x2b: {  	s6 =	sld [smem:$0x3FB3]  }
0x2c: {  	s7 =	sld [smem:$0x3FB4]  }
0x2d: {  	s3 =	simm.s32 $0x108;
	s8 =	sld [smem:$0x3FB5]  }
0x2e: {  	s3 =	simm.s32 @!p0 $0x1082;
	s9 =	sld [smem:$0x3FB6]  }
0x2f: {  	lr =	sadd.s32 s0, s3;
	s0 =	sld [smem:$0x3FAD]  }
0x30: {  	s3 =	sld [smem:$0x3FB0]  }
0x31: {  	[smem:$0x3FB9] =	sst s10  }
0x32: {  	s10 =	sld [smem:$0x3FB7];
	_ =	sdelay $0x3  }
0x33: {  	p0 =	seq.s32 s10, $0x1;
	s10 =	sld [smem:$0x3FB9];
	_ =	sdelay $0x3  }
0x34: {  	[smem:$0x3FB9] =	sst s10  }
0x35: {  	s10 =	sld [smem:$0x3FB8];
	_ =	sdelay $0x3  }
0x36: {  	p1 =	seq.s32 s10, $0x1;
	s10 =	sld [smem:$0x3FB9];
	_ =	sdelay $0x3  }
0x37: {  	[smem:$0x3FB9] =	sst s10  }
0x38: {  	s10 =	sld [smem:$0x3FBA]  }
0x39: {  	_ = 	snop;
	(pc) =	sbr.ind lr, $3  }
0x3a: {  	_ = 	snop  }
0x3b: {  	_ = 	snop  }
0x3c: {  	p2 =	seq.s32 s10, $0x1;
	s10 =	sld [smem:$0x3FB9]  }
0x3d: {  	_ =	shalt  }
0x3e: {  	_ =	shalt  }
0x3f: {  	_ =	shalt  }
0x40: {  	_ =	shalt  }
0x41: {  	_ =	shalt  }
0x42: {  	_ =	shalt  }
0x43: {  	_ =	shalt  }
0x44: {  	_ =	shalt  }
0x45: {  	_ =	shalt  }
0x46: {  	_ =	shalt  }
0x47: {  	_ =	shalt  }
0x48: {  	_ =	shalt  }
0x49: {  	_ =	shalt  }
0x4a: {  	_ =	shalt  }
0x4b: {  	_ =	shalt  }
0x4c: {  	_ =	shalt  }
0x4d: {  	_ =	shalt  }
0x4e: {  	_ =	shalt  }
0x4f: {  	_ =	shalt  }
0x50: {  	_ =	shalt  }
0x51: {  	_ =	shalt  }
0x52: {  	_ =	shalt  }
0x53: {  	_ =	shalt  }
0x54: {  	_ =	shalt  }
0x55: {  	_ =	shalt  }
0x56: {  	_ =	shalt  }
0x57: {  	_ =	shalt  }
0x58: {  	_ =	shalt  }
0x59: {  	_ =	shalt  }
0x5a: {  	_ =	shalt  }
0x5b: {  	_ =	shalt  }
0x5c: {  	_ =	shalt  }
0x5d: {  	_ =	shalt  }
0x5e: {  	_ =	shalt  }
0x5f: {  	_ =	shalt  }
0x60: {  	_ =	shalt  }
0x61: {  	_ =	shalt  }
0x62: {  	_ =	shalt  }
0x63: {  	_ =	shalt  }
0x64: {  	_ =	shalt  }
0x65: {  	_ =	shalt  }
0x66: {  	_ =	shalt  }
0x67: {  	_ =	shalt  }
0x68: {  	_ =	shalt  }
0x69: {  	_ =	shalt  }
0x6a: {  	_ =	shalt  }
0x6b: {  	_ =	shalt  }
0x6c: {  	_ =	shalt  }
0x6d: {  	_ =	shalt  }
0x6e: {  	_ =	shalt  }
0x6f: {  	_ =	shalt  }
0x70: {  	_ =	shalt  }
0x71: {  	_ =	shalt  }
0x72: {  	_ =	shalt  }
0x73: {  	_ =	shalt  }
0x74: {  	_ =	shalt  }
0x75: {  	_ =	shalt  }
0x76: {  	_ =	shalt  }
0x77: {  	_ =	shalt  }
0x78: {  	_ =	shalt  }
0x79: {  	_ =	shalt  }
0x7a: {  	_ =	shalt  }
0x7b: {  	_ =	shalt  }
0x7c: {  	_ =	shalt  }
0x7d: {  	_ =	shalt  }
0x7e: {  	_ =	shalt  }
0x7f: {  	_ =	shalt  }
0x80: {  	_ =	shalt  }
0x81: {  	_ =	shalt  }
0x82: {  	_ =	shalt  }
0x83: {  	_ =	shalt  }
0x84: {  	_ =	shalt  }
0x85: {  	_ =	shalt  }
0x86: {  	_ =	shalt  }
0x87: {  	_ =	shalt  }
.Lfunc_end0:
.L_simem_size_0:
called_computation_lowered:
.L_overlay_start_0:
0x88: {  	s2 =	sld [smem:$0x3FD9]  }
0x89: {  	s3 =	sld [smem:$0x3FFE];
	_ =	sdelay $0x1  }
0x8a: {  	s1 =	srdreg.scid  }
0x8b: {  	s0 =	sand.u32 $0x1, s1  }
0x8c: {  	s17 =	sshll.u32 s0, $0xA;
	s2 =	sadd.s32 s3, s2  }
0x8d: {  	s2 =	sadd.s32 s2, s17  }
0x8e: {  	[smem:$0x3FC5] =	sst s2  }
0x8f: {  	_ = 	snop  }
0x90: {  	(tm) =	ssettm $0x1  }
0x91: {  	s18 =	sld [smem:$0x3FFB];
	_ =	sdelay $0x3  }
0x92: {  	_ =	strace s18  }
0x93: {  	s2 =	sld [smem:$0x3FFC];
	_ =	sdelay $0x3  }
0x94: {  	_ =	strace s2  }
0x95: {  	s2 =	sld [smem:$0x3FFD];
	_ =	sdelay $0x3  }
0x96: {  	_ =	strace s2  }
0x97: {  	_ =	strace $0x8FFFFFFF  }
0x98: {  	s19 =	sld [smem:$0x3FDB];
	_ =	sdelay $0x1  }
0x99: {  	s20 =	simm.s32 $_scs_section_size  }
0x9a: {  	s4 =	simm.s32 $_size__tile_overlayer_lowered;
	s5 =	simm.s32 $_tile_overlayer_lowered  }
0x9b: {  	s6 =	simm.s32 $0x1BFF;
	s21 =	sshll.u32 s5, $0x1;
	s3 =	sadd.s32 s20, s19  }
0x9c: {  	s22 =	simm.s32 $0x0;
	s4 =	sshll.u32 s4, $0x1;
	s5 =	sadd.s32 s21, s3  }
0x9d: {  	[timem:s22], [sflag:s6] =	dma.local [hbm:s5], s4  }
0x9e: {  	_ =	swait.ge [sflag:s6], s4  }
0x9f: {  	s4 =	ssub.s32 $0x0, s4;
	[sflag:s6] =	ssyncset.done $0x0  }
0xa0: {  	[sflag:s6] =	ssyncadd.s32 s4;
	_ =	sdelay $0x1  }
0xa1: {  	s23 =	simm.s32 $0x1B8B  }
0xa2: {  	_ =	swait.ge [sflag:s23], $0x1  }
0xa3: {  	[sflag:s23] =	ssyncset.done $0x0  }
0xa4: {  	[sflag:s23] =	ssyncadd.s32 $0xFFFFFFFF  }
0xa5: {  	s4 =	sld [smem:$0x0]  }
0xa6: {  	s5 =	sand.u32 $0xFFFFFFFE, s1  }
0xa7: {  	p0 =	sne.s32 s1, s5  }
0xa8: {  	s5 =	sshll.u32 @p0 s5, $0xE  }
0xa9: {  	s5 =	sadd.s32 @p0 $0x11B8D, s5;
	s6 =	sshll.u32 @p0 s4, $0x11  }
0xaa: {  	s5 =	sor.u32 @p0 s6, s5  }
0xab: {  	[sflag:s5] =	ssyncadd.remote.s32 @p0 $0x1;
	_ =	sdelay $0x1  }
0xac: {  	s5 =	simm.s32 @p0 $0x1B8D  }
0xad: {  	_ =	swait.eq @p0 [sflag:s5], $0x1  }
0xae: {  	[sflag:s5] =	ssyncadd.s32 @p0 $0xFFFFFFFF  }
0xaf: {  	s6 =	sshll.u32 @!p0 s1, $0xE  }
0xb0: {  	s6 =	sor.u32 @!p0 $0x4000, s6;
	s5 =	simm.s32 @!p0 $0x1B8D  }
0xb1: {  	s4 =	sshll.u32 @!p0 s4, $0x11;
	s6 =	sadd.s32 @!p0 $0x11B8D, s6;
	_ =	swait.eq @!p0 [sflag:s5], $0x1  }
0xb2: {  	s4 =	sor.u32 @!p0 s4, s6;
	[sflag:s5] =	ssyncadd.s32 @!p0 $0xFFFFFFFF  }
0xb3: {  	s25 =	simm.s32 $0x1B8E;
	s24 =	sld [smem:$0x3FFE];
	[sflag:s4] =	ssyncadd.remote.s32 @!p0 $0x1  }
0xb4: {  	s26 =	simm.s32 $execute0_lowered;
	[smem:$0x3FD2] =	sst s25  }
0xb5: {  	s5 =	sshll.u32 s26, $0x1;
	_ =	strace $0x80000049;
	[dreg:$0x1] =	wrdreg $0xFFFFFFFF  }
0xb6: {  	s28 =	simm.s32 $_size_execute0_lowered;
	s3 =	sadd.s32 s3, s5;
	[dreg:$0x0] =	wrdreg $0x0  }
0xb7: {  	s5 =	sshll.u32 s28, $0x1;
	[dreg:$0x2] =	wrdreg s3  }
0xb8: {  	[dreg:$0x3] =	wrdreg s5  }
0xb9: {  	[dreg:$0x4] =	wrdreg $0xC0  }
0xba: {  	_ =	task [dreg:s22], $0x5FFFF  }
0xbb: {  	[dreg:$0x1] =	wrdreg $0xFFFFFFFF  }
0xbc: {  	[dreg:$0x0] =	wrdreg $0x60  }
0xbd: {  	[dreg:$0x2] =	wrdreg s24  }
0xbe: {  	[dreg:$0x3] =	wrdreg $0x9  }
0xbf: {  	_ =	task.clear_ibuf [dreg:s22], $0x4FFFF;
	_ =	strace $0x90000049  }
0xc0: {  	s29 =	simm.s32 $0x9;
	_ =	strace $0x8000004B  }
0xc1: {  	_ =	swait.ge [sflag:s29], $0x1  }
0xc2: {  	[sflag:s29] =	ssyncadd.s32 $0xFFFFFFFF  }
0xc3: {  	_ =	strace $0x9000004B  }
0xc4: {  	_ =	sfence  }
0xc5: {  	s30 =	sld [smem:$0x0];
	_ =	sdelay $0x2  }
0xc6: {  	s31 =	sshll.u32 s1, $0xD;
	s1 =	sshrl.u32 s1, $0x2  }
0xc7: {  	s4 =	sand.u32 $0x4000, s31;
	s1 =	sadd.s32 s1, s30  }
0xc8: {  	s0 =	sor.u32 s4, s0;
	s1 =	sshll.u32 s1, $0x11  }
0xc9: {  	s0 =	sor.u32 s1, s0  }
0xca: {  	s0 =	sadd.s32 $0x8F2B, s0  }
0xcb: {  	[sflag:s0] =	ssyncadd.remote.s32 $0x1  }
0xcc: {  	_ =	sfence.sel $0xFFFF  }
0xcd: {  	[dreg:$0x0] =	wrdreg $0xFFFFFFFF;
	(pc) =	sbr.abs _section_cstart, $3  }
0xce: {  	[dreg:$0x1] =	wrdreg $0xFFFFFFFF  }
0xcf: {  	_ =	task.clear_ibuf [dreg:s22], $0x2FFFF;
	_ =	strace $0x9FFFFFFF  }
0xd0: {  	(tm) =	ssettm $0x7FFFFFFF  }
0xd1: {  	_ =	shalt  }
tec
execute0_lowered:
.L_overlay_start_1:
0x0: {  	(tag) =	ssettag $0x1  }
0x1: {  	s0 =	srdreg.scid;
	s5 =	rddreg [dreg:$0x0];
	s2 =	simm.s32 $0x0  }
0x2: {  	s12 =	simm.s32 $0x1A000;
	s13 =	simm.s32 $0x19800;
	s14 =	simm.s32 $0x1A800  }
0x3: {  	s15 =	simm.s32 $0x1;
	s16 =	simm.s32 $0x3;
	s17 =	simm.s32 $0x2  }
0x4: {  	s18 =	simm.s32 $0x4;
	s19 =	simm.s32 $0x80;
	s20 =	simm.s32 $0x400  }
0x5: {  	s21 =	simm.s32 $0x5;
	s22 =	simm.s32 $0x0;
	s4 =	sand.u32 $0x1, s0  }
0x6: {  	s0 =	stileid.u32;
	[smem:$0x7FF] =	sst s2;
	s1 =	sshll.u32 s4, $0x4  }
0x7: {  	s8 =	sshll.u32 s0, $0x7;
	s28 =	ssub.s32 $0x2, s4;
	s6 =	sor.u32 s0, s1  }
0x8: {  	s4 =	sadd.s32 $0x1400, s5;
	s3 =	sshrl.u32 s6, $0x3;
	s9 =	smul.u32 $0xBB80, s6  }
0x9: {  	s1 =	rddreg [dreg:$0x1];
	s30 =	sshrl.u32 s28, $0x1;
	s7 =	smul.u32 $0xC8000, s3  }
0xa: {  	_ =	strace $0x8000004A;
	s8 =	sand.u32 $0x380, s8;
	s11 =	ssub.s32 s28, s30  }
0xb: {  	s3 =	sadd.s32 $0xF9E00, s5;
	s31 =	sshrl.u32 s9, $0x3;
	s7 =	sor.u32 s8, s7  }
0xc: {  	s6 =	sadd.s32 s4, s31;
	s8 =	sadd.s32 $0xFA0, s9;
	s29 =	sshrl.u32 s7, $0x3  }
0xd: {  	s7 =	sadd.s32 $0x7D0, s9;
	s10 =	sadd.s32 s29, s5;
	s5 =	sadd.s32 s3, s31  }
0xe: {  	v0 =	vimm.f32 $0.0e+00;
	s9 =	sadd.s32 $0x128C00, s10;
	s10 =	smax.u32 s11, $0x1;
	s11 =	simm.s32 $0x19000  }
.LBB2_1:
0xf: {  	[tilespmem:s11], [sflag:$0x1] =	stream.linear.gather [hbm4b:s5+s2], $0x7D0, $0x38;
	[tilespmem:$0x1B000] =	vst v63  }
0x10: {  	s24 =	simm.s32 $0x0;
	s23 =	simm.s32 $0x200  }
0x11: {  	[tilespmem:s12], [sflag:$0x3] =	stream.linear.gather [hbm4b:s6+s2], $0x7D0, $0x38;
	[tilespmem:$0x1B000] =	vst v63  }
.LBB2_2:
0x12: {  	p0 =	sne.s32 s23, $0x63E00;
	[tilespmem:s24+$0x70] =	vst v0  }
0x13: {  	[tilespmem:s24+$0x0] =	vst v0  }
0x14: {  	[tilespmem:s24+$0x10] =	vst v0  }
.Ltmp0:
0x15: {  	[tilespmem:s24+$0x20] =	vst v0;
	(pc) =	sbr.rel @p0 .LBB2_2-.Ltmp0, $4  }
0x16: {  	[tilespmem:s24+$0x30] =	vst v0  }
0x17: {  	[tilespmem:s24+$0x40] =	vst v0  }
0x18: {  	[tilespmem:s24+$0x50] =	vst v0  }
0x19: {  	[tilespmem:s24+$0x60] =	vst v0;
	s24 =	sshra.s32 s23, $0x2;
	s23 =	sadd.s32 $0x200, s23  }
0x1a: {  	[tilespmem:s24+$0x70] =	vst v0  }
0x1b: {  	[tilespmem:s24+$0x0] =	vst v0  }
0x1c: {  	[tilespmem:s24+$0x10] =	vst v0  }
0x1d: {  	[tilespmem:s24+$0x20] =	vst v0  }
0x1e: {  	[tilespmem:s24+$0x30] =	vst v0  }
0x1f: {  	[tilespmem:s24+$0x40] =	vst v0  }
0x20: {  	[tilespmem:s24+$0x50] =	vst v0  }
0x21: {  	s23 =	simm.s32 $0x0;
	[tilespmem:s24+$0x60] =	vst v0;
	s24 =	simm.s32 $0x0  }
.LBB2_4:
0x22: {  	s25 =	smul.u32 $0xFA0, s24;
	_ =	sdelay $0x1  }
0x23: {  	s26 =	sadd.s32 s25, s7  }
0x24: {  	s26 =	sshrl.u32 s26, $0x3  }
0x25: {  	s28 =	sadd.s32 s3, s26  }
0x26: {  	[tilespmem:s13], [sflag:$0x2] =	stream.linear.gather [hbm4b:s28+s23], $0x7D0, $0x38;
	[tilespmem:$0x1B000] =	vst v63  }
0x27: {  	s26 =	sadd.s32 s4, s26  }
0x28: {  	[tilespmem:s14], [sflag:$0x4] =	stream.linear.gather [hbm4b:s26+s23], $0x7D0, $0x38;
	[tilespmem:$0x1B000] =	vst v63  }
0x29: {  	_ =	swait.ge [sflag:s15], $0x7D0  }
0x2a: {  	[sflag:s15] =	ssyncset.done $0x0  }
0x2b: {  	[sflag:s15] =	ssyncadd.s32 $0xFFFFF830  }
0x2c: {  	_ =	swait.ge [sflag:s16], $0x7D0  }
0x2d: {  	[sflag:s16] =	ssyncset.done $0x0  }
0x2e: {  	s28 =	simm.s32 $0x140;
	s26 =	simm.s32 $0x0;
	[sflag:s16] =	ssyncadd.s32 $0xFFFFF830  }
.LBB2_5:
0x2f: {  	p0 =	sne.s32 s28, $0x1E00;
	v1 =	vld [tilespmem:s26+$0x19000]  }
0x30: {  	v2 =	vld [tilespmem:s26+$0x1A000];
	_ =	sdelay $0x3  }
0x31: {  	v1 =	vmul.f32 $1.442695020e+00, v1;
	_ =	sdelay $0x1  }
0x32: {  	(erf) = vpow2.f32 v1;
	_ =	sdelay $0x8  }
0x33: {  	v1 =	vpop (erf)  }
0x34: {  	[tilespmem:v2+s2+$0x0] =	vst.idx.add.f32.msk $0xffff, v1  }
0x35: {  	v1 =	vld [tilespmem:s26+$0x19010];
	_ =	sdelay $0x4  }
0x36: {  	v1 =	vmul.f32 $1.442695020e+00, v1;
	_ =	sdelay $0x1  }
0x37: {  	(erf) = vpow2.f32 v1;
	_ =	sdelay $0x1  }
0x38: {  	v1 =	vld [tilespmem:s26+$0x1A010];
	_ =	sdelay $0x6  }
0x39: {  	v2 =	vpop (erf)  }
0x3a: {  	[tilespmem:v1+s2+$0x0] =	vst.idx.add.f32.msk $0xffff, v2  }
0x3b: {  	v1 =	vld [tilespmem:s26+$0x19020];
	_ =	sdelay $0x4  }
0x3c: {  	v1 =	vmul.f32 $1.442695020e+00, v1;
	_ =	sdelay $0x1  }
0x3d: {  	(erf) = vpow2.f32 v1;
	_ =	sdelay $0x1  }
0x3e: {  	v1 =	vld [tilespmem:s26+$0x1A020];
	_ =	sdelay $0x6  }
0x3f: {  	v2 =	vpop (erf)  }
0x40: {  	[tilespmem:v1+s2+$0x0] =	vst.idx.add.f32.msk $0xffff, v2  }
0x41: {  	v1 =	vld [tilespmem:s26+$0x19030];
	_ =	sdelay $0x4  }
0x42: {  	v1 =	vmul.f32 $1.442695020e+00, v1;
	_ =	sdelay $0x1  }
0x43: {  	(erf) = vpow2.f32 v1;
	_ =	sdelay $0x1  }
0x44: {  	v1 =	vld [tilespmem:s26+$0x1A030];
	_ =	sdelay $0x6  }
0x45: {  	v2 =	vpop (erf)  }
0x46: {  	[tilespmem:v1+s2+$0x0] =	vst.idx.add.f32.msk $0xffff, v2  }
0x47: {  	v1 =	vld [tilespmem:s26+$0x19040]  }
0x48: {  	v2 =	vld [tilespmem:s26+$0x1A040];
	_ =	sdelay $0x3  }
0x49: {  	v1 =	vmul.f32 $1.442695020e+00, v1;
	_ =	sdelay $0x1  }
0x4a: {  	(erf) = vpow2.f32 v1;
	_ =	sdelay $0x5  }
.Ltmp1:
0x4b: {  	(pc) =	sbr.rel @p0 .LBB2_5-.Ltmp1, $3  }
0x4c: {  	_ =	sdelay $0x1  }
0x4d: {  	v1 =	vpop (erf)  }
0x4e: {  	s26 =	sshra.s32 s28, $0x2;
	s28 =	sadd.s32 $0x140, s28;
	[tilespmem:v2+s2+$0x0] =	vst.idx.add.f32.msk $0xffff, v1  }
0x4f: {  	v1 =	vld [tilespmem:s26+$0x19000];
	_ =	sdelay $0x4  }
0x50: {  	v1 =	vmul.f32 $1.442695020e+00, v1;
	_ =	sdelay $0x1  }
0x51: {  	(erf) = vpow2.f32 v1;
	_ =	sdelay $0x1  }
0x52: {  	v1 =	vld [tilespmem:s26+$0x1A000];
	_ =	sdelay $0x6  }
0x53: {  	v2 =	vpop (erf)  }
0x54: {  	[tilespmem:v1+s2+$0x0] =	vst.idx.add.f32.msk $0xffff, v2  }
0x55: {  	v1 =	vld [tilespmem:s26+$0x19010];
	_ =	sdelay $0x4  }
0x56: {  	v1 =	vmul.f32 $1.442695020e+00, v1;
	_ =	sdelay $0x1  }
0x57: {  	(erf) = vpow2.f32 v1;
	_ =	sdelay $0x1  }
0x58: {  	v1 =	vld [tilespmem:s26+$0x1A010];
	_ =	sdelay $0x6  }
0x59: {  	v2 =	vpop (erf)  }
0x5a: {  	[tilespmem:v1+s2+$0x0] =	vst.idx.add.f32.msk $0xffff, v2  }
0x5b: {  	v1 =	vld [tilespmem:s26+$0x19020];
	_ =	sdelay $0x4  }
0x5c: {  	v1 =	vmul.f32 $1.442695020e+00, v1;
	_ =	sdelay $0x1  }
0x5d: {  	(erf) = vpow2.f32 v1;
	_ =	sdelay $0x1  }
0x5e: {  	v1 =	vld [tilespmem:s26+$0x1A020];
	_ =	sdelay $0x6  }
0x5f: {  	v2 =	vpop (erf)  }
0x60: {  	[tilespmem:v1+s2+$0x0] =	vst.idx.add.f32.msk $0xffff, v2  }
0x61: {  	v1 =	vld [tilespmem:s26+$0x19030];
	_ =	sdelay $0x4  }
0x62: {  	v1 =	vmul.f32 $1.442695020e+00, v1;
	_ =	sdelay $0x1  }
0x63: {  	(erf) = vpow2.f32 v1;
	_ =	sdelay $0x1  }
0x64: {  	v1 =	vld [tilespmem:s26+$0x1A030];
	_ =	sdelay $0x6  }
0x65: {  	v2 =	vpop (erf)  }
0x66: {  	[tilespmem:v1+s2+$0x0] =	vst.idx.add.f32.msk $0xffff, v2  }
0x67: {  	v1 =	vld [tilespmem:s26+$0x19040];
	_ =	sdelay $0x4  }
0x68: {  	v1 =	vmul.f32 $1.442695020e+00, v1;
	_ =	sdelay $0x1  }
0x69: {  	(erf) = vpow2.f32 v1;
	_ =	sdelay $0x1  }
0x6a: {  	v1 =	vld [tilespmem:s26+$0x1A040];
	_ =	sdelay $0x4  }
0x6b: {  	p0 =	seq.s32 s24, $0xB  }
0x6c: {  	s25 =	sadd.s32 @!p0 s25, s8  }
0x6d: {  	s25 =	sshrl.u32 @!p0 s25, $0x3;
	v2 =	vpop (erf)  }
0x6e: {  	s28 =	simm.s32 @!p0 $0x0;
	s29 =	simm.s32 @!p0 $0x19000;
	s26 =	sadd.s32 @!p0 s3, s25;
	[tilespmem:v1+s2+$0x0] =	vst.idx.add.f32.msk $0xffff, v2  }
0x6f: {  	[tilespmem:s29], [sflag:$0x1] =	stream.linear.gather @!p0 [hbm4b:s26+s28], $0x7D0, $0x38;
	[tilespmem:$0x1B000] =	vst v63  }
0x70: {  	s25 =	sadd.s32 @!p0 s4, s25;
	s26 =	simm.s32 @!p0 $0x1A000  }
0x71: {  	[tilespmem:s26], [sflag:$0x3] =	stream.linear.gather @!p0 [hbm4b:s25+s28], $0x7D0, $0x38;
	[tilespmem:$0x1B000] =	vst v63  }
0x72: {  	_ =	swait.ge [sflag:s17], $0x7D0  }
0x73: {  	[sflag:s17] =	ssyncset.done $0x0  }
0x74: {  	[sflag:s17] =	ssyncadd.s32 $0xFFFFF830  }
0x75: {  	_ =	swait.ge [sflag:s18], $0x7D0  }
0x76: {  	[sflag:s18] =	ssyncset.done $0x0  }
0x77: {  	s25 =	simm.s32 $0x0;
	s26 =	simm.s32 $0x140;
	[sflag:s18] =	ssyncadd.s32 $0xFFFFF830  }
.LBB2_7:
0x78: {  	p0 =	sne.s32 s26, $0x1E00;
	v1 =	vld [tilespmem:s25+$0x19800]  }
0x79: {  	v2 =	vld [tilespmem:s25+$0x1A800];
	_ =	sdelay $0x3  }
0x7a: {  	v1 =	vmul.f32 $1.442695020e+00, v1;
	_ =	sdelay $0x1  }
0x7b: {  	(erf) = vpow2.f32 v1;
	_ =	sdelay $0x8  }
0x7c: {  	v1 =	vpop (erf)  }
0x7d: {  	[tilespmem:v2+s2+$0x0] =	vst.idx.add.f32.msk $0xffff, v1  }
0x7e: {  	v1 =	vld [tilespmem:s25+$0x19810];
	_ =	sdelay $0x4  }
0x7f: {  	v1 =	vmul.f32 $1.442695020e+00, v1;
	_ =	sdelay $0x1  }
0x80: {  	(erf) = vpow2.f32 v1;
	_ =	sdelay $0x1  }
0x81: {  	v1 =	vld [tilespmem:s25+$0x1A810];
	_ =	sdelay $0x6  }
0x82: {  	v2 =	vpop (erf)  }
0x83: {  	[tilespmem:v1+s2+$0x0] =	vst.idx.add.f32.msk $0xffff, v2  }
0x84: {  	v1 =	vld [tilespmem:s25+$0x19820];
	_ =	sdelay $0x4  }
0x85: {  	v1 =	vmul.f32 $1.442695020e+00, v1;
	_ =	sdelay $0x1  }
0x86: {  	(erf) = vpow2.f32 v1;
	_ =	sdelay $0x1  }
0x87: {  	v1 =	vld [tilespmem:s25+$0x1A820];
	_ =	sdelay $0x6  }
0x88: {  	v2 =	vpop (erf)  }
0x89: {  	[tilespmem:v1+s2+$0x0] =	vst.idx.add.f32.msk $0xffff, v2  }
0x8a: {  	v1 =	vld [tilespmem:s25+$0x19830];
	_ =	sdelay $0x4  }
0x8b: {  	v1 =	vmul.f32 $1.442695020e+00, v1;
	_ =	sdelay $0x1  }
0x8c: {  	(erf) = vpow2.f32 v1;
	_ =	sdelay $0x1  }
0x8d: {  	v1 =	vld [tilespmem:s25+$0x1A830];
	_ =	sdelay $0x6  }
0x8e: {  	v2 =	vpop (erf)  }
0x8f: {  	[tilespmem:v1+s2+$0x0] =	vst.idx.add.f32.msk $0xffff, v2  }
0x90: {  	v1 =	vld [tilespmem:s25+$0x19840]  }
0x91: {  	v2 =	vld [tilespmem:s25+$0x1A840];
	_ =	sdelay $0x3  }
0x92: {  	v1 =	vmul.f32 $1.442695020e+00, v1;
	_ =	sdelay $0x1  }
0x93: {  	(erf) = vpow2.f32 v1;
	_ =	sdelay $0x5  }
.Ltmp2:
0x94: {  	(pc) =	sbr.rel @p0 .LBB2_7-.Ltmp2, $3  }
0x95: {  	_ =	sdelay $0x1  }
0x96: {  	v1 =	vpop (erf)  }
0x97: {  	s25 =	sshra.s32 s26, $0x2;
	s26 =	sadd.s32 $0x140, s26;
	[tilespmem:v2+s2+$0x0] =	vst.idx.add.f32.msk $0xffff, v1  }
0x98: {  	v1 =	vld [tilespmem:s25+$0x19800];
	_ =	sdelay $0x4  }
0x99: {  	v1 =	vmul.f32 $1.442695020e+00, v1;
	_ =	sdelay $0x1  }
0x9a: {  	(erf) = vpow2.f32 v1;
	_ =	sdelay $0x1  }
0x9b: {  	v1 =	vld [tilespmem:s25+$0x1A800];
	_ =	sdelay $0x6  }
0x9c: {  	v2 =	vpop (erf)  }
0x9d: {  	[tilespmem:v1+s2+$0x0] =	vst.idx.add.f32.msk $0xffff, v2  }
0x9e: {  	v1 =	vld [tilespmem:s25+$0x19810];
	_ =	sdelay $0x4  }
0x9f: {  	v1 =	vmul.f32 $1.442695020e+00, v1;
	_ =	sdelay $0x1  }
0xa0: {  	(erf) = vpow2.f32 v1;
	_ =	sdelay $0x1  }
0xa1: {  	v1 =	vld [tilespmem:s25+$0x1A810];
	_ =	sdelay $0x6  }
0xa2: {  	v2 =	vpop (erf)  }
0xa3: {  	[tilespmem:v1+s2+$0x0] =	vst.idx.add.f32.msk $0xffff, v2  }
0xa4: {  	v1 =	vld [tilespmem:s25+$0x19820];
	_ =	sdelay $0x4  }
0xa5: {  	v1 =	vmul.f32 $1.442695020e+00, v1;
	_ =	sdelay $0x1  }
0xa6: {  	(erf) = vpow2.f32 v1;
	_ =	sdelay $0x1  }
0xa7: {  	v1 =	vld [tilespmem:s25+$0x1A820];
	_ =	sdelay $0x6  }
0xa8: {  	v2 =	vpop (erf)  }
0xa9: {  	[tilespmem:v1+s2+$0x0] =	vst.idx.add.f32.msk $0xffff, v2  }
0xaa: {  	v1 =	vld [tilespmem:s25+$0x19830];
	_ =	sdelay $0x4  }
0xab: {  	v1 =	vmul.f32 $1.442695020e+00, v1;
	_ =	sdelay $0x1  }
0xac: {  	(erf) = vpow2.f32 v1;
	_ =	sdelay $0x1  }
0xad: {  	v1 =	vld [tilespmem:s25+$0x1A830];
	_ =	sdelay $0x6  }
0xae: {  	v2 =	vpop (erf)  }
0xaf: {  	[tilespmem:v1+s2+$0x0] =	vst.idx.add.f32.msk $0xffff, v2  }
0xb0: {  	v1 =	vld [tilespmem:s25+$0x19840];
	_ =	sdelay $0x4  }
0xb1: {  	v1 =	vmul.f32 $1.442695020e+00, v1;
	_ =	sdelay $0x1  }
0xb2: {  	(erf) = vpow2.f32 v1;
	_ =	sdelay $0x1  }
0xb3: {  	v1 =	vld [tilespmem:s25+$0x1A840];
	_ =	sdelay $0x1  }
0xb4: {  	s24 =	sadd.s32 $0x1, s24  }
0xb5: {  	p0 =	sne.s32 s24, $0xC  }
.Ltmp3:
0xb6: {  	_ = 	snop;
	(pc) =	sbr.rel @p0 .LBB2_4-.Ltmp3, $3  }
0xb7: {  	_ =	sdelay $0x1  }
0xb8: {  	v2 =	vpop (erf)  }
0xb9: {  	[tilespmem:v1+s2+$0x0] =	vst.idx.add.f32.msk $0xffff, v2  }
0xba: {  	s22 =	sadd.s32 $0x1, s22  }
0xbb: {  	p0 =	sne.s32 s22, s10  }
.Ltmp4:
0xbc: {  	_ = 	snop;
	(pc) =	sbr.rel @p0 .LBB2_1-.Ltmp4, $4  }
0xbd: {  	[hbm4b:s9+s19] =	stream.strided.scatter [tilespmem:s2], [sflag:$0x5], $0x19000, s20, s19, $0x38;
	[tilespmem:$0x1B000] =	vst v63  }
0xbe: {  	_ =	swait.ge [sflag:s21], $0x19000  }
0xbf: {  	[sflag:s21] =	ssyncset.done $0x0  }
0xc0: {  	[sflag:s21] =	ssyncadd.s32 $0xFFFE7000  }
0xc1: {  	_ =	sfence.sel $0x180000  }
0xc2: {  	[bflag:$0x0] =	sbarrier.arrive $0xFFFF  }
0xc3: {  	p0 =	sne.s32 s0, $0x0;
	_ =	strace $0x9000004A  }
0xc4: {  	s0 =	sadd.s32 @!p0 $0x100000, s1;
	[bflag:$0x2] =	sbarrier.arrive $0xFFFF  }
0xc5: {  	[sflag:s0] =	ssyncadd.tile.s32 @!p0 $0x1;
	_ =	shalt  }
.Lfunc_end2:
_tile_overlayer_lowered:
.L_overlay_start_2:
0xc6: {  	(tag) =	ssettag $0x2  }
0xc7: {  	s0 =	rddreg [dreg:$0x0];
	s2 =	stileid.u32  }
0xc8: {  	s1 =	rddreg [dreg:$0x1];
	p0 =	sne.s32 s2, $0x0  }
0xc9: {  	s3 =	rddreg [dreg:$0x2];
	[bflag:$0x3] =	sbarrier.arrive $0xFFFF;
	s2 =	simm.s32 @!p0 $0x1C05  }
0xca: {  	[timem:s3], [sflag:s2] =	dma.local @!p0 [hbm:s0], s1  }
0xcb: {  	s0 =	simm.s32 @!p0 $0x5  }
0xcc: {  	_ =	swait.ge @!p0 [sflag:s0], s1  }
0xcd: {  	s1 =	ssub.s32 @!p0 $0x0, s1;
	[sflag:s0] =	ssyncset.done @!p0 $0x0  }
0xce: {  	[sflag:s0] =	ssyncadd.s32 @!p0 s1  }
0xcf: {  	[bflag:$0x3] =	sbarrier.arrive $0xFFFF  }
0xd0: {  	_ =	shalt  }

</sc_bundles>
